<compile_context>
chip_gen: v7x
topology: tpu7x:2x2x1
jax: 0.10.2.dev20260603
libtpu: 0.0.44.dev20260713+nightly
codegen_flags: <defaults>
</compile_context>

<pallas_src>
import functools

import jax
import jax.numpy as jnp
from jax import lax
from jax.experimental import pallas as pl
from jax.experimental.pallas import tpu as pltpu
from jax.experimental.pallas import tpu_sc as plsc

VOCAB = 1000
NB, NT = 1024, 50
NTOK = NB * NT
NC, NS = 2, 16
NW = NC * NS
NPW = NTOK // NW


def _prep_body(table_ref, lse_ref):
    x = table_ref[...]
    m = jnp.max(x, axis=1, keepdims=True)
    s = jnp.sum(jnp.exp(x - m), axis=1, keepdims=True)
    lse_ref[...] = m + jnp.log(s)


def _prep(table):
    return pl.pallas_call(
        _prep_body,
        out_shape=jax.ShapeDtypeStruct((VOCAB, 1), jnp.float32),
    )(table)


_MESH = plsc.VectorSubcoreMesh(core_axis_name="c", subcore_axis_name="s")


@functools.partial(
    pl.kernel,
    mesh=_MESH,
    out_type=jax.ShapeDtypeStruct((NW, 16), jnp.float32),
    scratch_types=[
        pltpu.VMEM((NPW,), jnp.int32),
        pltpu.VMEM((NPW,), jnp.int32),
        pltpu.VMEM((NPW,), jnp.float32),
        pltpu.VMEM((1024,), jnp.float32),
        pltpu.VMEM((16,), jnp.float32),
        pltpu.SemaphoreType.DMA,
    ],
    compiler_params=pltpu.CompilerParams(use_tc_tiling_on_sc=False,
                                         needs_layout_passes=False),
)
def _sc_loss(tablef_hbm, packed_hbm, lse_hbm, part_hbm,
             packed_v, fidx_v, vals_v, lse_v, acc_v, sem):
    wid = lax.axis_index("s") * NC + lax.axis_index("c")
    base = wid * NPW
    pltpu.sync_copy(lse_hbm, lse_v)
    pltpu.sync_copy(packed_hbm.at[pl.ds(base, NPW)], packed_v)

    for i in range(NPW // 16):
        s = pl.ds(i * 16, 16)
        p = packed_v[s]
        fidx_v[s] = (lax.shift_right_logical(p, 10) * VOCAB
                     + lax.bitwise_and(p, 1023))

    descs = []
    for k in range(13):
        off = k * 128
        n = 128 if off + 128 <= NPW else NPW - off
        descs.append(pltpu.async_copy(
            tablef_hbm.at[fidx_v.at[pl.ds(off, n)]],
            vals_v.at[pl.ds(off, n)], sem))
    for d in descs:
        d.wait()

    acc = jnp.zeros((16,), jnp.float32)
    for i in range(NPW // 16):
        s = pl.ds(i * 16, 16)
        lses = plsc.load_gather(
            lse_v, [lax.shift_right_logical(packed_v[s], 10)])
        acc = acc + (lses - vals_v[s])
    acc_v[...] = acc
    pltpu.sync_copy(acc_v, part_hbm.at[wid])


TB = 2


def _gather_body(idx_ref, tbT_ref, out_ref):
    iota = lax.broadcasted_iota(jnp.int32, (VOCAB, NB), 0)
    for k in range(TB):
        idxr = idx_ref[k]
        oh = jnp.where(iota == idxr, 1.0, 0.0).astype(jnp.bfloat16)
        out_ref[k] = jax.lax.dot_general(
            tbT_ref[...], oh, (((1,), (0,)), ((), ())),
            preferred_element_type=jnp.float32)


def _mxu_gather(idxT3, tbT):
    return pl.pallas_call(
        _gather_body,
        grid=(NT // TB,),
        in_specs=[
            pl.BlockSpec((TB, 1, NB), lambda t: (t, 0, 0)),
            pl.BlockSpec((VOCAB, VOCAB), lambda t: (0, 0)),
        ],
        out_specs=pl.BlockSpec((TB, VOCAB, NB), lambda t: (t, 0, 0)),
        out_shape=jax.ShapeDtypeStruct((NT, VOCAB, NB), jnp.float32),
    )(idxT3, tbT)


def _loss_body(part_ref, out_ref):
    out_ref[...] = (jnp.sum(part_ref[...]) / NTOK).reshape(1, 1)


def _loss_reduce(partials):
    return pl.pallas_call(
        _loss_body,
        out_shape=jax.ShapeDtypeStruct((1, 1), jnp.float32),
    )(partials)


def kernel(idx, targets, table):
    idx32 = idx.astype(jnp.int32)
    packed = (idx32.reshape(-1) * 1024
              + targets.reshape(-1).astype(jnp.int32))
    table = table.astype(jnp.float32)
    idxT3 = idx32.T.reshape(NT, 1, NB)
    tbT = table.T.astype(jnp.bfloat16)

    lse = _prep(table)
    lse_pad = jnp.pad(lse.reshape(VOCAB), (0, 1024 - VOCAB))
    tablef = table.reshape(VOCAB * VOCAB)

    part = _sc_loss(tablef, packed, lse_pad)
    out = _mxu_gather(idxT3, tbT)
    logits = jnp.transpose(out, (2, 0, 1))
    loss = _loss_reduce(part)[0, 0]
    return (logits, loss)

# --- scband reference (transcript-rebuilt; emitter-appended) ---
"""Pipeline reference for scband-bigram-language-model-55765855371491 (READ-ONLY COPY).

The authoritative reference and input builder live on the scoring server;
editing this copy changes nothing except your own understanding.
"""

import jax, jax.numpy as jnp
import numpy as np

VOCAB = 1000
B, T = 1024, 50

def setup_inputs(seed: int = 0) -> dict:
    key = jax.random.key(seed)
    k1, k2, k3 = jax.random.split(key, 3)
    idx = jax.random.randint(k1, (B, T), 0, VOCAB, dtype=jnp.int64 if jax.config.jax_enable_x64 else jnp.int32)
    targets = jax.random.randint(k2, (B, T), 0, VOCAB, dtype=jnp.int64 if jax.config.jax_enable_x64 else jnp.int32)
    table = jax.random.normal(k3, (VOCAB, VOCAB), dtype=jnp.float32) * 0.02
    return {"idx": idx, "targets": targets, "table": table}

def reference(idx, targets, table):
    # Bigram LM: logits[b, t, :] = table[idx[b, t]]  (embedding lookup, dim == vocab)
    logits = jnp.take(table, idx, axis=0)  # (B, T, C)
    Bb, Tt, C = logits.shape
    flat_logits = logits.reshape(Bb * Tt, C)
    flat_targets = targets.reshape(Bb * Tt)
    log_probs = jax.nn.log_softmax(flat_logits, axis=-1)
    nll = -jnp.take_along_axis(log_probs, flat_targets[:, None], axis=1)[:, 0]
    loss = jnp.mean(nll)
    return (logits, loss)

if __name__ == "__main__":
    import jax
    _d = setup_inputs()
    print(jax.jit(kernel)(*tuple(_d.values())))

</pallas_src>

<mosaic_0001>
#map = affine_map<(d0, d1) -> (0)>
#map1 = affine_map<(d0, d1) -> (0, 0)>
module attributes {stable_mosaic.version = 14 : i64} {
  func.func @_sc_loss(%arg0: i32, %arg1: i32, %arg2: memref<1000000xf32, #tpu.memory_space<hbm>>, %arg3: memref<51200xi32, #tpu.memory_space<hbm>>, %arg4: memref<1024xf32, #tpu.memory_space<hbm>>, %arg5: memref<32x16xf32, #tpu.memory_space<hbm>>, %arg6: memref<1600xi32, #tpu.memory_space<vmem>>, %arg7: memref<1600xi32, #tpu.memory_space<vmem>>, %arg8: memref<1600xf32, #tpu.memory_space<vmem>>, %arg9: memref<1024xf32, #tpu.memory_space<vmem>>, %arg10: memref<16xf32, #tpu.memory_space<vmem>>, %arg11: memref<!tpu.dma_semaphore, #tpu.memory_space<semaphore_mem>>) attributes {dimension_semantics = [#tpu.dimension_semantics<core_parallel>, #tpu.dimension_semantics<subcore_parallel>], iteration_bounds = array<i64: 2, 16>, scalar_prefetch = 0 : i64, scratch_operands = 6 : i64, tpu.core_type = #tpu.core_type<sc_vector_subcore>, window_params = [{transform_indices = #map}, {transform_indices = #map}, {transform_indices = #map}, {transform_indices = #map1}]} {
    %mul3A = arith.constant 2 : i32
    %mul3A_0 = arith.muli %arg1, %mul3A : i32
    %add3A = arith.addi %mul3A_0, %arg0 : i32
    %mul3A_1 = arith.constant 1600 : i32
    %mul3A_2 = arith.muli %add3A, %mul3A_1 : i32
    "tpu.region"() ({
      %run_scoped3A = tpu.sem_alloc : memref<!tpu.dma_semaphore, #tpu.memory_space<semaphore_mem>>
      tpu.enqueue_dma source(%arg4 : memref<1024xf32, #tpu.memory_space<hbm>>) target(%arg9 : memref<1024xf32, #tpu.memory_space<vmem>>) target_semaphore(%run_scoped3A : memref<!tpu.dma_semaphore, #tpu.memory_space<semaphore_mem>>)
      tpu.wait_dma2 semaphore(%run_scoped3A : memref<!tpu.dma_semaphore, #tpu.memory_space<semaphore_mem>>) src(%arg4 : memref<1024xf32, #tpu.memory_space<hbm>>) dst(%arg9 : memref<1024xf32, #tpu.memory_space<vmem>>)
      tpu.yield
    }) : () -> ()
    "tpu.region"() ({
      %run_scoped3A = tpu.sem_alloc : memref<!tpu.dma_semaphore, #tpu.memory_space<semaphore_mem>>
      %dma_start3A_2554 = tpu.memref_slice %arg3[%mul3A_2] : memref<51200xi32, #tpu.memory_space<hbm>> -> memref<1600xi32, #tpu.memory_space<hbm>>
      %dma_start3A_2555 = tpu.memref_slice %arg3[%mul3A_2] : memref<51200xi32, #tpu.memory_space<hbm>> -> memref<1600xi32, #tpu.memory_space<hbm>>
      tpu.enqueue_dma source(%dma_start3A_2555 : memref<1600xi32, #tpu.memory_space<hbm>>) target(%arg6 : memref<1600xi32, #tpu.memory_space<vmem>>) target_semaphore(%run_scoped3A : memref<!tpu.dma_semaphore, #tpu.memory_space<semaphore_mem>>)
      %dma_wait3A_2556 = tpu.memref_slice %arg3[%mul3A_2] : memref<51200xi32, #tpu.memory_space<hbm>> -> memref<1600xi32, #tpu.memory_space<hbm>>
      %dma_wait3A_2557 = tpu.memref_slice %arg3[%mul3A_2] : memref<51200xi32, #tpu.memory_space<hbm>> -> memref<1600xi32, #tpu.memory_space<hbm>>
      tpu.wait_dma2 semaphore(%run_scoped3A : memref<!tpu.dma_semaphore, #tpu.memory_space<semaphore_mem>>) src(%dma_wait3A_2557 : memref<1600xi32, #tpu.memory_space<hbm>>) dst(%arg6 : memref<1600xi32, #tpu.memory_space<vmem>>)
      tpu.yield
    }) : () -> ()
    %get3A = arith.constant 0 : index
    %get3A_3 = tpu.vector_load %arg6[%get3A] {strides = array<i32>} : memref<1600xi32, #tpu.memory_space<vmem>>, vector<16xi32>,
    %shift_right_logical3A = arith.constant 10 : i32
    %shift_right_logical3A_4 = vector.broadcast %shift_right_logical3A : i32 to vector<16xi32>
    %shift_right_logical3A_5 = arith.shrui %get3A_3, %shift_right_logical3A_4 : vector<16xi32>
    %mul3A_6 = arith.constant 1000 : i32
    %mul3A_7 = vector.broadcast %mul3A_6 : i32 to vector<16xi32>
    %mul3A_8 = arith.muli %shift_right_logical3A_5, %mul3A_7 : vector<16xi32>
    %and3A = arith.constant 1023 : i32
    %and3A_9 = vector.broadcast %and3A : i32 to vector<16xi32>
    %and3A_10 = arith.andi %get3A_3, %and3A_9 : vector<16xi32>
    %add3A_11 = arith.addi %mul3A_8, %and3A_10 : vector<16xi32>
    %swap3A = arith.constant 0 : index
    %swap3A_12 = tpu.vector_load %arg7[%swap3A] {strides = array<i32>} : memref<1600xi32, #tpu.memory_space<vmem>>, vector<16xi32>,
    tpu.vector_store %arg7[%swap3A], %add3A_11 {strides = array<i32>} : memref<1600xi32, #tpu.memory_space<vmem>>, vector<16xi32>,
    %get3A_13 = arith.constant 16 : index
    %get3A_14 = tpu.vector_load %arg6[%get3A_13] {strides = array<i32>} : memref<1600xi32, #tpu.memory_space<vmem>>, vector<16xi32>,
    %shift_right_logical3A_15 = arith.constant 10 : i32
    %shift_right_logical3A_16 = vector.broadcast %shift_right_logical3A_15 : i32 to vector<16xi32>
    %shift_right_logical3A_17 = arith.shrui %get3A_14, %shift_right_logical3A_16 : vector<16xi32>
    %mul3A_18 = arith.constant 1000 : i32
    %mul3A_19 = vector.broadcast %mul3A_18 : i32 to vector<16xi32>
    %mul3A_20 = arith.muli %shift_right_logical3A_17, %mul3A_19 : vector<16xi32>
    %and3A_21 = arith.constant 1023 : i32
    %and3A_22 = vector.broadcast %and3A_21 : i32 to vector<16xi32>
    %and3A_23 = arith.andi %get3A_14, %and3A_22 : vector<16xi32>
    %add3A_24 = arith.addi %mul3A_20, %and3A_23 : vector<16xi32>
    %swap3A_25 = arith.constant 16 : index
    %swap3A_26 = tpu.vector_load %arg7[%swap3A_25] {strides = array<i32>} : memref<1600xi32, #tpu.memory_space<vmem>>, vector<16xi32>,
    tpu.vector_store %arg7[%swap3A_25], %add3A_24 {strides = array<i32>} : memref<1600xi32, #tpu.memory_space<vmem>>, vector<16xi32>,
    %get3A_27 = arith.constant 32 : index
    %get3A_28 = tpu.vector_load %arg6[%get3A_27] {strides = array<i32>} : memref<1600xi32, #tpu.memory_space<vmem>>, vector<16xi32>,
    %shift_right_logical3A_29 = arith.constant 10 : i32
    %shift_right_logical3A_30 = vector.broadcast %shift_right_logical3A_29 : i32 to vector<16xi32>
    %shift_right_logical3A_31 = arith.shrui %get3A_28, %shift_right_logical3A_30 : vector<16xi32>
    %mul3A_32 = arith.constant 1000 : i32
    %mul3A_33 = vector.broadcast %mul3A_32 : i32 to vector<16xi32>
    %mul3A_34 = arith.muli %shift_right_logical3A_31, %mul3A_33 : vector<16xi32>
    %and3A_35 = arith.constant 1023 : i32
    %and3A_36 = vector.broadcast %and3A_35 : i32 to vector<16xi32>
    %and3A_37 = arith.andi %get3A_28, %and3A_36 : vector<16xi32>
    %add3A_38 = arith.addi %mul3A_34, %and3A_37 : vector<16xi32>
    %swap3A_39 = arith.constant 32 : index
    %swap3A_40 = tpu.vector_load %arg7[%swap3A_39] {strides = array<i32>} : memref<1600xi32, #tpu.memory_space<vmem>>, vector<16xi32>,
    tpu.vector_store %arg7[%swap3A_39], %add3A_38 {strides = array<i32>} : memref<1600xi32, #tpu.memory_space<vmem>>, vector<16xi32>,
    %get3A_41 = arith.constant 48 : index
    %get3A_42 = tpu.vector_load %arg6[%get3A_41] {strides = array<i32>} : memref<1600xi32, #tpu.memory_space<vmem>>, vector<16xi32>,
    %shift_right_logical3A_43 = arith.constant 10 : i32
    %shift_right_logical3A_44 = vector.broadcast %shift_right_logical3A_43 : i32 to vector<16xi32>
    %shift_right_logical3A_45 = arith.shrui %get3A_42, %shift_right_logical3A_44 : vector<16xi32>
    %mul3A_46 = arith.constant 1000 : i32
    %mul3A_47 = vector.broadcast %mul3A_46 : i32 to vector<16xi32>
    %mul3A_48 = arith.muli %shift_right_logical3A_45, %mul3A_47 : vector<16xi32>
    %and3A_49 = arith.constant 1023 : i32
    %and3A_50 = vector.broadcast %and3A_49 : i32 to vector<16xi32>
    %and3A_51 = arith.andi %get3A_42, %and3A_50 : vector<16xi32>
    %add3A_52 = arith.addi %mul3A_48, %and3A_51 : vector<16xi32>
    %swap3A_53 = arith.constant 48 : index
    %swap3A_54 = tpu.vector_load %arg7[%swap3A_53] {strides = array<i32>} : memref<1600xi32, #tpu.memory_space<vmem>>, vector<16xi32>,
    tpu.vector_store %arg7[%swap3A_53], %add3A_52 {strides = array<i32>} : memref<1600xi32, #tpu.memory_space<vmem>>, vector<16xi32>,
    %get3A_55 = arith.constant 64 : index
    %get3A_56 = tpu.vector_load %arg6[%get3A_55] {strides = array<i32>} : memref<1600xi32, #tpu.memory_space<vmem>>, vector<16xi32>,
    %shift_right_logical3A_57 = arith.constant 10 : i32
    %shift_right_logical3A_58 = vector.broadcast %shift_right_logical3A_57 : i32 to vector<16xi32>
    %shift_right_logical3A_59 = arith.shrui %get3A_56, %shift_right_logical3A_58 : vector<16xi32>
    %mul3A_60 = arith.constant 1000 : i32
    %mul3A_61 = vector.broadcast %mul3A_60 : i32 to vector<16xi32>
    %mul3A_62 = arith.muli %shift_right_logical3A_59, %mul3A_61 : vector<16xi32>
    %and3A_63 = arith.constant 1023 : i32
    %and3A_64 = vector.broadcast %and3A_63 : i32 to vector<16xi32>
    %and3A_65 = arith.andi %get3A_56, %and3A_64 : vector<16xi32>
    %add3A_66 = arith.addi %mul3A_62, %and3A_65 : vector<16xi32>
    %swap3A_67 = arith.constant 64 : index
    %swap3A_68 = tpu.vector_load %arg7[%swap3A_67] {strides = array<i32>} : memref<1600xi32, #tpu.memory_space<vmem>>, vector<16xi32>,
    tpu.vector_store %arg7[%swap3A_67], %add3A_66 {strides = array<i32>} : memref<1600xi32, #tpu.memory_space<vmem>>, vector<16xi32>,
    %get3A_69 = arith.constant 80 : index
    %get3A_70 = tpu.vector_load %arg6[%get3A_69] {strides = array<i32>} : memref<1600xi32, #tpu.memory_space<vmem>>, vector<16xi32>,
    %shift_right_logical3A_71 = arith.constant 10 : i32
    %shift_right_logical3A_72 = vector.broadcast %shift_right_logical3A_71 : i32 to vector<16xi32>
    %shift_right_logical3A_73 = arith.shrui %get3A_70, %shift_right_logical3A_72 : vector<16xi32>
    %mul3A_74 = arith.constant 1000 : i32
    %mul3A_75 = vector.broadcast %mul3A_74 : i32 to vector<16xi32>
    %mul3A_76 = arith.muli %shift_right_logical3A_73, %mul3A_75 : vector<16xi32>
    %and3A_77 = arith.constant 1023 : i32
    %and3A_78 = vector.broadcast %and3A_77 : i32 to vector<16xi32>
    %and3A_79 = arith.andi %get3A_70, %and3A_78 : vector<16xi32>
    %add3A_80 = arith.addi %mul3A_76, %and3A_79 : vector<16xi32>
    %swap3A_81 = arith.constant 80 : index
    %swap3A_82 = tpu.vector_load %arg7[%swap3A_81] {strides = array<i32>} : memref<1600xi32, #tpu.memory_space<vmem>>, vector<16xi32>,
    tpu.vector_store %arg7[%swap3A_81], %add3A_80 {strides = array<i32>} : memref<1600xi32, #tpu.memory_space<vmem>>, vector<16xi32>,
    %get3A_83 = arith.constant 96 : index
    %get3A_84 = tpu.vector_load %arg6[%get3A_83] {strides = array<i32>} : memref<1600xi32, #tpu.memory_space<vmem>>, vector<16xi32>,
    %shift_right_logical3A_85 = arith.constant 10 : i32
    %shift_right_logical3A_86 = vector.broadcast %shift_right_logical3A_85 : i32 to vector<16xi32>
    %shift_right_logical3A_87 = arith.shrui %get3A_84, %shift_right_logical3A_86 : vector<16xi32>
    %mul3A_88 = arith.constant 1000 : i32
    %mul3A_89 = vector.broadcast %mul3A_88 : i32 to vector<16xi32>
    %mul3A_90 = arith.muli %shift_right_logical3A_87, %mul3A_89 : vector<16xi32>
    %and3A_91 = arith.constant 1023 : i32
    %and3A_92 = vector.broadcast %and3A_91 : i32 to vector<16xi32>
    %and3A_93 = arith.andi %get3A_84, %and3A_92 : vector<16xi32>
    %add3A_94 = arith.addi %mul3A_90, %and3A_93 : vector<16xi32>
    %swap3A_95 = arith.constant 96 : index
    %swap3A_96 = tpu.vector_load %arg7[%swap3A_95] {strides = array<i32>} : memref<1600xi32, #tpu.memory_space<vmem>>, vector<16xi32>,
    tpu.vector_store %arg7[%swap3A_95], %add3A_94 {strides = array<i32>} : memref<1600xi32, #tpu.memory_space<vmem>>, vector<16xi32>,
    %get3A_97 = arith.constant 112 : index
    %get3A_98 = tpu.vector_load %arg6[%get3A_97] {strides = array<i32>} : memref<1600xi32, #tpu.memory_space<vmem>>, vector<16xi32>,
    %shift_right_logical3A_99 = arith.constant 10 : i32
    %shift_right_logical3A_100 = vector.broadcast %shift_right_logical3A_99 : i32 to vector<16xi32>
    %shift_right_logical3A_101 = arith.shrui %get3A_98, %shift_right_logical3A_100 : vector<16xi32>
    %mul3A_102 = arith.constant 1000 : i32
    %mul3A_103 = vector.broadcast %mul3A_102 : i32 to vector<16xi32>
    %mul3A_104 = arith.muli %shift_right_logical3A_101, %mul3A_103 : vector<16xi32>
    %and3A_105 = arith.constant 1023 : i32
    %and3A_106 = vector.broadcast %and3A_105 : i32 to vector<16xi32>
    %and3A_107 = arith.andi %get3A_98, %and3A_106 : vector<16xi32>
    %add3A_108 = arith.addi %mul3A_104, %and3A_107 : vector<16xi32>
    %swap3A_109 = arith.constant 112 : index
    %swap3A_110 = tpu.vector_load %arg7[%swap3A_109] {strides = array<i32>} : memref<1600xi32, #tpu.memory_space<vmem>>, vector<16xi32>,
    tpu.vector_store %arg7[%swap3A_109], %add3A_108 {strides = array<i32>} : memref<1600xi32, #tpu.memory_space<vmem>>, vector<16xi32>,
    %get3A_111 = arith.constant 128 : index
    %get3A_112 = tpu.vector_load %arg6[%get3A_111] {strides = array<i32>} : memref<1600xi32, #tpu.memory_space<vmem>>, vector<16xi32>,
    %shift_right_logical3A_113 = arith.constant 10 : i32
    %shift_right_logical3A_114 = vector.broadcast %shift_right_logical3A_113 : i32 to vector<16xi32>
    %shift_right_logical3A_115 = arith.shrui %get3A_112, %shift_right_logical3A_114 : vector<16xi32>
    %mul3A_116 = arith.constant 1000 : i32
    %mul3A_117 = vector.broadcast %mul3A_116 : i32 to vector<16xi32>
    %mul3A_118 = arith.muli %shift_right_logical3A_115, %mul3A_117 : vector<16xi32>
    %and3A_119 = arith.constant 1023 : i32
    %and3A_120 = vector.broadcast %and3A_119 : i32 to vector<16xi32>
    %and3A_121 = arith.andi %get3A_112, %and3A_120 : vector<16xi32>
    %add3A_122 = arith.addi %mul3A_118, %and3A_121 : vector<16xi32>
    %swap3A_123 = arith.constant 128 : index
    %swap3A_124 = tpu.vector_load %arg7[%swap3A_123] {strides = array<i32>} : memref<1600xi32, #tpu.memory_space<vmem>>, vector<16xi32>,
    tpu.vector_store %arg7[%swap3A_123], %add3A_122 {strides = array<i32>} : memref<1600xi32, #tpu.memory_space<vmem>>, vector<16xi32>,
    %get3A_125 = arith.constant 144 : index
    %get3A_126 = tpu.vector_load %arg6[%get3A_125] {strides = array<i32>} : memref<1600xi32, #tpu.memory_space<vmem>>, vector<16xi32>,
    %shift_right_logical3A_127 = arith.constant 10 : i32
    %shift_right_logical3A_128 = vector.broadcast %shift_right_logical3A_127 : i32 to vector<16xi32>
    %shift_right_logical3A_129 = arith.shrui %get3A_126, %shift_right_logical3A_128 : vector<16xi32>
    %mul3A_130 = arith.constant 1000 : i32
    %mul3A_131 = vector.broadcast %mul3A_130 : i32 to vector<16xi32>
    %mul3A_132 = arith.muli %shift_right_logical3A_129, %mul3A_131 : vector<16xi32>
    %and3A_133 = arith.constant 1023 : i32
    %and3A_134 = vector.broadcast %and3A_133 : i32 to vector<16xi32>
    %and3A_135 = arith.andi %get3A_126, %and3A_134 : vector<16xi32>
    %add3A_136 = arith.addi %mul3A_132, %and3A_135 : vector<16xi32>
    %swap3A_137 = arith.constant 144 : index
    %swap3A_138 = tpu.vector_load %arg7[%swap3A_137] {strides = array<i32>} : memref<1600xi32, #tpu.memory_space<vmem>>, vector<16xi32>,
    tpu.vector_store %arg7[%swap3A_137], %add3A_136 {strides = array<i32>} : memref<1600xi32, #tpu.memory_space<vmem>>, vector<16xi32>,
    %get3A_139 = arith.constant 160 : index
    %get3A_140 = tpu.vector_load %arg6[%get3A_139] {strides = array<i32>} : memref<1600xi32, #tpu.memory_space<vmem>>, vector<16xi32>,
    %shift_right_logical3A_141 = arith.constant 10 : i32
    %shift_right_logical3A_142 = vector.broadcast %shift_right_logical3A_141 : i32 to vector<16xi32>
    %shift_right_logical3A_143 = arith.shrui %get3A_140, %shift_right_logical3A_142 : vector<16xi32>
    %mul3A_144 = arith.constant 1000 : i32
    %mul3A_145 = vector.broadcast %mul3A_144 : i32 to vector<16xi32>
    %mul3A_146 = arith.muli %shift_right_logical3A_143, %mul3A_145 : vector<16xi32>
    %and3A_147 = arith.constant 1023 : i32
    %and3A_148 = vector.broadcast %and3A_147 : i32 to vector<16xi32>
    %and3A_149 = arith.andi %get3A_140, %and3A_148 : vector<16xi32>
    %add3A_150 = arith.addi %mul3A_146, %and3A_149 : vector<16xi32>
    %swap3A_151 = arith.constant 160 : index
    %swap3A_152 = tpu.vector_load %arg7[%swap3A_151] {strides = array<i32>} : memref<1600xi32, #tpu.memory_space<vmem>>, vector<16xi32>,
    tpu.vector_store %arg7[%swap3A_151], %add3A_150 {strides = array<i32>} : memref<1600xi32, #tpu.memory_space<vmem>>, vector<16xi32>,
    %get3A_153 = arith.constant 176 : index
    %get3A_154 = tpu.vector_load %arg6[%get3A_153] {strides = array<i32>} : memref<1600xi32, #tpu.memory_space<vmem>>, vector<16xi32>,
    %shift_right_logical3A_155 = arith.constant 10 : i32
    %shift_right_logical3A_156 = vector.broadcast %shift_right_logical3A_155 : i32 to vector<16xi32>
    %shift_right_logical3A_157 = arith.shrui %get3A_154, %shift_right_logical3A_156 : vector<16xi32>
    %mul3A_158 = arith.constant 1000 : i32
    %mul3A_159 = vector.broadcast %mul3A_158 : i32 to vector<16xi32>
    %mul3A_160 = arith.muli %shift_right_logical3A_157, %mul3A_159 : vector<16xi32>
    %and3A_161 = arith.constant 1023 : i32
    %and3A_162 = vector.broadcast %and3A_161 : i32 to vector<16xi32>
    %and3A_163 = arith.andi %get3A_154, %and3A_162 : vector<16xi32>
    %add3A_164 = arith.addi %mul3A_160, %and3A_163 : vector<16xi32>
    %swap3A_165 = arith.constant 176 : index
    %swap3A_166 = tpu.vector_load %arg7[%swap3A_165] {strides = array<i32>} : memref<1600xi32, #tpu.memory_space<vmem>>, vector<16xi32>,
    tpu.vector_store %arg7[%swap3A_165], %add3A_164 {strides = array<i32>} : memref<1600xi32, #tpu.memory_space<vmem>>, vector<16xi32>,
    %get3A_167 = arith.constant 192 : index
    %get3A_168 = tpu.vector_load %arg6[%get3A_167] {strides = array<i32>} : memref<1600xi32, #tpu.memory_space<vmem>>, vector<16xi32>,
    %shift_right_logical3A_169 = arith.constant 10 : i32
    %shift_right_logical3A_170 = vector.broadcast %shift_right_logical3A_169 : i32 to vector<16xi32>
    %shift_right_logical3A_171 = arith.shrui %get3A_168, %shift_right_logical3A_170 : vector<16xi32>
    %mul3A_172 = arith.constant 1000 : i32
    %mul3A_173 = vector.broadcast %mul3A_172 : i32 to vector<16xi32>
    %mul3A_174 = arith.muli %shift_right_logical3A_171, %mul3A_173 : vector<16xi32>
    %and3A_175 = arith.constant 1023 : i32
    %and3A_176 = vector.broadcast %and3A_175 : i32 to vector<16xi32>
    %and3A_177 = arith.andi %get3A_168, %and3A_176 : vector<16xi32>
    %add3A_178 = arith.addi %mul3A_174, %and3A_177 : vector<16xi32>
    %swap3A_179 = arith.constant 192 : index
    %swap3A_180 = tpu.vector_load %arg7[%swap3A_179] {strides = array<i32>} : memref<1600xi32, #tpu.memory_space<vmem>>, vector<16xi32>,
    tpu.vector_store %arg7[%swap3A_179], %add3A_178 {strides = array<i32>} : memref<1600xi32, #tpu.memory_space<vmem>>, vector<16xi32>,
    %get3A_181 = arith.constant 208 : index
    %get3A_182 = tpu.vector_load %arg6[%get3A_181] {strides = array<i32>} : memref<1600xi32, #tpu.memory_space<vmem>>, vector<16xi32>,
    %shift_right_logical3A_183 = arith.constant 10 : i32
    %shift_right_logical3A_184 = vector.broadcast %shift_right_logical3A_183 : i32 to vector<16xi32>
    %shift_right_logical3A_185 = arith.shrui %get3A_182, %shift_right_logical3A_184 : vector<16xi32>
    %mul3A_186 = arith.constant 1000 : i32
    %mul3A_187 = vector.broadcast %mul3A_186 : i32 to vector<16xi32>
    %mul3A_188 = arith.muli %shift_right_logical3A_185, %mul3A_187 : vector<16xi32>
    %and3A_189 = arith.constant 1023 : i32
    %and3A_190 = vector.broadcast %and3A_189 : i32 to vector<16xi32>
    %and3A_191 = arith.andi %get3A_182, %and3A_190 : vector<16xi32>
    %add3A_192 = arith.addi %mul3A_188, %and3A_191 : vector<16xi32>
    %swap3A_193 = arith.constant 208 : index
    %swap3A_194 = tpu.vector_load %arg7[%swap3A_193] {strides = array<i32>} : memref<1600xi32, #tpu.memory_space<vmem>>, vector<16xi32>,
    tpu.vector_store %arg7[%swap3A_193], %add3A_192 {strides = array<i32>} : memref<1600xi32, #tpu.memory_space<vmem>>, vector<16xi32>,
    %get3A_195 = arith.constant 224 : index
    %get3A_196 = tpu.vector_load %arg6[%get3A_195] {strides = array<i32>} : memref<1600xi32, #tpu.memory_space<vmem>>, vector<16xi32>,
    %shift_right_logical3A_197 = arith.constant 10 : i32
    %shift_right_logical3A_198 = vector.broadcast %shift_right_logical3A_197 : i32 to vector<16xi32>
    %shift_right_logical3A_199 = arith.shrui %get3A_196, %shift_right_logical3A_198 : vector<16xi32>
    %mul3A_200 = arith.constant 1000 : i32
    %mul3A_201 = vector.broadcast %mul3A_200 : i32 to vector<16xi32>
    %mul3A_202 = arith.muli %shift_right_logical3A_199, %mul3A_201 : vector<16xi32>
    %and3A_203 = arith.constant 1023 : i32
    %and3A_204 = vector.broadcast %and3A_203 : i32 to vector<16xi32>
    %and3A_205 = arith.andi %get3A_196, %and3A_204 : vector<16xi32>
    %add3A_206 = arith.addi %mul3A_202, %and3A_205 : vector<16xi32>
    %swap3A_207 = arith.constant 224 : index
    %swap3A_208 = tpu.vector_load %arg7[%swap3A_207] {strides = array<i32>} : memref<1600xi32, #tpu.memory_space<vmem>>, vector<16xi32>,
    tpu.vector_store %arg7[%swap3A_207], %add3A_206 {strides = array<i32>} : memref<1600xi32, #tpu.memory_space<vmem>>, vector<16xi32>,
    %get3A_209 = arith.constant 240 : index
    %get3A_210 = tpu.vector_load %arg6[%get3A_209] {strides = array<i32>} : memref<1600xi32, #tpu.memory_space<vmem>>, vector<16xi32>,
    %shift_right_logical3A_211 = arith.constant 10 : i32
    %shift_right_logical3A_212 = vector.broadcast %shift_right_logical3A_211 : i32 to vector<16xi32>
    %shift_right_logical3A_213 = arith.shrui %get3A_210, %shift_right_logical3A_212 : vector<16xi32>
    %mul3A_214 = arith.constant 1000 : i32
    %mul3A_215 = vector.broadcast %mul3A_214 : i32 to vector<16xi32>
    %mul3A_216 = arith.muli %shift_right_logical3A_213, %mul3A_215 : vector<16xi32>
    %and3A_217 = arith.constant 1023 : i32
    %and3A_218 = vector.broadcast %and3A_217 : i32 to vector<16xi32>
    %and3A_219 = arith.andi %get3A_210, %and3A_218 : vector<16xi32>
    %add3A_220 = arith.addi %mul3A_216, %and3A_219 : vector<16xi32>
    %swap3A_221 = arith.constant 240 : index
    %swap3A_222 = tpu.vector_load %arg7[%swap3A_221] {strides = array<i32>} : memref<1600xi32, #tpu.memory_space<vmem>>, vector<16xi32>,
    tpu.vector_store %arg7[%swap3A_221], %add3A_220 {strides = array<i32>} : memref<1600xi32, #tpu.memory_space<vmem>>, vector<16xi32>,
    %get3A_223 = arith.constant 256 : index
    %get3A_224 = tpu.vector_load %arg6[%get3A_223] {strides = array<i32>} : memref<1600xi32, #tpu.memory_space<vmem>>, vector<16xi32>,
    %shift_right_logical3A_225 = arith.constant 10 : i32
    %shift_right_logical3A_226 = vector.broadcast %shift_right_logical3A_225 : i32 to vector<16xi32>
    %shift_right_logical3A_227 = arith.shrui %get3A_224, %shift_right_logical3A_226 : vector<16xi32>
    %mul3A_228 = arith.constant 1000 : i32
    %mul3A_229 = vector.broadcast %mul3A_228 : i32 to vector<16xi32>
    %mul3A_230 = arith.muli %shift_right_logical3A_227, %mul3A_229 : vector<16xi32>
    %and3A_231 = arith.constant 1023 : i32
    %and3A_232 = vector.broadcast %and3A_231 : i32 to vector<16xi32>
    %and3A_233 = arith.andi %get3A_224, %and3A_232 : vector<16xi32>
    %add3A_234 = arith.addi %mul3A_230, %and3A_233 : vector<16xi32>
    %swap3A_235 = arith.constant 256 : index
    %swap3A_236 = tpu.vector_load %arg7[%swap3A_235] {strides = array<i32>} : memref<1600xi32, #tpu.memory_space<vmem>>, vector<16xi32>,
    tpu.vector_store %arg7[%swap3A_235], %add3A_234 {strides = array<i32>} : memref<1600xi32, #tpu.memory_space<vmem>>, vector<16xi32>,
    %get3A_237 = arith.constant 272 : index
    %get3A_238 = tpu.vector_load %arg6[%get3A_237] {strides = array<i32>} : memref<1600xi32, #tpu.memory_space<vmem>>, vector<16xi32>,
    %shift_right_logical3A_239 = arith.constant 10 : i32
    %shift_right_logical3A_240 = vector.broadcast %shift_right_logical3A_239 : i32 to vector<16xi32>
    %shift_right_logical3A_241 = arith.shrui %get3A_238, %shift_right_logical3A_240 : vector<16xi32>
    %mul3A_242 = arith.constant 1000 : i32
    %mul3A_243 = vector.broadcast %mul3A_242 : i32 to vector<16xi32>
    %mul3A_244 = arith.muli %shift_right_logical3A_241, %mul3A_243 : vector<16xi32>
    %and3A_245 = arith.constant 1023 : i32
    %and3A_246 = vector.broadcast %and3A_245 : i32 to vector<16xi32>
    %and3A_247 = arith.andi %get3A_238, %and3A_246 : vector<16xi32>
    %add3A_248 = arith.addi %mul3A_244, %and3A_247 : vector<16xi32>
    %swap3A_249 = arith.constant 272 : index
    %swap3A_250 = tpu.vector_load %arg7[%swap3A_249] {strides = array<i32>} : memref<1600xi32, #tpu.memory_space<vmem>>, vector<16xi32>,
    tpu.vector_store %arg7[%swap3A_249], %add3A_248 {strides = array<i32>} : memref<1600xi32, #tpu.memory_space<vmem>>, vector<16xi32>,
    %get3A_251 = arith.constant 288 : index
    %get3A_252 = tpu.vector_load %arg6[%get3A_251] {strides = array<i32>} : memref<1600xi32, #tpu.memory_space<vmem>>, vector<16xi32>,
    %shift_right_logical3A_253 = arith.constant 10 : i32
    %shift_right_logical3A_254 = vector.broadcast %shift_right_logical3A_253 : i32 to vector<16xi32>
    %shift_right_logical3A_255 = arith.shrui %get3A_252, %shift_right_logical3A_254 : vector<16xi32>
    %mul3A_256 = arith.constant 1000 : i32
    %mul3A_257 = vector.broadcast %mul3A_256 : i32 to vector<16xi32>
    %mul3A_258 = arith.muli %shift_right_logical3A_255, %mul3A_257 : vector<16xi32>
    %and3A_259 = arith.constant 1023 : i32
    %and3A_260 = vector.broadcast %and3A_259 : i32 to vector<16xi32>
    %and3A_261 = arith.andi %get3A_252, %and3A_260 : vector<16xi32>
    %add3A_262 = arith.addi %mul3A_258, %and3A_261 : vector<16xi32>
    %swap3A_263 = arith.constant 288 : index
    %swap3A_264 = tpu.vector_load %arg7[%swap3A_263] {strides = array<i32>} : memref<1600xi32, #tpu.memory_space<vmem>>, vector<16xi32>,
    tpu.vector_store %arg7[%swap3A_263], %add3A_262 {strides = array<i32>} : memref<1600xi32, #tpu.memory_space<vmem>>, vector<16xi32>,
    %get3A_265 = arith.constant 304 : index
    %get3A_266 = tpu.vector_load %arg6[%get3A_265] {strides = array<i32>} : memref<1600xi32, #tpu.memory_space<vmem>>, vector<16xi32>,
    %shift_right_logical3A_267 = arith.constant 10 : i32
    %shift_right_logical3A_268 = vector.broadcast %shift_right_logical3A_267 : i32 to vector<16xi32>
    %shift_right_logical3A_269 = arith.shrui %get3A_266, %shift_right_logical3A_268 : vector<16xi32>
    %mul3A_270 = arith.constant 1000 : i32
    %mul3A_271 = vector.broadcast %mul3A_270 : i32 to vector<16xi32>
    %mul3A_272 = arith.muli %shift_right_logical3A_269, %mul3A_271 : vector<16xi32>
    %and3A_273 = arith.constant 1023 : i32
    %and3A_274 = vector.broadcast %and3A_273 : i32 to vector<16xi32>
    %and3A_275 = arith.andi %get3A_266, %and3A_274 : vector<16xi32>
    %add3A_276 = arith.addi %mul3A_272, %and3A_275 : vector<16xi32>
    %swap3A_277 = arith.constant 304 : index
    %swap3A_278 = tpu.vector_load %arg7[%swap3A_277] {strides = array<i32>} : memref<1600xi32, #tpu.memory_space<vmem>>, vector<16xi32>,
    tpu.vector_store %arg7[%swap3A_277], %add3A_276 {strides = array<i32>} : memref<1600xi32, #tpu.memory_space<vmem>>, vector<16xi32>,
    %get3A_279 = arith.constant 320 : index
    %get3A_280 = tpu.vector_load %arg6[%get3A_279] {strides = array<i32>} : memref<1600xi32, #tpu.memory_space<vmem>>, vector<16xi32>,
    %shift_right_logical3A_281 = arith.constant 10 : i32
    %shift_right_logical3A_282 = vector.broadcast %shift_right_logical3A_281 : i32 to vector<16xi32>
    %shift_right_logical3A_283 = arith.shrui %get3A_280, %shift_right_logical3A_282 : vector<16xi32>
    %mul3A_284 = arith.constant 1000 : i32
    %mul3A_285 = vector.broadcast %mul3A_284 : i32 to vector<16xi32>
    %mul3A_286 = arith.muli %shift_right_logical3A_283, %mul3A_285 : vector<16xi32>
    %and3A_287 = arith.constant 1023 : i32
    %and3A_288 = vector.broadcast %and3A_287 : i32 to vector<16xi32>
    %and3A_289 = arith.andi %get3A_280, %and3A_288 : vector<16xi32>
    %add3A_290 = arith.addi %mul3A_286, %and3A_289 : vector<16xi32>
    %swap3A_291 = arith.constant 320 : index
    %swap3A_292 = tpu.vector_load %arg7[%swap3A_291] {strides = array<i32>} : memref<1600xi32, #tpu.memory_space<vmem>>, vector<16xi32>,
    tpu.vector_store %arg7[%swap3A_291], %add3A_290 {strides = array<i32>} : memref<1600xi32, #tpu.memory_space<vmem>>, vector<16xi32>,
    %get3A_293 = arith.constant 336 : index
    %get3A_294 = tpu.vector_load %arg6[%get3A_293] {strides = array<i32>} : memref<1600xi32, #tpu.memory_space<vmem>>, vector<16xi32>,
    %shift_right_logical3A_295 = arith.constant 10 : i32
    %shift_right_logical3A_296 = vector.broadcast %shift_right_logical3A_295 : i32 to vector<16xi32>
    %shift_right_logical3A_297 = arith.shrui %get3A_294, %shift_right_logical3A_296 : vector<16xi32>
    %mul3A_298 = arith.constant 1000 : i32
    %mul3A_299 = vector.broadcast %mul3A_298 : i32 to vector<16xi32>
    %mul3A_300 = arith.muli %shift_right_logical3A_297, %mul3A_299 : vector<16xi32>
    %and3A_301 = arith.constant 1023 : i32
    %and3A_302 = vector.broadcast %and3A_301 : i32 to vector<16xi32>
    %and3A_303 = arith.andi %get3A_294, %and3A_302 : vector<16xi32>
    %add3A_304 = arith.addi %mul3A_300, %and3A_303 : vector<16xi32>
    %swap3A_305 = arith.constant 336 : index
    %swap3A_306 = tpu.vector_load %arg7[%swap3A_305] {strides = array<i32>} : memref<1600xi32, #tpu.memory_space<vmem>>, vector<16xi32>,
    tpu.vector_store %arg7[%swap3A_305], %add3A_304 {strides = array<i32>} : memref<1600xi32, #tpu.memory_space<vmem>>, vector<16xi32>,
    %get3A_307 = arith.constant 352 : index
    %get3A_308 = tpu.vector_load %arg6[%get3A_307] {strides = array<i32>} : memref<1600xi32, #tpu.memory_space<vmem>>, vector<16xi32>,
    %shift_right_logical3A_309 = arith.constant 10 : i32
    %shift_right_logical3A_310 = vector.broadcast %shift_right_logical3A_309 : i32 to vector<16xi32>
    %shift_right_logical3A_311 = arith.shrui %get3A_308, %shift_right_logical3A_310 : vector<16xi32>
    %mul3A_312 = arith.constant 1000 : i32
    %mul3A_313 = vector.broadcast %mul3A_312 : i32 to vector<16xi32>
    %mul3A_314 = arith.muli %shift_right_logical3A_311, %mul3A_313 : vector<16xi32>
    %and3A_315 = arith.constant 1023 : i32
    %and3A_316 = vector.broadcast %and3A_315 : i32 to vector<16xi32>
    %and3A_317 = arith.andi %get3A_308, %and3A_316 : vector<16xi32>
    %add3A_318 = arith.addi %mul3A_314, %and3A_317 : vector<16xi32>
    %swap3A_319 = arith.constant 352 : index
    %swap3A_320 = tpu.vector_load %arg7[%swap3A_319] {strides = array<i32>} : memref<1600xi32, #tpu.memory_space<vmem>>, vector<16xi32>,
    tpu.vector_store %arg7[%swap3A_319], %add3A_318 {strides = array<i32>} : memref<1600xi32, #tpu.memory_space<vmem>>, vector<16xi32>,
    %get3A_321 = arith.constant 368 : index
    %get3A_322 = tpu.vector_load %arg6[%get3A_321] {strides = array<i32>} : memref<1600xi32, #tpu.memory_space<vmem>>, vector<16xi32>,
    %shift_right_logical3A_323 = arith.constant 10 : i32
    %shift_right_logical3A_324 = vector.broadcast %shift_right_logical3A_323 : i32 to vector<16xi32>
    %shift_right_logical3A_325 = arith.shrui %get3A_322, %shift_right_logical3A_324 : vector<16xi32>
    %mul3A_326 = arith.constant 1000 : i32
    %mul3A_327 = vector.broadcast %mul3A_326 : i32 to vector<16xi32>
    %mul3A_328 = arith.muli %shift_right_logical3A_325, %mul3A_327 : vector<16xi32>
    %and3A_329 = arith.constant 1023 : i32
    %and3A_330 = vector.broadcast %and3A_329 : i32 to vector<16xi32>
    %and3A_331 = arith.andi %get3A_322, %and3A_330 : vector<16xi32>
    %add3A_332 = arith.addi %mul3A_328, %and3A_331 : vector<16xi32>
    %swap3A_333 = arith.constant 368 : index
    %swap3A_334 = tpu.vector_load %arg7[%swap3A_333] {strides = array<i32>} : memref<1600xi32, #tpu.memory_space<vmem>>, vector<16xi32>,
    tpu.vector_store %arg7[%swap3A_333], %add3A_332 {strides = array<i32>} : memref<1600xi32, #tpu.memory_space<vmem>>, vector<16xi32>,
    %get3A_335 = arith.constant 384 : index
    %get3A_336 = tpu.vector_load %arg6[%get3A_335] {strides = array<i32>} : memref<1600xi32, #tpu.memory_space<vmem>>, vector<16xi32>,
    %shift_right_logical3A_337 = arith.constant 10 : i32
    %shift_right_logical3A_338 = vector.broadcast %shift_right_logical3A_337 : i32 to vector<16xi32>
    %shift_right_logical3A_339 = arith.shrui %get3A_336, %shift_right_logical3A_338 : vector<16xi32>
    %mul3A_340 = arith.constant 1000 : i32
    %mul3A_341 = vector.broadcast %mul3A_340 : i32 to vector<16xi32>
    %mul3A_342 = arith.muli %shift_right_logical3A_339, %mul3A_341 : vector<16xi32>
    %and3A_343 = arith.constant 1023 : i32
    %and3A_344 = vector.broadcast %and3A_343 : i32 to vector<16xi32>
    %and3A_345 = arith.andi %get3A_336, %and3A_344 : vector<16xi32>
    %add3A_346 = arith.addi %mul3A_342, %and3A_345 : vector<16xi32>
    %swap3A_347 = arith.constant 384 : index
    %swap3A_348 = tpu.vector_load %arg7[%swap3A_347] {strides = array<i32>} : memref<1600xi32, #tpu.memory_space<vmem>>, vector<16xi32>,
    tpu.vector_store %arg7[%swap3A_347], %add3A_346 {strides = array<i32>} : memref<1600xi32, #tpu.memory_space<vmem>>, vector<16xi32>,
    %get3A_349 = arith.constant 400 : index
    %get3A_350 = tpu.vector_load %arg6[%get3A_349] {strides = array<i32>} : memref<1600xi32, #tpu.memory_space<vmem>>, vector<16xi32>,
    %shift_right_logical3A_351 = arith.constant 10 : i32
    %shift_right_logical3A_352 = vector.broadcast %shift_right_logical3A_351 : i32 to vector<16xi32>
    %shift_right_logical3A_353 = arith.shrui %get3A_350, %shift_right_logical3A_352 : vector<16xi32>
    %mul3A_354 = arith.constant 1000 : i32
    %mul3A_355 = vector.broadcast %mul3A_354 : i32 to vector<16xi32>
    %mul3A_356 = arith.muli %shift_right_logical3A_353, %mul3A_355 : vector<16xi32>
    %and3A_357 = arith.constant 1023 : i32
    %and3A_358 = vector.broadcast %and3A_357 : i32 to vector<16xi32>
    %and3A_359 = arith.andi %get3A_350, %and3A_358 : vector<16xi32>
    %add3A_360 = arith.addi %mul3A_356, %and3A_359 : vector<16xi32>
    %swap3A_361 = arith.constant 400 : index
    %swap3A_362 = tpu.vector_load %arg7[%swap3A_361] {strides = array<i32>} : memref<1600xi32, #tpu.memory_space<vmem>>, vector<16xi32>,
    tpu.vector_store %arg7[%swap3A_361], %add3A_360 {strides = array<i32>} : memref<1600xi32, #tpu.memory_space<vmem>>, vector<16xi32>,
    %get3A_363 = arith.constant 416 : index
    %get3A_364 = tpu.vector_load %arg6[%get3A_363] {strides = array<i32>} : memref<1600xi32, #tpu.memory_space<vmem>>, vector<16xi32>,
    %shift_right_logical3A_365 = arith.constant 10 : i32
    %shift_right_logical3A_366 = vector.broadcast %shift_right_logical3A_365 : i32 to vector<16xi32>
    %shift_right_logical3A_367 = arith.shrui %get3A_364, %shift_right_logical3A_366 : vector<16xi32>
    %mul3A_368 = arith.constant 1000 : i32
    %mul3A_369 = vector.broadcast %mul3A_368 : i32 to vector<16xi32>
    %mul3A_370 = arith.muli %shift_right_logical3A_367, %mul3A_369 : vector<16xi32>
    %and3A_371 = arith.constant 1023 : i32
    %and3A_372 = vector.broadcast %and3A_371 : i32 to vector<16xi32>
    %and3A_373 = arith.andi %get3A_364, %and3A_372 : vector<16xi32>
    %add3A_374 = arith.addi %mul3A_370, %and3A_373 : vector<16xi32>
    %swap3A_375 = arith.constant 416 : index
    %swap3A_376 = tpu.vector_load %arg7[%swap3A_375] {strides = array<i32>} : memref<1600xi32, #tpu.memory_space<vmem>>, vector<16xi32>,
    tpu.vector_store %arg7[%swap3A_375], %add3A_374 {strides = array<i32>} : memref<1600xi32, #tpu.memory_space<vmem>>, vector<16xi32>,
    %get3A_377 = arith.constant 432 : index
    %get3A_378 = tpu.vector_load %arg6[%get3A_377] {strides = array<i32>} : memref<1600xi32, #tpu.memory_space<vmem>>, vector<16xi32>,
    %shift_right_logical3A_379 = arith.constant 10 : i32
    %shift_right_logical3A_380 = vector.broadcast %shift_right_logical3A_379 : i32 to vector<16xi32>
    %shift_right_logical3A_381 = arith.shrui %get3A_378, %shift_right_logical3A_380 : vector<16xi32>
    %mul3A_382 = arith.constant 1000 : i32
    %mul3A_383 = vector.broadcast %mul3A_382 : i32 to vector<16xi32>
    %mul3A_384 = arith.muli %shift_right_logical3A_381, %mul3A_383 : vector<16xi32>
    %and3A_385 = arith.constant 1023 : i32
    %and3A_386 = vector.broadcast %and3A_385 : i32 to vector<16xi32>
    %and3A_387 = arith.andi %get3A_378, %and3A_386 : vector<16xi32>
    %add3A_388 = arith.addi %mul3A_384, %and3A_387 : vector<16xi32>
    %swap3A_389 = arith.constant 432 : index
    %swap3A_390 = tpu.vector_load %arg7[%swap3A_389] {strides = array<i32>} : memref<1600xi32, #tpu.memory_space<vmem>>, vector<16xi32>,
    tpu.vector_store %arg7[%swap3A_389], %add3A_388 {strides = array<i32>} : memref<1600xi32, #tpu.memory_space<vmem>>, vector<16xi32>,
    %get3A_391 = arith.constant 448 : index
    %get3A_392 = tpu.vector_load %arg6[%get3A_391] {strides = array<i32>} : memref<1600xi32, #tpu.memory_space<vmem>>, vector<16xi32>,
    %shift_right_logical3A_393 = arith.constant 10 : i32
    %shift_right_logical3A_394 = vector.broadcast %shift_right_logical3A_393 : i32 to vector<16xi32>
    %shift_right_logical3A_395 = arith.shrui %get3A_392, %shift_right_logical3A_394 : vector<16xi32>
    %mul3A_396 = arith.constant 1000 : i32
    %mul3A_397 = vector.broadcast %mul3A_396 : i32 to vector<16xi32>
    %mul3A_398 = arith.muli %shift_right_logical3A_395, %mul3A_397 : vector<16xi32>
    %and3A_399 = arith.constant 1023 : i32
    %and3A_400 = vector.broadcast %and3A_399 : i32 to vector<16xi32>
    %and3A_401 = arith.andi %get3A_392, %and3A_400 : vector<16xi32>
    %add3A_402 = arith.addi %mul3A_398, %and3A_401 : vector<16xi32>
    %swap3A_403 = arith.constant 448 : index
    %swap3A_404 = tpu.vector_load %arg7[%swap3A_403] {strides = array<i32>} : memref<1600xi32, #tpu.memory_space<vmem>>, vector<16xi32>,
    tpu.vector_store %arg7[%swap3A_403], %add3A_402 {strides = array<i32>} : memref<1600xi32, #tpu.memory_space<vmem>>, vector<16xi32>,
    %get3A_405 = arith.constant 464 : index
    %get3A_406 = tpu.vector_load %arg6[%get3A_405] {strides = array<i32>} : memref<1600xi32, #tpu.memory_space<vmem>>, vector<16xi32>,
    %shift_right_logical3A_407 = arith.constant 10 : i32
    %shift_right_logical3A_408 = vector.broadcast %shift_right_logical3A_407 : i32 to vector<16xi32>
    %shift_right_logical3A_409 = arith.shrui %get3A_406, %shift_right_logical3A_408 : vector<16xi32>
    %mul3A_410 = arith.constant 1000 : i32
    %mul3A_411 = vector.broadcast %mul3A_410 : i32 to vector<16xi32>
    %mul3A_412 = arith.muli %shift_right_logical3A_409, %mul3A_411 : vector<16xi32>
    %and3A_413 = arith.constant 1023 : i32
    %and3A_414 = vector.broadcast %and3A_413 : i32 to vector<16xi32>
    %and3A_415 = arith.andi %get3A_406, %and3A_414 : vector<16xi32>
    %add3A_416 = arith.addi %mul3A_412, %and3A_415 : vector<16xi32>
    %swap3A_417 = arith.constant 464 : index
    %swap3A_418 = tpu.vector_load %arg7[%swap3A_417] {strides = array<i32>} : memref<1600xi32, #tpu.memory_space<vmem>>, vector<16xi32>,
    tpu.vector_store %arg7[%swap3A_417], %add3A_416 {strides = array<i32>} : memref<1600xi32, #tpu.memory_space<vmem>>, vector<16xi32>,
    %get3A_419 = arith.constant 480 : index
    %get3A_420 = tpu.vector_load %arg6[%get3A_419] {strides = array<i32>} : memref<1600xi32, #tpu.memory_space<vmem>>, vector<16xi32>,
    %shift_right_logical3A_421 = arith.constant 10 : i32
    %shift_right_logical3A_422 = vector.broadcast %shift_right_logical3A_421 : i32 to vector<16xi32>
    %shift_right_logical3A_423 = arith.shrui %get3A_420, %shift_right_logical3A_422 : vector<16xi32>
    %mul3A_424 = arith.constant 1000 : i32
    %mul3A_425 = vector.broadcast %mul3A_424 : i32 to vector<16xi32>
    %mul3A_426 = arith.muli %shift_right_logical3A_423, %mul3A_425 : vector<16xi32>
    %and3A_427 = arith.constant 1023 : i32
    %and3A_428 = vector.broadcast %and3A_427 : i32 to vector<16xi32>
    %and3A_429 = arith.andi %get3A_420, %and3A_428 : vector<16xi32>
    %add3A_430 = arith.addi %mul3A_426, %and3A_429 : vector<16xi32>
    %swap3A_431 = arith.constant 480 : index
    %swap3A_432 = tpu.vector_load %arg7[%swap3A_431] {strides = array<i32>} : memref<1600xi32, #tpu.memory_space<vmem>>, vector<16xi32>,
    tpu.vector_store %arg7[%swap3A_431], %add3A_430 {strides = array<i32>} : memref<1600xi32, #tpu.memory_space<vmem>>, vector<16xi32>,
    %get3A_433 = arith.constant 496 : index
    %get3A_434 = tpu.vector_load %arg6[%get3A_433] {strides = array<i32>} : memref<1600xi32, #tpu.memory_space<vmem>>, vector<16xi32>,
    %shift_right_logical3A_435 = arith.constant 10 : i32
    %shift_right_logical3A_436 = vector.broadcast %shift_right_logical3A_435 : i32 to vector<16xi32>
    %shift_right_logical3A_437 = arith.shrui %get3A_434, %shift_right_logical3A_436 : vector<16xi32>
    %mul3A_438 = arith.constant 1000 : i32
    %mul3A_439 = vector.broadcast %mul3A_438 : i32 to vector<16xi32>
    %mul3A_440 = arith.muli %shift_right_logical3A_437, %mul3A_439 : vector<16xi32>
    %and3A_441 = arith.constant 1023 : i32
    %and3A_442 = vector.broadcast %and3A_441 : i32 to vector<16xi32>
    %and3A_443 = arith.andi %get3A_434, %and3A_442 : vector<16xi32>
    %add3A_444 = arith.addi %mul3A_440, %and3A_443 : vector<16xi32>
    %swap3A_445 = arith.constant 496 : index
    %swap3A_446 = tpu.vector_load %arg7[%swap3A_445] {strides = array<i32>} : memref<1600xi32, #tpu.memory_space<vmem>>, vector<16xi32>,
    tpu.vector_store %arg7[%swap3A_445], %add3A_444 {strides = array<i32>} : memref<1600xi32, #tpu.memory_space<vmem>>, vector<16xi32>,
    %get3A_447 = arith.constant 512 : index
    %get3A_448 = tpu.vector_load %arg6[%get3A_447] {strides = array<i32>} : memref<1600xi32, #tpu.memory_space<vmem>>, vector<16xi32>,
    %shift_right_logical3A_449 = arith.constant 10 : i32
    %shift_right_logical3A_450 = vector.broadcast %shift_right_logical3A_449 : i32 to vector<16xi32>
    %shift_right_logical3A_451 = arith.shrui %get3A_448, %shift_right_logical3A_450 : vector<16xi32>
    %mul3A_452 = arith.constant 1000 : i32
    %mul3A_453 = vector.broadcast %mul3A_452 : i32 to vector<16xi32>
    %mul3A_454 = arith.muli %shift_right_logical3A_451, %mul3A_453 : vector<16xi32>
    %and3A_455 = arith.constant 1023 : i32
    %and3A_456 = vector.broadcast %and3A_455 : i32 to vector<16xi32>
    %and3A_457 = arith.andi %get3A_448, %and3A_456 : vector<16xi32>
    %add3A_458 = arith.addi %mul3A_454, %and3A_457 : vector<16xi32>
    %swap3A_459 = arith.constant 512 : index
    %swap3A_460 = tpu.vector_load %arg7[%swap3A_459] {strides = array<i32>} : memref<1600xi32, #tpu.memory_space<vmem>>, vector<16xi32>,
    tpu.vector_store %arg7[%swap3A_459], %add3A_458 {strides = array<i32>} : memref<1600xi32, #tpu.memory_space<vmem>>, vector<16xi32>,
    %get3A_461 = arith.constant 528 : index
    %get3A_462 = tpu.vector_load %arg6[%get3A_461] {strides = array<i32>} : memref<1600xi32, #tpu.memory_space<vmem>>, vector<16xi32>,
    %shift_right_logical3A_463 = arith.constant 10 : i32
    %shift_right_logical3A_464 = vector.broadcast %shift_right_logical3A_463 : i32 to vector<16xi32>
    %shift_right_logical3A_465 = arith.shrui %get3A_462, %shift_right_logical3A_464 : vector<16xi32>
    %mul3A_466 = arith.constant 1000 : i32
    %mul3A_467 = vector.broadcast %mul3A_466 : i32 to vector<16xi32>
    %mul3A_468 = arith.muli %shift_right_logical3A_465, %mul3A_467 : vector<16xi32>
    %and3A_469 = arith.constant 1023 : i32
    %and3A_470 = vector.broadcast %and3A_469 : i32 to vector<16xi32>
    %and3A_471 = arith.andi %get3A_462, %and3A_470 : vector<16xi32>
    %add3A_472 = arith.addi %mul3A_468, %and3A_471 : vector<16xi32>
    %swap3A_473 = arith.constant 528 : index
    %swap3A_474 = tpu.vector_load %arg7[%swap3A_473] {strides = array<i32>} : memref<1600xi32, #tpu.memory_space<vmem>>, vector<16xi32>,
    tpu.vector_store %arg7[%swap3A_473], %add3A_472 {strides = array<i32>} : memref<1600xi32, #tpu.memory_space<vmem>>, vector<16xi32>,
    %get3A_475 = arith.constant 544 : index
    %get3A_476 = tpu.vector_load %arg6[%get3A_475] {strides = array<i32>} : memref<1600xi32, #tpu.memory_space<vmem>>, vector<16xi32>,
    %shift_right_logical3A_477 = arith.constant 10 : i32
    %shift_right_logical3A_478 = vector.broadcast %shift_right_logical3A_477 : i32 to vector<16xi32>
    %shift_right_logical3A_479 = arith.shrui %get3A_476, %shift_right_logical3A_478 : vector<16xi32>
    %mul3A_480 = arith.constant 1000 : i32
    %mul3A_481 = vector.broadcast %mul3A_480 : i32 to vector<16xi32>
    %mul3A_482 = arith.muli %shift_right_logical3A_479, %mul3A_481 : vector<16xi32>
    %and3A_483 = arith.constant 1023 : i32
    %and3A_484 = vector.broadcast %and3A_483 : i32 to vector<16xi32>
    %and3A_485 = arith.andi %get3A_476, %and3A_484 : vector<16xi32>
    %add3A_486 = arith.addi %mul3A_482, %and3A_485 : vector<16xi32>
    %swap3A_487 = arith.constant 544 : index
    %swap3A_488 = tpu.vector_load %arg7[%swap3A_487] {strides = array<i32>} : memref<1600xi32, #tpu.memory_space<vmem>>, vector<16xi32>,
    tpu.vector_store %arg7[%swap3A_487], %add3A_486 {strides = array<i32>} : memref<1600xi32, #tpu.memory_space<vmem>>, vector<16xi32>,
    %get3A_489 = arith.constant 560 : index
    %get3A_490 = tpu.vector_load %arg6[%get3A_489] {strides = array<i32>} : memref<1600xi32, #tpu.memory_space<vmem>>, vector<16xi32>,
    %shift_right_logical3A_491 = arith.constant 10 : i32
    %shift_right_logical3A_492 = vector.broadcast %shift_right_logical3A_491 : i32 to vector<16xi32>
    %shift_right_logical3A_493 = arith.shrui %get3A_490, %shift_right_logical3A_492 : vector<16xi32>
    %mul3A_494 = arith.constant 1000 : i32
    %mul3A_495 = vector.broadcast %mul3A_494 : i32 to vector<16xi32>
    %mul3A_496 = arith.muli %shift_right_logical3A_493, %mul3A_495 : vector<16xi32>
    %and3A_497 = arith.constant 1023 : i32
    %and3A_498 = vector.broadcast %and3A_497 : i32 to vector<16xi32>
    %and3A_499 = arith.andi %get3A_490, %and3A_498 : vector<16xi32>
    %add3A_500 = arith.addi %mul3A_496, %and3A_499 : vector<16xi32>
    %swap3A_501 = arith.constant 560 : index
    %swap3A_502 = tpu.vector_load %arg7[%swap3A_501] {strides = array<i32>} : memref<1600xi32, #tpu.memory_space<vmem>>, vector<16xi32>,
    tpu.vector_store %arg7[%swap3A_501], %add3A_500 {strides = array<i32>} : memref<1600xi32, #tpu.memory_space<vmem>>, vector<16xi32>,
    %get3A_503 = arith.constant 576 : index
    %get3A_504 = tpu.vector_load %arg6[%get3A_503] {strides = array<i32>} : memref<1600xi32, #tpu.memory_space<vmem>>, vector<16xi32>,
    %shift_right_logical3A_505 = arith.constant 10 : i32
    %shift_right_logical3A_506 = vector.broadcast %shift_right_logical3A_505 : i32 to vector<16xi32>
    %shift_right_logical3A_507 = arith.shrui %get3A_504, %shift_right_logical3A_506 : vector<16xi32>
    %mul3A_508 = arith.constant 1000 : i32
    %mul3A_509 = vector.broadcast %mul3A_508 : i32 to vector<16xi32>
    %mul3A_510 = arith.muli %shift_right_logical3A_507, %mul3A_509 : vector<16xi32>
    %and3A_511 = arith.constant 1023 : i32
    %and3A_512 = vector.broadcast %and3A_511 : i32 to vector<16xi32>
    %and3A_513 = arith.andi %get3A_504, %and3A_512 : vector<16xi32>
    %add3A_514 = arith.addi %mul3A_510, %and3A_513 : vector<16xi32>
    %swap3A_515 = arith.constant 576 : index
    %swap3A_516 = tpu.vector_load %arg7[%swap3A_515] {strides = array<i32>} : memref<1600xi32, #tpu.memory_space<vmem>>, vector<16xi32>,
    tpu.vector_store %arg7[%swap3A_515], %add3A_514 {strides = array<i32>} : memref<1600xi32, #tpu.memory_space<vmem>>, vector<16xi32>,
    %get3A_517 = arith.constant 592 : index
    %get3A_518 = tpu.vector_load %arg6[%get3A_517] {strides = array<i32>} : memref<1600xi32, #tpu.memory_space<vmem>>, vector<16xi32>,
    %shift_right_logical3A_519 = arith.constant 10 : i32
    %shift_right_logical3A_520 = vector.broadcast %shift_right_logical3A_519 : i32 to vector<16xi32>
    %shift_right_logical3A_521 = arith.shrui %get3A_518, %shift_right_logical3A_520 : vector<16xi32>
    %mul3A_522 = arith.constant 1000 : i32
    %mul3A_523 = vector.broadcast %mul3A_522 : i32 to vector<16xi32>
    %mul3A_524 = arith.muli %shift_right_logical3A_521, %mul3A_523 : vector<16xi32>
    %and3A_525 = arith.constant 1023 : i32
    %and3A_526 = vector.broadcast %and3A_525 : i32 to vector<16xi32>
    %and3A_527 = arith.andi %get3A_518, %and3A_526 : vector<16xi32>
    %add3A_528 = arith.addi %mul3A_524, %and3A_527 : vector<16xi32>
    %swap3A_529 = arith.constant 592 : index
    %swap3A_530 = tpu.vector_load %arg7[%swap3A_529] {strides = array<i32>} : memref<1600xi32, #tpu.memory_space<vmem>>, vector<16xi32>,
    tpu.vector_store %arg7[%swap3A_529], %add3A_528 {strides = array<i32>} : memref<1600xi32, #tpu.memory_space<vmem>>, vector<16xi32>,
    %get3A_531 = arith.constant 608 : index
    %get3A_532 = tpu.vector_load %arg6[%get3A_531] {strides = array<i32>} : memref<1600xi32, #tpu.memory_space<vmem>>, vector<16xi32>,
    %shift_right_logical3A_533 = arith.constant 10 : i32
    %shift_right_logical3A_534 = vector.broadcast %shift_right_logical3A_533 : i32 to vector<16xi32>
    %shift_right_logical3A_535 = arith.shrui %get3A_532, %shift_right_logical3A_534 : vector<16xi32>
    %mul3A_536 = arith.constant 1000 : i32
    %mul3A_537 = vector.broadcast %mul3A_536 : i32 to vector<16xi32>
    %mul3A_538 = arith.muli %shift_right_logical3A_535, %mul3A_537 : vector<16xi32>
    %and3A_539 = arith.constant 1023 : i32
    %and3A_540 = vector.broadcast %and3A_539 : i32 to vector<16xi32>
    %and3A_541 = arith.andi %get3A_532, %and3A_540 : vector<16xi32>
    %add3A_542 = arith.addi %mul3A_538, %and3A_541 : vector<16xi32>
    %swap3A_543 = arith.constant 608 : index
    %swap3A_544 = tpu.vector_load %arg7[%swap3A_543] {strides = array<i32>} : memref<1600xi32, #tpu.memory_space<vmem>>, vector<16xi32>,
    tpu.vector_store %arg7[%swap3A_543], %add3A_542 {strides = array<i32>} : memref<1600xi32, #tpu.memory_space<vmem>>, vector<16xi32>,
    %get3A_545 = arith.constant 624 : index
    %get3A_546 = tpu.vector_load %arg6[%get3A_545] {strides = array<i32>} : memref<1600xi32, #tpu.memory_space<vmem>>, vector<16xi32>,
    %shift_right_logical3A_547 = arith.constant 10 : i32
    %shift_right_logical3A_548 = vector.broadcast %shift_right_logical3A_547 : i32 to vector<16xi32>
    %shift_right_logical3A_549 = arith.shrui %get3A_546, %shift_right_logical3A_548 : vector<16xi32>
    %mul3A_550 = arith.constant 1000 : i32
    %mul3A_551 = vector.broadcast %mul3A_550 : i32 to vector<16xi32>
    %mul3A_552 = arith.muli %shift_right_logical3A_549, %mul3A_551 : vector<16xi32>
    %and3A_553 = arith.constant 1023 : i32
    %and3A_554 = vector.broadcast %and3A_553 : i32 to vector<16xi32>
    %and3A_555 = arith.andi %get3A_546, %and3A_554 : vector<16xi32>
    %add3A_556 = arith.addi %mul3A_552, %and3A_555 : vector<16xi32>
    %swap3A_557 = arith.constant 624 : index
    %swap3A_558 = tpu.vector_load %arg7[%swap3A_557] {strides = array<i32>} : memref<1600xi32, #tpu.memory_space<vmem>>, vector<16xi32>,
    tpu.vector_store %arg7[%swap3A_557], %add3A_556 {strides = array<i32>} : memref<1600xi32, #tpu.memory_space<vmem>>, vector<16xi32>,
    %get3A_559 = arith.constant 640 : index
    %get3A_560 = tpu.vector_load %arg6[%get3A_559] {strides = array<i32>} : memref<1600xi32, #tpu.memory_space<vmem>>, vector<16xi32>,
    %shift_right_logical3A_561 = arith.constant 10 : i32
    %shift_right_logical3A_562 = vector.broadcast %shift_right_logical3A_561 : i32 to vector<16xi32>
    %shift_right_logical3A_563 = arith.shrui %get3A_560, %shift_right_logical3A_562 : vector<16xi32>
    %mul3A_564 = arith.constant 1000 : i32
    %mul3A_565 = vector.broadcast %mul3A_564 : i32 to vector<16xi32>
    %mul3A_566 = arith.muli %shift_right_logical3A_563, %mul3A_565 : vector<16xi32>
    %and3A_567 = arith.constant 1023 : i32
    %and3A_568 = vector.broadcast %and3A_567 : i32 to vector<16xi32>
    %and3A_569 = arith.andi %get3A_560, %and3A_568 : vector<16xi32>
    %add3A_570 = arith.addi %mul3A_566, %and3A_569 : vector<16xi32>
    %swap3A_571 = arith.constant 640 : index
    %swap3A_572 = tpu.vector_load %arg7[%swap3A_571] {strides = array<i32>} : memref<1600xi32, #tpu.memory_space<vmem>>, vector<16xi32>,
    tpu.vector_store %arg7[%swap3A_571], %add3A_570 {strides = array<i32>} : memref<1600xi32, #tpu.memory_space<vmem>>, vector<16xi32>,
    %get3A_573 = arith.constant 656 : index
    %get3A_574 = tpu.vector_load %arg6[%get3A_573] {strides = array<i32>} : memref<1600xi32, #tpu.memory_space<vmem>>, vector<16xi32>,
    %shift_right_logical3A_575 = arith.constant 10 : i32
    %shift_right_logical3A_576 = vector.broadcast %shift_right_logical3A_575 : i32 to vector<16xi32>
    %shift_right_logical3A_577 = arith.shrui %get3A_574, %shift_right_logical3A_576 : vector<16xi32>
    %mul3A_578 = arith.constant 1000 : i32
    %mul3A_579 = vector.broadcast %mul3A_578 : i32 to vector<16xi32>
    %mul3A_580 = arith.muli %shift_right_logical3A_577, %mul3A_579 : vector<16xi32>
    %and3A_581 = arith.constant 1023 : i32
    %and3A_582 = vector.broadcast %and3A_581 : i32 to vector<16xi32>
    %and3A_583 = arith.andi %get3A_574, %and3A_582 : vector<16xi32>
    %add3A_584 = arith.addi %mul3A_580, %and3A_583 : vector<16xi32>
    %swap3A_585 = arith.constant 656 : index
    %swap3A_586 = tpu.vector_load %arg7[%swap3A_585] {strides = array<i32>} : memref<1600xi32, #tpu.memory_space<vmem>>, vector<16xi32>,
    tpu.vector_store %arg7[%swap3A_585], %add3A_584 {strides = array<i32>} : memref<1600xi32, #tpu.memory_space<vmem>>, vector<16xi32>,
    %get3A_587 = arith.constant 672 : index
    %get3A_588 = tpu.vector_load %arg6[%get3A_587] {strides = array<i32>} : memref<1600xi32, #tpu.memory_space<vmem>>, vector<16xi32>,
    %shift_right_logical3A_589 = arith.constant 10 : i32
    %shift_right_logical3A_590 = vector.broadcast %shift_right_logical3A_589 : i32 to vector<16xi32>
    %shift_right_logical3A_591 = arith.shrui %get3A_588, %shift_right_logical3A_590 : vector<16xi32>
    %mul3A_592 = arith.constant 1000 : i32
    %mul3A_593 = vector.broadcast %mul3A_592 : i32 to vector<16xi32>
    %mul3A_594 = arith.muli %shift_right_logical3A_591, %mul3A_593 : vector<16xi32>
    %and3A_595 = arith.constant 1023 : i32
    %and3A_596 = vector.broadcast %and3A_595 : i32 to vector<16xi32>
    %and3A_597 = arith.andi %get3A_588, %and3A_596 : vector<16xi32>
    %add3A_598 = arith.addi %mul3A_594, %and3A_597 : vector<16xi32>
    %swap3A_599 = arith.constant 672 : index
    %swap3A_600 = tpu.vector_load %arg7[%swap3A_599] {strides = array<i32>} : memref<1600xi32, #tpu.memory_space<vmem>>, vector<16xi32>,
    tpu.vector_store %arg7[%swap3A_599], %add3A_598 {strides = array<i32>} : memref<1600xi32, #tpu.memory_space<vmem>>, vector<16xi32>,
    %get3A_601 = arith.constant 688 : index
    %get3A_602 = tpu.vector_load %arg6[%get3A_601] {strides = array<i32>} : memref<1600xi32, #tpu.memory_space<vmem>>, vector<16xi32>,
    %shift_right_logical3A_603 = arith.constant 10 : i32
    %shift_right_logical3A_604 = vector.broadcast %shift_right_logical3A_603 : i32 to vector<16xi32>
    %shift_right_logical3A_605 = arith.shrui %get3A_602, %shift_right_logical3A_604 : vector<16xi32>
    %mul3A_606 = arith.constant 1000 : i32
    %mul3A_607 = vector.broadcast %mul3A_606 : i32 to vector<16xi32>
    %mul3A_608 = arith.muli %shift_right_logical3A_605, %mul3A_607 : vector<16xi32>
    %and3A_609 = arith.constant 1023 : i32
    %and3A_610 = vector.broadcast %and3A_609 : i32 to vector<16xi32>
    %and3A_611 = arith.andi %get3A_602, %and3A_610 : vector<16xi32>
    %add3A_612 = arith.addi %mul3A_608, %and3A_611 : vector<16xi32>
    %swap3A_613 = arith.constant 688 : index
    %swap3A_614 = tpu.vector_load %arg7[%swap3A_613] {strides = array<i32>} : memref<1600xi32, #tpu.memory_space<vmem>>, vector<16xi32>,
    tpu.vector_store %arg7[%swap3A_613], %add3A_612 {strides = array<i32>} : memref<1600xi32, #tpu.memory_space<vmem>>, vector<16xi32>,
    %get3A_615 = arith.constant 704 : index
    %get3A_616 = tpu.vector_load %arg6[%get3A_615] {strides = array<i32>} : memref<1600xi32, #tpu.memory_space<vmem>>, vector<16xi32>,
    %shift_right_logical3A_617 = arith.constant 10 : i32
    %shift_right_logical3A_618 = vector.broadcast %shift_right_logical3A_617 : i32 to vector<16xi32>
    %shift_right_logical3A_619 = arith.shrui %get3A_616, %shift_right_logical3A_618 : vector<16xi32>
    %mul3A_620 = arith.constant 1000 : i32
    %mul3A_621 = vector.broadcast %mul3A_620 : i32 to vector<16xi32>
    %mul3A_622 = arith.muli %shift_right_logical3A_619, %mul3A_621 : vector<16xi32>
    %and3A_623 = arith.constant 1023 : i32
    %and3A_624 = vector.broadcast %and3A_623 : i32 to vector<16xi32>
    %and3A_625 = arith.andi %get3A_616, %and3A_624 : vector<16xi32>
    %add3A_626 = arith.addi %mul3A_622, %and3A_625 : vector<16xi32>
    %swap3A_627 = arith.constant 704 : index
    %swap3A_628 = tpu.vector_load %arg7[%swap3A_627] {strides = array<i32>} : memref<1600xi32, #tpu.memory_space<vmem>>, vector<16xi32>,
    tpu.vector_store %arg7[%swap3A_627], %add3A_626 {strides = array<i32>} : memref<1600xi32, #tpu.memory_space<vmem>>, vector<16xi32>,
    %get3A_629 = arith.constant 720 : index
    %get3A_630 = tpu.vector_load %arg6[%get3A_629] {strides = array<i32>} : memref<1600xi32, #tpu.memory_space<vmem>>, vector<16xi32>,
    %shift_right_logical3A_631 = arith.constant 10 : i32
    %shift_right_logical3A_632 = vector.broadcast %shift_right_logical3A_631 : i32 to vector<16xi32>
    %shift_right_logical3A_633 = arith.shrui %get3A_630, %shift_right_logical3A_632 : vector<16xi32>
    %mul3A_634 = arith.constant 1000 : i32
    %mul3A_635 = vector.broadcast %mul3A_634 : i32 to vector<16xi32>
    %mul3A_636 = arith.muli %shift_right_logical3A_633, %mul3A_635 : vector<16xi32>
    %and3A_637 = arith.constant 1023 : i32
    %and3A_638 = vector.broadcast %and3A_637 : i32 to vector<16xi32>
    %and3A_639 = arith.andi %get3A_630, %and3A_638 : vector<16xi32>
    %add3A_640 = arith.addi %mul3A_636, %and3A_639 : vector<16xi32>
    %swap3A_641 = arith.constant 720 : index
    %swap3A_642 = tpu.vector_load %arg7[%swap3A_641] {strides = array<i32>} : memref<1600xi32, #tpu.memory_space<vmem>>, vector<16xi32>,
    tpu.vector_store %arg7[%swap3A_641], %add3A_640 {strides = array<i32>} : memref<1600xi32, #tpu.memory_space<vmem>>, vector<16xi32>,
    %get3A_643 = arith.constant 736 : index
    %get3A_644 = tpu.vector_load %arg6[%get3A_643] {strides = array<i32>} : memref<1600xi32, #tpu.memory_space<vmem>>, vector<16xi32>,
    %shift_right_logical3A_645 = arith.constant 10 : i32
    %shift_right_logical3A_646 = vector.broadcast %shift_right_logical3A_645 : i32 to vector<16xi32>
    %shift_right_logical3A_647 = arith.shrui %get3A_644, %shift_right_logical3A_646 : vector<16xi32>
    %mul3A_648 = arith.constant 1000 : i32
    %mul3A_649 = vector.broadcast %mul3A_648 : i32 to vector<16xi32>
    %mul3A_650 = arith.muli %shift_right_logical3A_647, %mul3A_649 : vector<16xi32>
    %and3A_651 = arith.constant 1023 : i32
    %and3A_652 = vector.broadcast %and3A_651 : i32 to vector<16xi32>
    %and3A_653 = arith.andi %get3A_644, %and3A_652 : vector<16xi32>
    %add3A_654 = arith.addi %mul3A_650, %and3A_653 : vector<16xi32>
    %swap3A_655 = arith.constant 736 : index
    %swap3A_656 = tpu.vector_load %arg7[%swap3A_655] {strides = array<i32>} : memref<1600xi32, #tpu.memory_space<vmem>>, vector<16xi32>,
    tpu.vector_store %arg7[%swap3A_655], %add3A_654 {strides = array<i32>} : memref<1600xi32, #tpu.memory_space<vmem>>, vector<16xi32>,
    %get3A_657 = arith.constant 752 : index
    %get3A_658 = tpu.vector_load %arg6[%get3A_657] {strides = array<i32>} : memref<1600xi32, #tpu.memory_space<vmem>>, vector<16xi32>,
    %shift_right_logical3A_659 = arith.constant 10 : i32
    %shift_right_logical3A_660 = vector.broadcast %shift_right_logical3A_659 : i32 to vector<16xi32>
    %shift_right_logical3A_661 = arith.shrui %get3A_658, %shift_right_logical3A_660 : vector<16xi32>
    %mul3A_662 = arith.constant 1000 : i32
    %mul3A_663 = vector.broadcast %mul3A_662 : i32 to vector<16xi32>
    %mul3A_664 = arith.muli %shift_right_logical3A_661, %mul3A_663 : vector<16xi32>
    %and3A_665 = arith.constant 1023 : i32
    %and3A_666 = vector.broadcast %and3A_665 : i32 to vector<16xi32>
    %and3A_667 = arith.andi %get3A_658, %and3A_666 : vector<16xi32>
    %add3A_668 = arith.addi %mul3A_664, %and3A_667 : vector<16xi32>
    %swap3A_669 = arith.constant 752 : index
    %swap3A_670 = tpu.vector_load %arg7[%swap3A_669] {strides = array<i32>} : memref<1600xi32, #tpu.memory_space<vmem>>, vector<16xi32>,
    tpu.vector_store %arg7[%swap3A_669], %add3A_668 {strides = array<i32>} : memref<1600xi32, #tpu.memory_space<vmem>>, vector<16xi32>,
    %get3A_671 = arith.constant 768 : index
    %get3A_672 = tpu.vector_load %arg6[%get3A_671] {strides = array<i32>} : memref<1600xi32, #tpu.memory_space<vmem>>, vector<16xi32>,
    %shift_right_logical3A_673 = arith.constant 10 : i32
    %shift_right_logical3A_674 = vector.broadcast %shift_right_logical3A_673 : i32 to vector<16xi32>
    %shift_right_logical3A_675 = arith.shrui %get3A_672, %shift_right_logical3A_674 : vector<16xi32>
    %mul3A_676 = arith.constant 1000 : i32
    %mul3A_677 = vector.broadcast %mul3A_676 : i32 to vector<16xi32>
    %mul3A_678 = arith.muli %shift_right_logical3A_675, %mul3A_677 : vector<16xi32>
    %and3A_679 = arith.constant 1023 : i32
    %and3A_680 = vector.broadcast %and3A_679 : i32 to vector<16xi32>
    %and3A_681 = arith.andi %get3A_672, %and3A_680 : vector<16xi32>
    %add3A_682 = arith.addi %mul3A_678, %and3A_681 : vector<16xi32>
    %swap3A_683 = arith.constant 768 : index
    %swap3A_684 = tpu.vector_load %arg7[%swap3A_683] {strides = array<i32>} : memref<1600xi32, #tpu.memory_space<vmem>>, vector<16xi32>,
    tpu.vector_store %arg7[%swap3A_683], %add3A_682 {strides = array<i32>} : memref<1600xi32, #tpu.memory_space<vmem>>, vector<16xi32>,
    %get3A_685 = arith.constant 784 : index
    %get3A_686 = tpu.vector_load %arg6[%get3A_685] {strides = array<i32>} : memref<1600xi32, #tpu.memory_space<vmem>>, vector<16xi32>,
    %shift_right_logical3A_687 = arith.constant 10 : i32
    %shift_right_logical3A_688 = vector.broadcast %shift_right_logical3A_687 : i32 to vector<16xi32>
    %shift_right_logical3A_689 = arith.shrui %get3A_686, %shift_right_logical3A_688 : vector<16xi32>
    %mul3A_690 = arith.constant 1000 : i32
    %mul3A_691 = vector.broadcast %mul3A_690 : i32 to vector<16xi32>
    %mul3A_692 = arith.muli %shift_right_logical3A_689, %mul3A_691 : vector<16xi32>
    %and3A_693 = arith.constant 1023 : i32
    %and3A_694 = vector.broadcast %and3A_693 : i32 to vector<16xi32>
    %and3A_695 = arith.andi %get3A_686, %and3A_694 : vector<16xi32>
    %add3A_696 = arith.addi %mul3A_692, %and3A_695 : vector<16xi32>
    %swap3A_697 = arith.constant 784 : index
    %swap3A_698 = tpu.vector_load %arg7[%swap3A_697] {strides = array<i32>} : memref<1600xi32, #tpu.memory_space<vmem>>, vector<16xi32>,
    tpu.vector_store %arg7[%swap3A_697], %add3A_696 {strides = array<i32>} : memref<1600xi32, #tpu.memory_space<vmem>>, vector<16xi32>,
    %get3A_699 = arith.constant 800 : index
    %get3A_700 = tpu.vector_load %arg6[%get3A_699] {strides = array<i32>} : memref<1600xi32, #tpu.memory_space<vmem>>, vector<16xi32>,
    %shift_right_logical3A_701 = arith.constant 10 : i32
    %shift_right_logical3A_702 = vector.broadcast %shift_right_logical3A_701 : i32 to vector<16xi32>
    %shift_right_logical3A_703 = arith.shrui %get3A_700, %shift_right_logical3A_702 : vector<16xi32>
    %mul3A_704 = arith.constant 1000 : i32
    %mul3A_705 = vector.broadcast %mul3A_704 : i32 to vector<16xi32>
    %mul3A_706 = arith.muli %shift_right_logical3A_703, %mul3A_705 : vector<16xi32>
    %and3A_707 = arith.constant 1023 : i32
    %and3A_708 = vector.broadcast %and3A_707 : i32 to vector<16xi32>
    %and3A_709 = arith.andi %get3A_700, %and3A_708 : vector<16xi32>
    %add3A_710 = arith.addi %mul3A_706, %and3A_709 : vector<16xi32>
    %swap3A_711 = arith.constant 800 : index
    %swap3A_712 = tpu.vector_load %arg7[%swap3A_711] {strides = array<i32>} : memref<1600xi32, #tpu.memory_space<vmem>>, vector<16xi32>,
    tpu.vector_store %arg7[%swap3A_711], %add3A_710 {strides = array<i32>} : memref<1600xi32, #tpu.memory_space<vmem>>, vector<16xi32>,
    %get3A_713 = arith.constant 816 : index
    %get3A_714 = tpu.vector_load %arg6[%get3A_713] {strides = array<i32>} : memref<1600xi32, #tpu.memory_space<vmem>>, vector<16xi32>,
    %shift_right_logical3A_715 = arith.constant 10 : i32
    %shift_right_logical3A_716 = vector.broadcast %shift_right_logical3A_715 : i32 to vector<16xi32>
    %shift_right_logical3A_717 = arith.shrui %get3A_714, %shift_right_logical3A_716 : vector<16xi32>
    %mul3A_718 = arith.constant 1000 : i32
    %mul3A_719 = vector.broadcast %mul3A_718 : i32 to vector<16xi32>
    %mul3A_720 = arith.muli %shift_right_logical3A_717, %mul3A_719 : vector<16xi32>
    %and3A_721 = arith.constant 1023 : i32
    %and3A_722 = vector.broadcast %and3A_721 : i32 to vector<16xi32>
    %and3A_723 = arith.andi %get3A_714, %and3A_722 : vector<16xi32>
    %add3A_724 = arith.addi %mul3A_720, %and3A_723 : vector<16xi32>
    %swap3A_725 = arith.constant 816 : index
    %swap3A_726 = tpu.vector_load %arg7[%swap3A_725] {strides = array<i32>} : memref<1600xi32, #tpu.memory_space<vmem>>, vector<16xi32>,
    tpu.vector_store %arg7[%swap3A_725], %add3A_724 {strides = array<i32>} : memref<1600xi32, #tpu.memory_space<vmem>>, vector<16xi32>,
    %get3A_727 = arith.constant 832 : index
    %get3A_728 = tpu.vector_load %arg6[%get3A_727] {strides = array<i32>} : memref<1600xi32, #tpu.memory_space<vmem>>, vector<16xi32>,
    %shift_right_logical3A_729 = arith.constant 10 : i32
    %shift_right_logical3A_730 = vector.broadcast %shift_right_logical3A_729 : i32 to vector<16xi32>
    %shift_right_logical3A_731 = arith.shrui %get3A_728, %shift_right_logical3A_730 : vector<16xi32>
    %mul3A_732 = arith.constant 1000 : i32
    %mul3A_733 = vector.broadcast %mul3A_732 : i32 to vector<16xi32>
    %mul3A_734 = arith.muli %shift_right_logical3A_731, %mul3A_733 : vector<16xi32>
    %and3A_735 = arith.constant 1023 : i32
    %and3A_736 = vector.broadcast %and3A_735 : i32 to vector<16xi32>
    %and3A_737 = arith.andi %get3A_728, %and3A_736 : vector<16xi32>
    %add3A_738 = arith.addi %mul3A_734, %and3A_737 : vector<16xi32>
    %swap3A_739 = arith.constant 832 : index
    %swap3A_740 = tpu.vector_load %arg7[%swap3A_739] {strides = array<i32>} : memref<1600xi32, #tpu.memory_space<vmem>>, vector<16xi32>,
    tpu.vector_store %arg7[%swap3A_739], %add3A_738 {strides = array<i32>} : memref<1600xi32, #tpu.memory_space<vmem>>, vector<16xi32>,
    %get3A_741 = arith.constant 848 : index
    %get3A_742 = tpu.vector_load %arg6[%get3A_741] {strides = array<i32>} : memref<1600xi32, #tpu.memory_space<vmem>>, vector<16xi32>,
    %shift_right_logical3A_743 = arith.constant 10 : i32
    %shift_right_logical3A_744 = vector.broadcast %shift_right_logical3A_743 : i32 to vector<16xi32>
    %shift_right_logical3A_745 = arith.shrui %get3A_742, %shift_right_logical3A_744 : vector<16xi32>
    %mul3A_746 = arith.constant 1000 : i32
    %mul3A_747 = vector.broadcast %mul3A_746 : i32 to vector<16xi32>
    %mul3A_748 = arith.muli %shift_right_logical3A_745, %mul3A_747 : vector<16xi32>
    %and3A_749 = arith.constant 1023 : i32
    %and3A_750 = vector.broadcast %and3A_749 : i32 to vector<16xi32>
    %and3A_751 = arith.andi %get3A_742, %and3A_750 : vector<16xi32>
    %add3A_752 = arith.addi %mul3A_748, %and3A_751 : vector<16xi32>
    %swap3A_753 = arith.constant 848 : index
    %swap3A_754 = tpu.vector_load %arg7[%swap3A_753] {strides = array<i32>} : memref<1600xi32, #tpu.memory_space<vmem>>, vector<16xi32>,
    tpu.vector_store %arg7[%swap3A_753], %add3A_752 {strides = array<i32>} : memref<1600xi32, #tpu.memory_space<vmem>>, vector<16xi32>,
    %get3A_755 = arith.constant 864 : index
    %get3A_756 = tpu.vector_load %arg6[%get3A_755] {strides = array<i32>} : memref<1600xi32, #tpu.memory_space<vmem>>, vector<16xi32>,
    %shift_right_logical3A_757 = arith.constant 10 : i32
    %shift_right_logical3A_758 = vector.broadcast %shift_right_logical3A_757 : i32 to vector<16xi32>
    %shift_right_logical3A_759 = arith.shrui %get3A_756, %shift_right_logical3A_758 : vector<16xi32>
    %mul3A_760 = arith.constant 1000 : i32
    %mul3A_761 = vector.broadcast %mul3A_760 : i32 to vector<16xi32>
    %mul3A_762 = arith.muli %shift_right_logical3A_759, %mul3A_761 : vector<16xi32>
    %and3A_763 = arith.constant 1023 : i32
    %and3A_764 = vector.broadcast %and3A_763 : i32 to vector<16xi32>
    %and3A_765 = arith.andi %get3A_756, %and3A_764 : vector<16xi32>
    %add3A_766 = arith.addi %mul3A_762, %and3A_765 : vector<16xi32>
    %swap3A_767 = arith.constant 864 : index
    %swap3A_768 = tpu.vector_load %arg7[%swap3A_767] {strides = array<i32>} : memref<1600xi32, #tpu.memory_space<vmem>>, vector<16xi32>,
    tpu.vector_store %arg7[%swap3A_767], %add3A_766 {strides = array<i32>} : memref<1600xi32, #tpu.memory_space<vmem>>, vector<16xi32>,
    %get3A_769 = arith.constant 880 : index
    %get3A_770 = tpu.vector_load %arg6[%get3A_769] {strides = array<i32>} : memref<1600xi32, #tpu.memory_space<vmem>>, vector<16xi32>,
    %shift_right_logical3A_771 = arith.constant 10 : i32
    %shift_right_logical3A_772 = vector.broadcast %shift_right_logical3A_771 : i32 to vector<16xi32>
    %shift_right_logical3A_773 = arith.shrui %get3A_770, %shift_right_logical3A_772 : vector<16xi32>
    %mul3A_774 = arith.constant 1000 : i32
    %mul3A_775 = vector.broadcast %mul3A_774 : i32 to vector<16xi32>
    %mul3A_776 = arith.muli %shift_right_logical3A_773, %mul3A_775 : vector<16xi32>
    %and3A_777 = arith.constant 1023 : i32
    %and3A_778 = vector.broadcast %and3A_777 : i32 to vector<16xi32>
    %and3A_779 = arith.andi %get3A_770, %and3A_778 : vector<16xi32>
    %add3A_780 = arith.addi %mul3A_776, %and3A_779 : vector<16xi32>
    %swap3A_781 = arith.constant 880 : index
    %swap3A_782 = tpu.vector_load %arg7[%swap3A_781] {strides = array<i32>} : memref<1600xi32, #tpu.memory_space<vmem>>, vector<16xi32>,
    tpu.vector_store %arg7[%swap3A_781], %add3A_780 {strides = array<i32>} : memref<1600xi32, #tpu.memory_space<vmem>>, vector<16xi32>,
    %get3A_783 = arith.constant 896 : index
    %get3A_784 = tpu.vector_load %arg6[%get3A_783] {strides = array<i32>} : memref<1600xi32, #tpu.memory_space<vmem>>, vector<16xi32>,
    %shift_right_logical3A_785 = arith.constant 10 : i32
    %shift_right_logical3A_786 = vector.broadcast %shift_right_logical3A_785 : i32 to vector<16xi32>
    %shift_right_logical3A_787 = arith.shrui %get3A_784, %shift_right_logical3A_786 : vector<16xi32>
    %mul3A_788 = arith.constant 1000 : i32
    %mul3A_789 = vector.broadcast %mul3A_788 : i32 to vector<16xi32>
    %mul3A_790 = arith.muli %shift_right_logical3A_787, %mul3A_789 : vector<16xi32>
    %and3A_791 = arith.constant 1023 : i32
    %and3A_792 = vector.broadcast %and3A_791 : i32 to vector<16xi32>
    %and3A_793 = arith.andi %get3A_784, %and3A_792 : vector<16xi32>
    %add3A_794 = arith.addi %mul3A_790, %and3A_793 : vector<16xi32>
    %swap3A_795 = arith.constant 896 : index
    %swap3A_796 = tpu.vector_load %arg7[%swap3A_795] {strides = array<i32>} : memref<1600xi32, #tpu.memory_space<vmem>>, vector<16xi32>,
    tpu.vector_store %arg7[%swap3A_795], %add3A_794 {strides = array<i32>} : memref<1600xi32, #tpu.memory_space<vmem>>, vector<16xi32>,
    %get3A_797 = arith.constant 912 : index
    %get3A_798 = tpu.vector_load %arg6[%get3A_797] {strides = array<i32>} : memref<1600xi32, #tpu.memory_space<vmem>>, vector<16xi32>,
    %shift_right_logical3A_799 = arith.constant 10 : i32
    %shift_right_logical3A_800 = vector.broadcast %shift_right_logical3A_799 : i32 to vector<16xi32>
    %shift_right_logical3A_801 = arith.shrui %get3A_798, %shift_right_logical3A_800 : vector<16xi32>
    %mul3A_802 = arith.constant 1000 : i32
    %mul3A_803 = vector.broadcast %mul3A_802 : i32 to vector<16xi32>
    %mul3A_804 = arith.muli %shift_right_logical3A_801, %mul3A_803 : vector<16xi32>
    %and3A_805 = arith.constant 1023 : i32
    %and3A_806 = vector.broadcast %and3A_805 : i32 to vector<16xi32>
    %and3A_807 = arith.andi %get3A_798, %and3A_806 : vector<16xi32>
    %add3A_808 = arith.addi %mul3A_804, %and3A_807 : vector<16xi32>
    %swap3A_809 = arith.constant 912 : index
    %swap3A_810 = tpu.vector_load %arg7[%swap3A_809] {strides = array<i32>} : memref<1600xi32, #tpu.memory_space<vmem>>, vector<16xi32>,
    tpu.vector_store %arg7[%swap3A_809], %add3A_808 {strides = array<i32>} : memref<1600xi32, #tpu.memory_space<vmem>>, vector<16xi32>,
    %get3A_811 = arith.constant 928 : index
    %get3A_812 = tpu.vector_load %arg6[%get3A_811] {strides = array<i32>} : memref<1600xi32, #tpu.memory_space<vmem>>, vector<16xi32>,
    %shift_right_logical3A_813 = arith.constant 10 : i32
    %shift_right_logical3A_814 = vector.broadcast %shift_right_logical3A_813 : i32 to vector<16xi32>
    %shift_right_logical3A_815 = arith.shrui %get3A_812, %shift_right_logical3A_814 : vector<16xi32>
    %mul3A_816 = arith.constant 1000 : i32
    %mul3A_817 = vector.broadcast %mul3A_816 : i32 to vector<16xi32>
    %mul3A_818 = arith.muli %shift_right_logical3A_815, %mul3A_817 : vector<16xi32>
    %and3A_819 = arith.constant 1023 : i32
    %and3A_820 = vector.broadcast %and3A_819 : i32 to vector<16xi32>
    %and3A_821 = arith.andi %get3A_812, %and3A_820 : vector<16xi32>
    %add3A_822 = arith.addi %mul3A_818, %and3A_821 : vector<16xi32>
    %swap3A_823 = arith.constant 928 : index
    %swap3A_824 = tpu.vector_load %arg7[%swap3A_823] {strides = array<i32>} : memref<1600xi32, #tpu.memory_space<vmem>>, vector<16xi32>,
    tpu.vector_store %arg7[%swap3A_823], %add3A_822 {strides = array<i32>} : memref<1600xi32, #tpu.memory_space<vmem>>, vector<16xi32>,
    %get3A_825 = arith.constant 944 : index
    %get3A_826 = tpu.vector_load %arg6[%get3A_825] {strides = array<i32>} : memref<1600xi32, #tpu.memory_space<vmem>>, vector<16xi32>,
    %shift_right_logical3A_827 = arith.constant 10 : i32
    %shift_right_logical3A_828 = vector.broadcast %shift_right_logical3A_827 : i32 to vector<16xi32>
    %shift_right_logical3A_829 = arith.shrui %get3A_826, %shift_right_logical3A_828 : vector<16xi32>
    %mul3A_830 = arith.constant 1000 : i32
    %mul3A_831 = vector.broadcast %mul3A_830 : i32 to vector<16xi32>
    %mul3A_832 = arith.muli %shift_right_logical3A_829, %mul3A_831 : vector<16xi32>
    %and3A_833 = arith.constant 1023 : i32
    %and3A_834 = vector.broadcast %and3A_833 : i32 to vector<16xi32>
    %and3A_835 = arith.andi %get3A_826, %and3A_834 : vector<16xi32>
    %add3A_836 = arith.addi %mul3A_832, %and3A_835 : vector<16xi32>
    %swap3A_837 = arith.constant 944 : index
    %swap3A_838 = tpu.vector_load %arg7[%swap3A_837] {strides = array<i32>} : memref<1600xi32, #tpu.memory_space<vmem>>, vector<16xi32>,
    tpu.vector_store %arg7[%swap3A_837], %add3A_836 {strides = array<i32>} : memref<1600xi32, #tpu.memory_space<vmem>>, vector<16xi32>,
    %get3A_839 = arith.constant 960 : index
    %get3A_840 = tpu.vector_load %arg6[%get3A_839] {strides = array<i32>} : memref<1600xi32, #tpu.memory_space<vmem>>, vector<16xi32>,
    %shift_right_logical3A_841 = arith.constant 10 : i32
    %shift_right_logical3A_842 = vector.broadcast %shift_right_logical3A_841 : i32 to vector<16xi32>
    %shift_right_logical3A_843 = arith.shrui %get3A_840, %shift_right_logical3A_842 : vector<16xi32>
    %mul3A_844 = arith.constant 1000 : i32
    %mul3A_845 = vector.broadcast %mul3A_844 : i32 to vector<16xi32>
    %mul3A_846 = arith.muli %shift_right_logical3A_843, %mul3A_845 : vector<16xi32>
    %and3A_847 = arith.constant 1023 : i32
    %and3A_848 = vector.broadcast %and3A_847 : i32 to vector<16xi32>
    %and3A_849 = arith.andi %get3A_840, %and3A_848 : vector<16xi32>
    %add3A_850 = arith.addi %mul3A_846, %and3A_849 : vector<16xi32>
    %swap3A_851 = arith.constant 960 : index
    %swap3A_852 = tpu.vector_load %arg7[%swap3A_851] {strides = array<i32>} : memref<1600xi32, #tpu.memory_space<vmem>>, vector<16xi32>,
    tpu.vector_store %arg7[%swap3A_851], %add3A_850 {strides = array<i32>} : memref<1600xi32, #tpu.memory_space<vmem>>, vector<16xi32>,
    %get3A_853 = arith.constant 976 : index
    %get3A_854 = tpu.vector_load %arg6[%get3A_853] {strides = array<i32>} : memref<1600xi32, #tpu.memory_space<vmem>>, vector<16xi32>,
    %shift_right_logical3A_855 = arith.constant 10 : i32
    %shift_right_logical3A_856 = vector.broadcast %shift_right_logical3A_855 : i32 to vector<16xi32>
    %shift_right_logical3A_857 = arith.shrui %get3A_854, %shift_right_logical3A_856 : vector<16xi32>
    %mul3A_858 = arith.constant 1000 : i32
    %mul3A_859 = vector.broadcast %mul3A_858 : i32 to vector<16xi32>
    %mul3A_860 = arith.muli %shift_right_logical3A_857, %mul3A_859 : vector<16xi32>
    %and3A_861 = arith.constant 1023 : i32
    %and3A_862 = vector.broadcast %and3A_861 : i32 to vector<16xi32>
    %and3A_863 = arith.andi %get3A_854, %and3A_862 : vector<16xi32>
    %add3A_864 = arith.addi %mul3A_860, %and3A_863 : vector<16xi32>
    %swap3A_865 = arith.constant 976 : index
    %swap3A_866 = tpu.vector_load %arg7[%swap3A_865] {strides = array<i32>} : memref<1600xi32, #tpu.memory_space<vmem>>, vector<16xi32>,
    tpu.vector_store %arg7[%swap3A_865], %add3A_864 {strides = array<i32>} : memref<1600xi32, #tpu.memory_space<vmem>>, vector<16xi32>,
    %get3A_867 = arith.constant 992 : index
    %get3A_868 = tpu.vector_load %arg6[%get3A_867] {strides = array<i32>} : memref<1600xi32, #tpu.memory_space<vmem>>, vector<16xi32>,
    %shift_right_logical3A_869 = arith.constant 10 : i32
    %shift_right_logical3A_870 = vector.broadcast %shift_right_logical3A_869 : i32 to vector<16xi32>
    %shift_right_logical3A_871 = arith.shrui %get3A_868, %shift_right_logical3A_870 : vector<16xi32>
    %mul3A_872 = arith.constant 1000 : i32
    %mul3A_873 = vector.broadcast %mul3A_872 : i32 to vector<16xi32>
    %mul3A_874 = arith.muli %shift_right_logical3A_871, %mul3A_873 : vector<16xi32>
    %and3A_875 = arith.constant 1023 : i32
    %and3A_876 = vector.broadcast %and3A_875 : i32 to vector<16xi32>
    %and3A_877 = arith.andi %get3A_868, %and3A_876 : vector<16xi32>
    %add3A_878 = arith.addi %mul3A_874, %and3A_877 : vector<16xi32>
    %swap3A_879 = arith.constant 992 : index
    %swap3A_880 = tpu.vector_load %arg7[%swap3A_879] {strides = array<i32>} : memref<1600xi32, #tpu.memory_space<vmem>>, vector<16xi32>,
    tpu.vector_store %arg7[%swap3A_879], %add3A_878 {strides = array<i32>} : memref<1600xi32, #tpu.memory_space<vmem>>, vector<16xi32>,
    %get3A_881 = arith.constant 1008 : index
    %get3A_882 = tpu.vector_load %arg6[%get3A_881] {strides = array<i32>} : memref<1600xi32, #tpu.memory_space<vmem>>, vector<16xi32>,
    %shift_right_logical3A_883 = arith.constant 10 : i32
    %shift_right_logical3A_884 = vector.broadcast %shift_right_logical3A_883 : i32 to vector<16xi32>
    %shift_right_logical3A_885 = arith.shrui %get3A_882, %shift_right_logical3A_884 : vector<16xi32>
    %mul3A_886 = arith.constant 1000 : i32
    %mul3A_887 = vector.broadcast %mul3A_886 : i32 to vector<16xi32>
    %mul3A_888 = arith.muli %shift_right_logical3A_885, %mul3A_887 : vector<16xi32>
    %and3A_889 = arith.constant 1023 : i32
    %and3A_890 = vector.broadcast %and3A_889 : i32 to vector<16xi32>
    %and3A_891 = arith.andi %get3A_882, %and3A_890 : vector<16xi32>
    %add3A_892 = arith.addi %mul3A_888, %and3A_891 : vector<16xi32>
    %swap3A_893 = arith.constant 1008 : index
    %swap3A_894 = tpu.vector_load %arg7[%swap3A_893] {strides = array<i32>} : memref<1600xi32, #tpu.memory_space<vmem>>, vector<16xi32>,
    tpu.vector_store %arg7[%swap3A_893], %add3A_892 {strides = array<i32>} : memref<1600xi32, #tpu.memory_space<vmem>>, vector<16xi32>,
    %get3A_895 = arith.constant 1024 : index
    %get3A_896 = tpu.vector_load %arg6[%get3A_895] {strides = array<i32>} : memref<1600xi32, #tpu.memory_space<vmem>>, vector<16xi32>,
    %shift_right_logical3A_897 = arith.constant 10 : i32
    %shift_right_logical3A_898 = vector.broadcast %shift_right_logical3A_897 : i32 to vector<16xi32>
    %shift_right_logical3A_899 = arith.shrui %get3A_896, %shift_right_logical3A_898 : vector<16xi32>
    %mul3A_900 = arith.constant 1000 : i32
    %mul3A_901 = vector.broadcast %mul3A_900 : i32 to vector<16xi32>
    %mul3A_902 = arith.muli %shift_right_logical3A_899, %mul3A_901 : vector<16xi32>
    %and3A_903 = arith.constant 1023 : i32
    %and3A_904 = vector.broadcast %and3A_903 : i32 to vector<16xi32>
    %and3A_905 = arith.andi %get3A_896, %and3A_904 : vector<16xi32>
    %add3A_906 = arith.addi %mul3A_902, %and3A_905 : vector<16xi32>
    %swap3A_907 = arith.constant 1024 : index
    %swap3A_908 = tpu.vector_load %arg7[%swap3A_907] {strides = array<i32>} : memref<1600xi32, #tpu.memory_space<vmem>>, vector<16xi32>,
    tpu.vector_store %arg7[%swap3A_907], %add3A_906 {strides = array<i32>} : memref<1600xi32, #tpu.memory_space<vmem>>, vector<16xi32>,
    %get3A_909 = arith.constant 1040 : index
    %get3A_910 = tpu.vector_load %arg6[%get3A_909] {strides = array<i32>} : memref<1600xi32, #tpu.memory_space<vmem>>, vector<16xi32>,
    %shift_right_logical3A_911 = arith.constant 10 : i32
    %shift_right_logical3A_912 = vector.broadcast %shift_right_logical3A_911 : i32 to vector<16xi32>
    %shift_right_logical3A_913 = arith.shrui %get3A_910, %shift_right_logical3A_912 : vector<16xi32>
    %mul3A_914 = arith.constant 1000 : i32
    %mul3A_915 = vector.broadcast %mul3A_914 : i32 to vector<16xi32>
    %mul3A_916 = arith.muli %shift_right_logical3A_913, %mul3A_915 : vector<16xi32>
    %and3A_917 = arith.constant 1023 : i32
    %and3A_918 = vector.broadcast %and3A_917 : i32 to vector<16xi32>
    %and3A_919 = arith.andi %get3A_910, %and3A_918 : vector<16xi32>
    %add3A_920 = arith.addi %mul3A_916, %and3A_919 : vector<16xi32>
    %swap3A_921 = arith.constant 1040 : index
    %swap3A_922 = tpu.vector_load %arg7[%swap3A_921] {strides = array<i32>} : memref<1600xi32, #tpu.memory_space<vmem>>, vector<16xi32>,
    tpu.vector_store %arg7[%swap3A_921], %add3A_920 {strides = array<i32>} : memref<1600xi32, #tpu.memory_space<vmem>>, vector<16xi32>,
    %get3A_923 = arith.constant 1056 : index
    %get3A_924 = tpu.vector_load %arg6[%get3A_923] {strides = array<i32>} : memref<1600xi32, #tpu.memory_space<vmem>>, vector<16xi32>,
    %shift_right_logical3A_925 = arith.constant 10 : i32
    %shift_right_logical3A_926 = vector.broadcast %shift_right_logical3A_925 : i32 to vector<16xi32>
    %shift_right_logical3A_927 = arith.shrui %get3A_924, %shift_right_logical3A_926 : vector<16xi32>
    %mul3A_928 = arith.constant 1000 : i32
    %mul3A_929 = vector.broadcast %mul3A_928 : i32 to vector<16xi32>
    %mul3A_930 = arith.muli %shift_right_logical3A_927, %mul3A_929 : vector<16xi32>
    %and3A_931 = arith.constant 1023 : i32
    %and3A_932 = vector.broadcast %and3A_931 : i32 to vector<16xi32>
    %and3A_933 = arith.andi %get3A_924, %and3A_932 : vector<16xi32>
    %add3A_934 = arith.addi %mul3A_930, %and3A_933 : vector<16xi32>
    %swap3A_935 = arith.constant 1056 : index
    %swap3A_936 = tpu.vector_load %arg7[%swap3A_935] {strides = array<i32>} : memref<1600xi32, #tpu.memory_space<vmem>>, vector<16xi32>,
    tpu.vector_store %arg7[%swap3A_935], %add3A_934 {strides = array<i32>} : memref<1600xi32, #tpu.memory_space<vmem>>, vector<16xi32>,
    %get3A_937 = arith.constant 1072 : index
    %get3A_938 = tpu.vector_load %arg6[%get3A_937] {strides = array<i32>} : memref<1600xi32, #tpu.memory_space<vmem>>, vector<16xi32>,
    %shift_right_logical3A_939 = arith.constant 10 : i32
    %shift_right_logical3A_940 = vector.broadcast %shift_right_logical3A_939 : i32 to vector<16xi32>
    %shift_right_logical3A_941 = arith.shrui %get3A_938, %shift_right_logical3A_940 : vector<16xi32>
    %mul3A_942 = arith.constant 1000 : i32
    %mul3A_943 = vector.broadcast %mul3A_942 : i32 to vector<16xi32>
    %mul3A_944 = arith.muli %shift_right_logical3A_941, %mul3A_943 : vector<16xi32>
    %and3A_945 = arith.constant 1023 : i32
    %and3A_946 = vector.broadcast %and3A_945 : i32 to vector<16xi32>
    %and3A_947 = arith.andi %get3A_938, %and3A_946 : vector<16xi32>
    %add3A_948 = arith.addi %mul3A_944, %and3A_947 : vector<16xi32>
    %swap3A_949 = arith.constant 1072 : index
    %swap3A_950 = tpu.vector_load %arg7[%swap3A_949] {strides = array<i32>} : memref<1600xi32, #tpu.memory_space<vmem>>, vector<16xi32>,
    tpu.vector_store %arg7[%swap3A_949], %add3A_948 {strides = array<i32>} : memref<1600xi32, #tpu.memory_space<vmem>>, vector<16xi32>,
    %get3A_951 = arith.constant 1088 : index
    %get3A_952 = tpu.vector_load %arg6[%get3A_951] {strides = array<i32>} : memref<1600xi32, #tpu.memory_space<vmem>>, vector<16xi32>,
    %shift_right_logical3A_953 = arith.constant 10 : i32
    %shift_right_logical3A_954 = vector.broadcast %shift_right_logical3A_953 : i32 to vector<16xi32>
    %shift_right_logical3A_955 = arith.shrui %get3A_952, %shift_right_logical3A_954 : vector<16xi32>
    %mul3A_956 = arith.constant 1000 : i32
    %mul3A_957 = vector.broadcast %mul3A_956 : i32 to vector<16xi32>
    %mul3A_958 = arith.muli %shift_right_logical3A_955, %mul3A_957 : vector<16xi32>
    %and3A_959 = arith.constant 1023 : i32
    %and3A_960 = vector.broadcast %and3A_959 : i32 to vector<16xi32>
    %and3A_961 = arith.andi %get3A_952, %and3A_960 : vector<16xi32>
    %add3A_962 = arith.addi %mul3A_958, %and3A_961 : vector<16xi32>
    %swap3A_963 = arith.constant 1088 : index
    %swap3A_964 = tpu.vector_load %arg7[%swap3A_963] {strides = array<i32>} : memref<1600xi32, #tpu.memory_space<vmem>>, vector<16xi32>,
    tpu.vector_store %arg7[%swap3A_963], %add3A_962 {strides = array<i32>} : memref<1600xi32, #tpu.memory_space<vmem>>, vector<16xi32>,
    %get3A_965 = arith.constant 1104 : index
    %get3A_966 = tpu.vector_load %arg6[%get3A_965] {strides = array<i32>} : memref<1600xi32, #tpu.memory_space<vmem>>, vector<16xi32>,
    %shift_right_logical3A_967 = arith.constant 10 : i32
    %shift_right_logical3A_968 = vector.broadcast %shift_right_logical3A_967 : i32 to vector<16xi32>
    %shift_right_logical3A_969 = arith.shrui %get3A_966, %shift_right_logical3A_968 : vector<16xi32>
    %mul3A_970 = arith.constant 1000 : i32
    %mul3A_971 = vector.broadcast %mul3A_970 : i32 to vector<16xi32>
    %mul3A_972 = arith.muli %shift_right_logical3A_969, %mul3A_971 : vector<16xi32>
    %and3A_973 = arith.constant 1023 : i32
    %and3A_974 = vector.broadcast %and3A_973 : i32 to vector<16xi32>
    %and3A_975 = arith.andi %get3A_966, %and3A_974 : vector<16xi32>
    %add3A_976 = arith.addi %mul3A_972, %and3A_975 : vector<16xi32>
    %swap3A_977 = arith.constant 1104 : index
    %swap3A_978 = tpu.vector_load %arg7[%swap3A_977] {strides = array<i32>} : memref<1600xi32, #tpu.memory_space<vmem>>, vector<16xi32>,
    tpu.vector_store %arg7[%swap3A_977], %add3A_976 {strides = array<i32>} : memref<1600xi32, #tpu.memory_space<vmem>>, vector<16xi32>,
    %get3A_979 = arith.constant 1120 : index
    %get3A_980 = tpu.vector_load %arg6[%get3A_979] {strides = array<i32>} : memref<1600xi32, #tpu.memory_space<vmem>>, vector<16xi32>,
    %shift_right_logical3A_981 = arith.constant 10 : i32
    %shift_right_logical3A_982 = vector.broadcast %shift_right_logical3A_981 : i32 to vector<16xi32>
    %shift_right_logical3A_983 = arith.shrui %get3A_980, %shift_right_logical3A_982 : vector<16xi32>
    %mul3A_984 = arith.constant 1000 : i32
    %mul3A_985 = vector.broadcast %mul3A_984 : i32 to vector<16xi32>
    %mul3A_986 = arith.muli %shift_right_logical3A_983, %mul3A_985 : vector<16xi32>
    %and3A_987 = arith.constant 1023 : i32
    %and3A_988 = vector.broadcast %and3A_987 : i32 to vector<16xi32>
    %and3A_989 = arith.andi %get3A_980, %and3A_988 : vector<16xi32>
    %add3A_990 = arith.addi %mul3A_986, %and3A_989 : vector<16xi32>
    %swap3A_991 = arith.constant 1120 : index
    %swap3A_992 = tpu.vector_load %arg7[%swap3A_991] {strides = array<i32>} : memref<1600xi32, #tpu.memory_space<vmem>>, vector<16xi32>,
    tpu.vector_store %arg7[%swap3A_991], %add3A_990 {strides = array<i32>} : memref<1600xi32, #tpu.memory_space<vmem>>, vector<16xi32>,
    %get3A_993 = arith.constant 1136 : index
    %get3A_994 = tpu.vector_load %arg6[%get3A_993] {strides = array<i32>} : memref<1600xi32, #tpu.memory_space<vmem>>, vector<16xi32>,
    %shift_right_logical3A_995 = arith.constant 10 : i32
    %shift_right_logical3A_996 = vector.broadcast %shift_right_logical3A_995 : i32 to vector<16xi32>
    %shift_right_logical3A_997 = arith.shrui %get3A_994, %shift_right_logical3A_996 : vector<16xi32>
    %mul3A_998 = arith.constant 1000 : i32
    %mul3A_999 = vector.broadcast %mul3A_998 : i32 to vector<16xi32>
    %mul3A_1000 = arith.muli %shift_right_logical3A_997, %mul3A_999 : vector<16xi32>
    %and3A_1001 = arith.constant 1023 : i32
    %and3A_1002 = vector.broadcast %and3A_1001 : i32 to vector<16xi32>
    %and3A_1003 = arith.andi %get3A_994, %and3A_1002 : vector<16xi32>
    %add3A_1004 = arith.addi %mul3A_1000, %and3A_1003 : vector<16xi32>
    %swap3A_1005 = arith.constant 1136 : index
    %swap3A_1006 = tpu.vector_load %arg7[%swap3A_1005] {strides = array<i32>} : memref<1600xi32, #tpu.memory_space<vmem>>, vector<16xi32>,
    tpu.vector_store %arg7[%swap3A_1005], %add3A_1004 {strides = array<i32>} : memref<1600xi32, #tpu.memory_space<vmem>>, vector<16xi32>,
    %get3A_1007 = arith.constant 1152 : index
    %get3A_1008 = tpu.vector_load %arg6[%get3A_1007] {strides = array<i32>} : memref<1600xi32, #tpu.memory_space<vmem>>, vector<16xi32>,
    %shift_right_logical3A_1009 = arith.constant 10 : i32
    %shift_right_logical3A_1010 = vector.broadcast %shift_right_logical3A_1009 : i32 to vector<16xi32>
    %shift_right_logical3A_1011 = arith.shrui %get3A_1008, %shift_right_logical3A_1010 : vector<16xi32>
    %mul3A_1012 = arith.constant 1000 : i32
    %mul3A_1013 = vector.broadcast %mul3A_1012 : i32 to vector<16xi32>
    %mul3A_1014 = arith.muli %shift_right_logical3A_1011, %mul3A_1013 : vector<16xi32>
    %and3A_1015 = arith.constant 1023 : i32
    %and3A_1016 = vector.broadcast %and3A_1015 : i32 to vector<16xi32>
    %and3A_1017 = arith.andi %get3A_1008, %and3A_1016 : vector<16xi32>
    %add3A_1018 = arith.addi %mul3A_1014, %and3A_1017 : vector<16xi32>
    %swap3A_1019 = arith.constant 1152 : index
    %swap3A_1020 = tpu.vector_load %arg7[%swap3A_1019] {strides = array<i32>} : memref<1600xi32, #tpu.memory_space<vmem>>, vector<16xi32>,
    tpu.vector_store %arg7[%swap3A_1019], %add3A_1018 {strides = array<i32>} : memref<1600xi32, #tpu.memory_space<vmem>>, vector<16xi32>,
    %get3A_1021 = arith.constant 1168 : index
    %get3A_1022 = tpu.vector_load %arg6[%get3A_1021] {strides = array<i32>} : memref<1600xi32, #tpu.memory_space<vmem>>, vector<16xi32>,
    %shift_right_logical3A_1023 = arith.constant 10 : i32
    %shift_right_logical3A_1024 = vector.broadcast %shift_right_logical3A_1023 : i32 to vector<16xi32>
    %shift_right_logical3A_1025 = arith.shrui %get3A_1022, %shift_right_logical3A_1024 : vector<16xi32>
    %mul3A_1026 = arith.constant 1000 : i32
    %mul3A_1027 = vector.broadcast %mul3A_1026 : i32 to vector<16xi32>
    %mul3A_1028 = arith.muli %shift_right_logical3A_1025, %mul3A_1027 : vector<16xi32>
    %and3A_1029 = arith.constant 1023 : i32
    %and3A_1030 = vector.broadcast %and3A_1029 : i32 to vector<16xi32>
    %and3A_1031 = arith.andi %get3A_1022, %and3A_1030 : vector<16xi32>
    %add3A_1032 = arith.addi %mul3A_1028, %and3A_1031 : vector<16xi32>
    %swap3A_1033 = arith.constant 1168 : index
    %swap3A_1034 = tpu.vector_load %arg7[%swap3A_1033] {strides = array<i32>} : memref<1600xi32, #tpu.memory_space<vmem>>, vector<16xi32>,
    tpu.vector_store %arg7[%swap3A_1033], %add3A_1032 {strides = array<i32>} : memref<1600xi32, #tpu.memory_space<vmem>>, vector<16xi32>,
    %get3A_1035 = arith.constant 1184 : index
    %get3A_1036 = tpu.vector_load %arg6[%get3A_1035] {strides = array<i32>} : memref<1600xi32, #tpu.memory_space<vmem>>, vector<16xi32>,
    %shift_right_logical3A_1037 = arith.constant 10 : i32
    %shift_right_logical3A_1038 = vector.broadcast %shift_right_logical3A_1037 : i32 to vector<16xi32>
    %shift_right_logical3A_1039 = arith.shrui %get3A_1036, %shift_right_logical3A_1038 : vector<16xi32>
    %mul3A_1040 = arith.constant 1000 : i32
    %mul3A_1041 = vector.broadcast %mul3A_1040 : i32 to vector<16xi32>
    %mul3A_1042 = arith.muli %shift_right_logical3A_1039, %mul3A_1041 : vector<16xi32>
    %and3A_1043 = arith.constant 1023 : i32
    %and3A_1044 = vector.broadcast %and3A_1043 : i32 to vector<16xi32>
    %and3A_1045 = arith.andi %get3A_1036, %and3A_1044 : vector<16xi32>
    %add3A_1046 = arith.addi %mul3A_1042, %and3A_1045 : vector<16xi32>
    %swap3A_1047 = arith.constant 1184 : index
    %swap3A_1048 = tpu.vector_load %arg7[%swap3A_1047] {strides = array<i32>} : memref<1600xi32, #tpu.memory_space<vmem>>, vector<16xi32>,
    tpu.vector_store %arg7[%swap3A_1047], %add3A_1046 {strides = array<i32>} : memref<1600xi32, #tpu.memory_space<vmem>>, vector<16xi32>,
    %get3A_1049 = arith.constant 1200 : index
    %get3A_1050 = tpu.vector_load %arg6[%get3A_1049] {strides = array<i32>} : memref<1600xi32, #tpu.memory_space<vmem>>, vector<16xi32>,
    %shift_right_logical3A_1051 = arith.constant 10 : i32
    %shift_right_logical3A_1052 = vector.broadcast %shift_right_logical3A_1051 : i32 to vector<16xi32>
    %shift_right_logical3A_1053 = arith.shrui %get3A_1050, %shift_right_logical3A_1052 : vector<16xi32>
    %mul3A_1054 = arith.constant 1000 : i32
    %mul3A_1055 = vector.broadcast %mul3A_1054 : i32 to vector<16xi32>
    %mul3A_1056 = arith.muli %shift_right_logical3A_1053, %mul3A_1055 : vector<16xi32>
    %and3A_1057 = arith.constant 1023 : i32
    %and3A_1058 = vector.broadcast %and3A_1057 : i32 to vector<16xi32>
    %and3A_1059 = arith.andi %get3A_1050, %and3A_1058 : vector<16xi32>
    %add3A_1060 = arith.addi %mul3A_1056, %and3A_1059 : vector<16xi32>
    %swap3A_1061 = arith.constant 1200 : index
    %swap3A_1062 = tpu.vector_load %arg7[%swap3A_1061] {strides = array<i32>} : memref<1600xi32, #tpu.memory_space<vmem>>, vector<16xi32>,
    tpu.vector_store %arg7[%swap3A_1061], %add3A_1060 {strides = array<i32>} : memref<1600xi32, #tpu.memory_space<vmem>>, vector<16xi32>,
    %get3A_1063 = arith.constant 1216 : index
    %get3A_1064 = tpu.vector_load %arg6[%get3A_1063] {strides = array<i32>} : memref<1600xi32, #tpu.memory_space<vmem>>, vector<16xi32>,
    %shift_right_logical3A_1065 = arith.constant 10 : i32
    %shift_right_logical3A_1066 = vector.broadcast %shift_right_logical3A_1065 : i32 to vector<16xi32>
    %shift_right_logical3A_1067 = arith.shrui %get3A_1064, %shift_right_logical3A_1066 : vector<16xi32>
    %mul3A_1068 = arith.constant 1000 : i32
    %mul3A_1069 = vector.broadcast %mul3A_1068 : i32 to vector<16xi32>
    %mul3A_1070 = arith.muli %shift_right_logical3A_1067, %mul3A_1069 : vector<16xi32>
    %and3A_1071 = arith.constant 1023 : i32
    %and3A_1072 = vector.broadcast %and3A_1071 : i32 to vector<16xi32>
    %and3A_1073 = arith.andi %get3A_1064, %and3A_1072 : vector<16xi32>
    %add3A_1074 = arith.addi %mul3A_1070, %and3A_1073 : vector<16xi32>
    %swap3A_1075 = arith.constant 1216 : index
    %swap3A_1076 = tpu.vector_load %arg7[%swap3A_1075] {strides = array<i32>} : memref<1600xi32, #tpu.memory_space<vmem>>, vector<16xi32>,
    tpu.vector_store %arg7[%swap3A_1075], %add3A_1074 {strides = array<i32>} : memref<1600xi32, #tpu.memory_space<vmem>>, vector<16xi32>,
    %get3A_1077 = arith.constant 1232 : index
    %get3A_1078 = tpu.vector_load %arg6[%get3A_1077] {strides = array<i32>} : memref<1600xi32, #tpu.memory_space<vmem>>, vector<16xi32>,
    %shift_right_logical3A_1079 = arith.constant 10 : i32
    %shift_right_logical3A_1080 = vector.broadcast %shift_right_logical3A_1079 : i32 to vector<16xi32>
    %shift_right_logical3A_1081 = arith.shrui %get3A_1078, %shift_right_logical3A_1080 : vector<16xi32>
    %mul3A_1082 = arith.constant 1000 : i32
    %mul3A_1083 = vector.broadcast %mul3A_1082 : i32 to vector<16xi32>
    %mul3A_1084 = arith.muli %shift_right_logical3A_1081, %mul3A_1083 : vector<16xi32>
    %and3A_1085 = arith.constant 1023 : i32
    %and3A_1086 = vector.broadcast %and3A_1085 : i32 to vector<16xi32>
    %and3A_1087 = arith.andi %get3A_1078, %and3A_1086 : vector<16xi32>
    %add3A_1088 = arith.addi %mul3A_1084, %and3A_1087 : vector<16xi32>
    %swap3A_1089 = arith.constant 1232 : index
    %swap3A_1090 = tpu.vector_load %arg7[%swap3A_1089] {strides = array<i32>} : memref<1600xi32, #tpu.memory_space<vmem>>, vector<16xi32>,
    tpu.vector_store %arg7[%swap3A_1089], %add3A_1088 {strides = array<i32>} : memref<1600xi32, #tpu.memory_space<vmem>>, vector<16xi32>,
    %get3A_1091 = arith.constant 1248 : index
    %get3A_1092 = tpu.vector_load %arg6[%get3A_1091] {strides = array<i32>} : memref<1600xi32, #tpu.memory_space<vmem>>, vector<16xi32>,
    %shift_right_logical3A_1093 = arith.constant 10 : i32
    %shift_right_logical3A_1094 = vector.broadcast %shift_right_logical3A_1093 : i32 to vector<16xi32>
    %shift_right_logical3A_1095 = arith.shrui %get3A_1092, %shift_right_logical3A_1094 : vector<16xi32>
    %mul3A_1096 = arith.constant 1000 : i32
    %mul3A_1097 = vector.broadcast %mul3A_1096 : i32 to vector<16xi32>
    %mul3A_1098 = arith.muli %shift_right_logical3A_1095, %mul3A_1097 : vector<16xi32>
    %and3A_1099 = arith.constant 1023 : i32
    %and3A_1100 = vector.broadcast %and3A_1099 : i32 to vector<16xi32>
    %and3A_1101 = arith.andi %get3A_1092, %and3A_1100 : vector<16xi32>
    %add3A_1102 = arith.addi %mul3A_1098, %and3A_1101 : vector<16xi32>
    %swap3A_1103 = arith.constant 1248 : index
    %swap3A_1104 = tpu.vector_load %arg7[%swap3A_1103] {strides = array<i32>} : memref<1600xi32, #tpu.memory_space<vmem>>, vector<16xi32>,
    tpu.vector_store %arg7[%swap3A_1103], %add3A_1102 {strides = array<i32>} : memref<1600xi32, #tpu.memory_space<vmem>>, vector<16xi32>,
    %get3A_1105 = arith.constant 1264 : index
    %get3A_1106 = tpu.vector_load %arg6[%get3A_1105] {strides = array<i32>} : memref<1600xi32, #tpu.memory_space<vmem>>, vector<16xi32>,
    %shift_right_logical3A_1107 = arith.constant 10 : i32
    %shift_right_logical3A_1108 = vector.broadcast %shift_right_logical3A_1107 : i32 to vector<16xi32>
    %shift_right_logical3A_1109 = arith.shrui %get3A_1106, %shift_right_logical3A_1108 : vector<16xi32>
    %mul3A_1110 = arith.constant 1000 : i32
    %mul3A_1111 = vector.broadcast %mul3A_1110 : i32 to vector<16xi32>
    %mul3A_1112 = arith.muli %shift_right_logical3A_1109, %mul3A_1111 : vector<16xi32>
    %and3A_1113 = arith.constant 1023 : i32
    %and3A_1114 = vector.broadcast %and3A_1113 : i32 to vector<16xi32>
    %and3A_1115 = arith.andi %get3A_1106, %and3A_1114 : vector<16xi32>
    %add3A_1116 = arith.addi %mul3A_1112, %and3A_1115 : vector<16xi32>
    %swap3A_1117 = arith.constant 1264 : index
    %swap3A_1118 = tpu.vector_load %arg7[%swap3A_1117] {strides = array<i32>} : memref<1600xi32, #tpu.memory_space<vmem>>, vector<16xi32>,
    tpu.vector_store %arg7[%swap3A_1117], %add3A_1116 {strides = array<i32>} : memref<1600xi32, #tpu.memory_space<vmem>>, vector<16xi32>,
    %get3A_1119 = arith.constant 1280 : index
    %get3A_1120 = tpu.vector_load %arg6[%get3A_1119] {strides = array<i32>} : memref<1600xi32, #tpu.memory_space<vmem>>, vector<16xi32>,
    %shift_right_logical3A_1121 = arith.constant 10 : i32
    %shift_right_logical3A_1122 = vector.broadcast %shift_right_logical3A_1121 : i32 to vector<16xi32>
    %shift_right_logical3A_1123 = arith.shrui %get3A_1120, %shift_right_logical3A_1122 : vector<16xi32>
    %mul3A_1124 = arith.constant 1000 : i32
    %mul3A_1125 = vector.broadcast %mul3A_1124 : i32 to vector<16xi32>
    %mul3A_1126 = arith.muli %shift_right_logical3A_1123, %mul3A_1125 : vector<16xi32>
    %and3A_1127 = arith.constant 1023 : i32
    %and3A_1128 = vector.broadcast %and3A_1127 : i32 to vector<16xi32>
    %and3A_1129 = arith.andi %get3A_1120, %and3A_1128 : vector<16xi32>
    %add3A_1130 = arith.addi %mul3A_1126, %and3A_1129 : vector<16xi32>
    %swap3A_1131 = arith.constant 1280 : index
    %swap3A_1132 = tpu.vector_load %arg7[%swap3A_1131] {strides = array<i32>} : memref<1600xi32, #tpu.memory_space<vmem>>, vector<16xi32>,
    tpu.vector_store %arg7[%swap3A_1131], %add3A_1130 {strides = array<i32>} : memref<1600xi32, #tpu.memory_space<vmem>>, vector<16xi32>,
    %get3A_1133 = arith.constant 1296 : index
    %get3A_1134 = tpu.vector_load %arg6[%get3A_1133] {strides = array<i32>} : memref<1600xi32, #tpu.memory_space<vmem>>, vector<16xi32>,
    %shift_right_logical3A_1135 = arith.constant 10 : i32
    %shift_right_logical3A_1136 = vector.broadcast %shift_right_logical3A_1135 : i32 to vector<16xi32>
    %shift_right_logical3A_1137 = arith.shrui %get3A_1134, %shift_right_logical3A_1136 : vector<16xi32>
    %mul3A_1138 = arith.constant 1000 : i32
    %mul3A_1139 = vector.broadcast %mul3A_1138 : i32 to vector<16xi32>
    %mul3A_1140 = arith.muli %shift_right_logical3A_1137, %mul3A_1139 : vector<16xi32>
    %and3A_1141 = arith.constant 1023 : i32
    %and3A_1142 = vector.broadcast %and3A_1141 : i32 to vector<16xi32>
    %and3A_1143 = arith.andi %get3A_1134, %and3A_1142 : vector<16xi32>
    %add3A_1144 = arith.addi %mul3A_1140, %and3A_1143 : vector<16xi32>
    %swap3A_1145 = arith.constant 1296 : index
    %swap3A_1146 = tpu.vector_load %arg7[%swap3A_1145] {strides = array<i32>} : memref<1600xi32, #tpu.memory_space<vmem>>, vector<16xi32>,
    tpu.vector_store %arg7[%swap3A_1145], %add3A_1144 {strides = array<i32>} : memref<1600xi32, #tpu.memory_space<vmem>>, vector<16xi32>,
    %get3A_1147 = arith.constant 1312 : index
    %get3A_1148 = tpu.vector_load %arg6[%get3A_1147] {strides = array<i32>} : memref<1600xi32, #tpu.memory_space<vmem>>, vector<16xi32>,
    %shift_right_logical3A_1149 = arith.constant 10 : i32
    %shift_right_logical3A_1150 = vector.broadcast %shift_right_logical3A_1149 : i32 to vector<16xi32>
    %shift_right_logical3A_1151 = arith.shrui %get3A_1148, %shift_right_logical3A_1150 : vector<16xi32>
    %mul3A_1152 = arith.constant 1000 : i32
    %mul3A_1153 = vector.broadcast %mul3A_1152 : i32 to vector<16xi32>
    %mul3A_1154 = arith.muli %shift_right_logical3A_1151, %mul3A_1153 : vector<16xi32>
    %and3A_1155 = arith.constant 1023 : i32
    %and3A_1156 = vector.broadcast %and3A_1155 : i32 to vector<16xi32>
    %and3A_1157 = arith.andi %get3A_1148, %and3A_1156 : vector<16xi32>
    %add3A_1158 = arith.addi %mul3A_1154, %and3A_1157 : vector<16xi32>
    %swap3A_1159 = arith.constant 1312 : index
    %swap3A_1160 = tpu.vector_load %arg7[%swap3A_1159] {strides = array<i32>} : memref<1600xi32, #tpu.memory_space<vmem>>, vector<16xi32>,
    tpu.vector_store %arg7[%swap3A_1159], %add3A_1158 {strides = array<i32>} : memref<1600xi32, #tpu.memory_space<vmem>>, vector<16xi32>,
    %get3A_1161 = arith.constant 1328 : index
    %get3A_1162 = tpu.vector_load %arg6[%get3A_1161] {strides = array<i32>} : memref<1600xi32, #tpu.memory_space<vmem>>, vector<16xi32>,
    %shift_right_logical3A_1163 = arith.constant 10 : i32
    %shift_right_logical3A_1164 = vector.broadcast %shift_right_logical3A_1163 : i32 to vector<16xi32>
    %shift_right_logical3A_1165 = arith.shrui %get3A_1162, %shift_right_logical3A_1164 : vector<16xi32>
    %mul3A_1166 = arith.constant 1000 : i32
    %mul3A_1167 = vector.broadcast %mul3A_1166 : i32 to vector<16xi32>
    %mul3A_1168 = arith.muli %shift_right_logical3A_1165, %mul3A_1167 : vector<16xi32>
    %and3A_1169 = arith.constant 1023 : i32
    %and3A_1170 = vector.broadcast %and3A_1169 : i32 to vector<16xi32>
    %and3A_1171 = arith.andi %get3A_1162, %and3A_1170 : vector<16xi32>
    %add3A_1172 = arith.addi %mul3A_1168, %and3A_1171 : vector<16xi32>
    %swap3A_1173 = arith.constant 1328 : index
    %swap3A_1174 = tpu.vector_load %arg7[%swap3A_1173] {strides = array<i32>} : memref<1600xi32, #tpu.memory_space<vmem>>, vector<16xi32>,
    tpu.vector_store %arg7[%swap3A_1173], %add3A_1172 {strides = array<i32>} : memref<1600xi32, #tpu.memory_space<vmem>>, vector<16xi32>,
    %get3A_1175 = arith.constant 1344 : index
    %get3A_1176 = tpu.vector_load %arg6[%get3A_1175] {strides = array<i32>} : memref<1600xi32, #tpu.memory_space<vmem>>, vector<16xi32>,
    %shift_right_logical3A_1177 = arith.constant 10 : i32
    %shift_right_logical3A_1178 = vector.broadcast %shift_right_logical3A_1177 : i32 to vector<16xi32>
    %shift_right_logical3A_1179 = arith.shrui %get3A_1176, %shift_right_logical3A_1178 : vector<16xi32>
    %mul3A_1180 = arith.constant 1000 : i32
    %mul3A_1181 = vector.broadcast %mul3A_1180 : i32 to vector<16xi32>
    %mul3A_1182 = arith.muli %shift_right_logical3A_1179, %mul3A_1181 : vector<16xi32>
    %and3A_1183 = arith.constant 1023 : i32
    %and3A_1184 = vector.broadcast %and3A_1183 : i32 to vector<16xi32>
    %and3A_1185 = arith.andi %get3A_1176, %and3A_1184 : vector<16xi32>
    %add3A_1186 = arith.addi %mul3A_1182, %and3A_1185 : vector<16xi32>
    %swap3A_1187 = arith.constant 1344 : index
    %swap3A_1188 = tpu.vector_load %arg7[%swap3A_1187] {strides = array<i32>} : memref<1600xi32, #tpu.memory_space<vmem>>, vector<16xi32>,
    tpu.vector_store %arg7[%swap3A_1187], %add3A_1186 {strides = array<i32>} : memref<1600xi32, #tpu.memory_space<vmem>>, vector<16xi32>,
    %get3A_1189 = arith.constant 1360 : index
    %get3A_1190 = tpu.vector_load %arg6[%get3A_1189] {strides = array<i32>} : memref<1600xi32, #tpu.memory_space<vmem>>, vector<16xi32>,
    %shift_right_logical3A_1191 = arith.constant 10 : i32
    %shift_right_logical3A_1192 = vector.broadcast %shift_right_logical3A_1191 : i32 to vector<16xi32>
    %shift_right_logical3A_1193 = arith.shrui %get3A_1190, %shift_right_logical3A_1192 : vector<16xi32>
    %mul3A_1194 = arith.constant 1000 : i32
    %mul3A_1195 = vector.broadcast %mul3A_1194 : i32 to vector<16xi32>
    %mul3A_1196 = arith.muli %shift_right_logical3A_1193, %mul3A_1195 : vector<16xi32>
    %and3A_1197 = arith.constant 1023 : i32
    %and3A_1198 = vector.broadcast %and3A_1197 : i32 to vector<16xi32>
    %and3A_1199 = arith.andi %get3A_1190, %and3A_1198 : vector<16xi32>
    %add3A_1200 = arith.addi %mul3A_1196, %and3A_1199 : vector<16xi32>
    %swap3A_1201 = arith.constant 1360 : index
    %swap3A_1202 = tpu.vector_load %arg7[%swap3A_1201] {strides = array<i32>} : memref<1600xi32, #tpu.memory_space<vmem>>, vector<16xi32>,
    tpu.vector_store %arg7[%swap3A_1201], %add3A_1200 {strides = array<i32>} : memref<1600xi32, #tpu.memory_space<vmem>>, vector<16xi32>,
    %get3A_1203 = arith.constant 1376 : index
    %get3A_1204 = tpu.vector_load %arg6[%get3A_1203] {strides = array<i32>} : memref<1600xi32, #tpu.memory_space<vmem>>, vector<16xi32>,
    %shift_right_logical3A_1205 = arith.constant 10 : i32
    %shift_right_logical3A_1206 = vector.broadcast %shift_right_logical3A_1205 : i32 to vector<16xi32>
    %shift_right_logical3A_1207 = arith.shrui %get3A_1204, %shift_right_logical3A_1206 : vector<16xi32>
    %mul3A_1208 = arith.constant 1000 : i32
    %mul3A_1209 = vector.broadcast %mul3A_1208 : i32 to vector<16xi32>
    %mul3A_1210 = arith.muli %shift_right_logical3A_1207, %mul3A_1209 : vector<16xi32>
    %and3A_1211 = arith.constant 1023 : i32
    %and3A_1212 = vector.broadcast %and3A_1211 : i32 to vector<16xi32>
    %and3A_1213 = arith.andi %get3A_1204, %and3A_1212 : vector<16xi32>
    %add3A_1214 = arith.addi %mul3A_1210, %and3A_1213 : vector<16xi32>
    %swap3A_1215 = arith.constant 1376 : index
    %swap3A_1216 = tpu.vector_load %arg7[%swap3A_1215] {strides = array<i32>} : memref<1600xi32, #tpu.memory_space<vmem>>, vector<16xi32>,
    tpu.vector_store %arg7[%swap3A_1215], %add3A_1214 {strides = array<i32>} : memref<1600xi32, #tpu.memory_space<vmem>>, vector<16xi32>,
    %get3A_1217 = arith.constant 1392 : index
    %get3A_1218 = tpu.vector_load %arg6[%get3A_1217] {strides = array<i32>} : memref<1600xi32, #tpu.memory_space<vmem>>, vector<16xi32>,
    %shift_right_logical3A_1219 = arith.constant 10 : i32
    %shift_right_logical3A_1220 = vector.broadcast %shift_right_logical3A_1219 : i32 to vector<16xi32>
    %shift_right_logical3A_1221 = arith.shrui %get3A_1218, %shift_right_logical3A_1220 : vector<16xi32>
    %mul3A_1222 = arith.constant 1000 : i32
    %mul3A_1223 = vector.broadcast %mul3A_1222 : i32 to vector<16xi32>
    %mul3A_1224 = arith.muli %shift_right_logical3A_1221, %mul3A_1223 : vector<16xi32>
    %and3A_1225 = arith.constant 1023 : i32
    %and3A_1226 = vector.broadcast %and3A_1225 : i32 to vector<16xi32>
    %and3A_1227 = arith.andi %get3A_1218, %and3A_1226 : vector<16xi32>
    %add3A_1228 = arith.addi %mul3A_1224, %and3A_1227 : vector<16xi32>
    %swap3A_1229 = arith.constant 1392 : index
    %swap3A_1230 = tpu.vector_load %arg7[%swap3A_1229] {strides = array<i32>} : memref<1600xi32, #tpu.memory_space<vmem>>, vector<16xi32>,
    tpu.vector_store %arg7[%swap3A_1229], %add3A_1228 {strides = array<i32>} : memref<1600xi32, #tpu.memory_space<vmem>>, vector<16xi32>,
    %get3A_1231 = arith.constant 1408 : index
    %get3A_1232 = tpu.vector_load %arg6[%get3A_1231] {strides = array<i32>} : memref<1600xi32, #tpu.memory_space<vmem>>, vector<16xi32>,
    %shift_right_logical3A_1233 = arith.constant 10 : i32
    %shift_right_logical3A_1234 = vector.broadcast %shift_right_logical3A_1233 : i32 to vector<16xi32>
    %shift_right_logical3A_1235 = arith.shrui %get3A_1232, %shift_right_logical3A_1234 : vector<16xi32>
    %mul3A_1236 = arith.constant 1000 : i32
    %mul3A_1237 = vector.broadcast %mul3A_1236 : i32 to vector<16xi32>
    %mul3A_1238 = arith.muli %shift_right_logical3A_1235, %mul3A_1237 : vector<16xi32>
    %and3A_1239 = arith.constant 1023 : i32
    %and3A_1240 = vector.broadcast %and3A_1239 : i32 to vector<16xi32>
    %and3A_1241 = arith.andi %get3A_1232, %and3A_1240 : vector<16xi32>
    %add3A_1242 = arith.addi %mul3A_1238, %and3A_1241 : vector<16xi32>
    %swap3A_1243 = arith.constant 1408 : index
    %swap3A_1244 = tpu.vector_load %arg7[%swap3A_1243] {strides = array<i32>} : memref<1600xi32, #tpu.memory_space<vmem>>, vector<16xi32>,
    tpu.vector_store %arg7[%swap3A_1243], %add3A_1242 {strides = array<i32>} : memref<1600xi32, #tpu.memory_space<vmem>>, vector<16xi32>,
    %get3A_1245 = arith.constant 1424 : index
    %get3A_1246 = tpu.vector_load %arg6[%get3A_1245] {strides = array<i32>} : memref<1600xi32, #tpu.memory_space<vmem>>, vector<16xi32>,
    %shift_right_logical3A_1247 = arith.constant 10 : i32
    %shift_right_logical3A_1248 = vector.broadcast %shift_right_logical3A_1247 : i32 to vector<16xi32>
    %shift_right_logical3A_1249 = arith.shrui %get3A_1246, %shift_right_logical3A_1248 : vector<16xi32>
    %mul3A_1250 = arith.constant 1000 : i32
    %mul3A_1251 = vector.broadcast %mul3A_1250 : i32 to vector<16xi32>
    %mul3A_1252 = arith.muli %shift_right_logical3A_1249, %mul3A_1251 : vector<16xi32>
    %and3A_1253 = arith.constant 1023 : i32
    %and3A_1254 = vector.broadcast %and3A_1253 : i32 to vector<16xi32>
    %and3A_1255 = arith.andi %get3A_1246, %and3A_1254 : vector<16xi32>
    %add3A_1256 = arith.addi %mul3A_1252, %and3A_1255 : vector<16xi32>
    %swap3A_1257 = arith.constant 1424 : index
    %swap3A_1258 = tpu.vector_load %arg7[%swap3A_1257] {strides = array<i32>} : memref<1600xi32, #tpu.memory_space<vmem>>, vector<16xi32>,
    tpu.vector_store %arg7[%swap3A_1257], %add3A_1256 {strides = array<i32>} : memref<1600xi32, #tpu.memory_space<vmem>>, vector<16xi32>,
    %get3A_1259 = arith.constant 1440 : index
    %get3A_1260 = tpu.vector_load %arg6[%get3A_1259] {strides = array<i32>} : memref<1600xi32, #tpu.memory_space<vmem>>, vector<16xi32>,
    %shift_right_logical3A_1261 = arith.constant 10 : i32
    %shift_right_logical3A_1262 = vector.broadcast %shift_right_logical3A_1261 : i32 to vector<16xi32>
    %shift_right_logical3A_1263 = arith.shrui %get3A_1260, %shift_right_logical3A_1262 : vector<16xi32>
    %mul3A_1264 = arith.constant 1000 : i32
    %mul3A_1265 = vector.broadcast %mul3A_1264 : i32 to vector<16xi32>
    %mul3A_1266 = arith.muli %shift_right_logical3A_1263, %mul3A_1265 : vector<16xi32>
    %and3A_1267 = arith.constant 1023 : i32
    %and3A_1268 = vector.broadcast %and3A_1267 : i32 to vector<16xi32>
    %and3A_1269 = arith.andi %get3A_1260, %and3A_1268 : vector<16xi32>
    %add3A_1270 = arith.addi %mul3A_1266, %and3A_1269 : vector<16xi32>
    %swap3A_1271 = arith.constant 1440 : index
    %swap3A_1272 = tpu.vector_load %arg7[%swap3A_1271] {strides = array<i32>} : memref<1600xi32, #tpu.memory_space<vmem>>, vector<16xi32>,
    tpu.vector_store %arg7[%swap3A_1271], %add3A_1270 {strides = array<i32>} : memref<1600xi32, #tpu.memory_space<vmem>>, vector<16xi32>,
    %get3A_1273 = arith.constant 1456 : index
    %get3A_1274 = tpu.vector_load %arg6[%get3A_1273] {strides = array<i32>} : memref<1600xi32, #tpu.memory_space<vmem>>, vector<16xi32>,
    %shift_right_logical3A_1275 = arith.constant 10 : i32
    %shift_right_logical3A_1276 = vector.broadcast %shift_right_logical3A_1275 : i32 to vector<16xi32>
    %shift_right_logical3A_1277 = arith.shrui %get3A_1274, %shift_right_logical3A_1276 : vector<16xi32>
    %mul3A_1278 = arith.constant 1000 : i32
    %mul3A_1279 = vector.broadcast %mul3A_1278 : i32 to vector<16xi32>
    %mul3A_1280 = arith.muli %shift_right_logical3A_1277, %mul3A_1279 : vector<16xi32>
    %and3A_1281 = arith.constant 1023 : i32
    %and3A_1282 = vector.broadcast %and3A_1281 : i32 to vector<16xi32>
    %and3A_1283 = arith.andi %get3A_1274, %and3A_1282 : vector<16xi32>
    %add3A_1284 = arith.addi %mul3A_1280, %and3A_1283 : vector<16xi32>
    %swap3A_1285 = arith.constant 1456 : index
    %swap3A_1286 = tpu.vector_load %arg7[%swap3A_1285] {strides = array<i32>} : memref<1600xi32, #tpu.memory_space<vmem>>, vector<16xi32>,
    tpu.vector_store %arg7[%swap3A_1285], %add3A_1284 {strides = array<i32>} : memref<1600xi32, #tpu.memory_space<vmem>>, vector<16xi32>,
    %get3A_1287 = arith.constant 1472 : index
    %get3A_1288 = tpu.vector_load %arg6[%get3A_1287] {strides = array<i32>} : memref<1600xi32, #tpu.memory_space<vmem>>, vector<16xi32>,
    %shift_right_logical3A_1289 = arith.constant 10 : i32
    %shift_right_logical3A_1290 = vector.broadcast %shift_right_logical3A_1289 : i32 to vector<16xi32>
    %shift_right_logical3A_1291 = arith.shrui %get3A_1288, %shift_right_logical3A_1290 : vector<16xi32>
    %mul3A_1292 = arith.constant 1000 : i32
    %mul3A_1293 = vector.broadcast %mul3A_1292 : i32 to vector<16xi32>
    %mul3A_1294 = arith.muli %shift_right_logical3A_1291, %mul3A_1293 : vector<16xi32>
    %and3A_1295 = arith.constant 1023 : i32
    %and3A_1296 = vector.broadcast %and3A_1295 : i32 to vector<16xi32>
    %and3A_1297 = arith.andi %get3A_1288, %and3A_1296 : vector<16xi32>
    %add3A_1298 = arith.addi %mul3A_1294, %and3A_1297 : vector<16xi32>
    %swap3A_1299 = arith.constant 1472 : index
    %swap3A_1300 = tpu.vector_load %arg7[%swap3A_1299] {strides = array<i32>} : memref<1600xi32, #tpu.memory_space<vmem>>, vector<16xi32>,
    tpu.vector_store %arg7[%swap3A_1299], %add3A_1298 {strides = array<i32>} : memref<1600xi32, #tpu.memory_space<vmem>>, vector<16xi32>,
    %get3A_1301 = arith.constant 1488 : index
    %get3A_1302 = tpu.vector_load %arg6[%get3A_1301] {strides = array<i32>} : memref<1600xi32, #tpu.memory_space<vmem>>, vector<16xi32>,
    %shift_right_logical3A_1303 = arith.constant 10 : i32
    %shift_right_logical3A_1304 = vector.broadcast %shift_right_logical3A_1303 : i32 to vector<16xi32>
    %shift_right_logical3A_1305 = arith.shrui %get3A_1302, %shift_right_logical3A_1304 : vector<16xi32>
    %mul3A_1306 = arith.constant 1000 : i32
    %mul3A_1307 = vector.broadcast %mul3A_1306 : i32 to vector<16xi32>
    %mul3A_1308 = arith.muli %shift_right_logical3A_1305, %mul3A_1307 : vector<16xi32>
    %and3A_1309 = arith.constant 1023 : i32
    %and3A_1310 = vector.broadcast %and3A_1309 : i32 to vector<16xi32>
    %and3A_1311 = arith.andi %get3A_1302, %and3A_1310 : vector<16xi32>
    %add3A_1312 = arith.addi %mul3A_1308, %and3A_1311 : vector<16xi32>
    %swap3A_1313 = arith.constant 1488 : index
    %swap3A_1314 = tpu.vector_load %arg7[%swap3A_1313] {strides = array<i32>} : memref<1600xi32, #tpu.memory_space<vmem>>, vector<16xi32>,
    tpu.vector_store %arg7[%swap3A_1313], %add3A_1312 {strides = array<i32>} : memref<1600xi32, #tpu.memory_space<vmem>>, vector<16xi32>,
    %get3A_1315 = arith.constant 1504 : index
    %get3A_1316 = tpu.vector_load %arg6[%get3A_1315] {strides = array<i32>} : memref<1600xi32, #tpu.memory_space<vmem>>, vector<16xi32>,
    %shift_right_logical3A_1317 = arith.constant 10 : i32
    %shift_right_logical3A_1318 = vector.broadcast %shift_right_logical3A_1317 : i32 to vector<16xi32>
    %shift_right_logical3A_1319 = arith.shrui %get3A_1316, %shift_right_logical3A_1318 : vector<16xi32>
    %mul3A_1320 = arith.constant 1000 : i32
    %mul3A_1321 = vector.broadcast %mul3A_1320 : i32 to vector<16xi32>
    %mul3A_1322 = arith.muli %shift_right_logical3A_1319, %mul3A_1321 : vector<16xi32>
    %and3A_1323 = arith.constant 1023 : i32
    %and3A_1324 = vector.broadcast %and3A_1323 : i32 to vector<16xi32>
    %and3A_1325 = arith.andi %get3A_1316, %and3A_1324 : vector<16xi32>
    %add3A_1326 = arith.addi %mul3A_1322, %and3A_1325 : vector<16xi32>
    %swap3A_1327 = arith.constant 1504 : index
    %swap3A_1328 = tpu.vector_load %arg7[%swap3A_1327] {strides = array<i32>} : memref<1600xi32, #tpu.memory_space<vmem>>, vector<16xi32>,
    tpu.vector_store %arg7[%swap3A_1327], %add3A_1326 {strides = array<i32>} : memref<1600xi32, #tpu.memory_space<vmem>>, vector<16xi32>,
    %get3A_1329 = arith.constant 1520 : index
    %get3A_1330 = tpu.vector_load %arg6[%get3A_1329] {strides = array<i32>} : memref<1600xi32, #tpu.memory_space<vmem>>, vector<16xi32>,
    %shift_right_logical3A_1331 = arith.constant 10 : i32
    %shift_right_logical3A_1332 = vector.broadcast %shift_right_logical3A_1331 : i32 to vector<16xi32>
    %shift_right_logical3A_1333 = arith.shrui %get3A_1330, %shift_right_logical3A_1332 : vector<16xi32>
    %mul3A_1334 = arith.constant 1000 : i32
    %mul3A_1335 = vector.broadcast %mul3A_1334 : i32 to vector<16xi32>
    %mul3A_1336 = arith.muli %shift_right_logical3A_1333, %mul3A_1335 : vector<16xi32>
    %and3A_1337 = arith.constant 1023 : i32
    %and3A_1338 = vector.broadcast %and3A_1337 : i32 to vector<16xi32>
    %and3A_1339 = arith.andi %get3A_1330, %and3A_1338 : vector<16xi32>
    %add3A_1340 = arith.addi %mul3A_1336, %and3A_1339 : vector<16xi32>
    %swap3A_1341 = arith.constant 1520 : index
    %swap3A_1342 = tpu.vector_load %arg7[%swap3A_1341] {strides = array<i32>} : memref<1600xi32, #tpu.memory_space<vmem>>, vector<16xi32>,
    tpu.vector_store %arg7[%swap3A_1341], %add3A_1340 {strides = array<i32>} : memref<1600xi32, #tpu.memory_space<vmem>>, vector<16xi32>,
    %get3A_1343 = arith.constant 1536 : index
    %get3A_1344 = tpu.vector_load %arg6[%get3A_1343] {strides = array<i32>} : memref<1600xi32, #tpu.memory_space<vmem>>, vector<16xi32>,
    %shift_right_logical3A_1345 = arith.constant 10 : i32
    %shift_right_logical3A_1346 = vector.broadcast %shift_right_logical3A_1345 : i32 to vector<16xi32>
    %shift_right_logical3A_1347 = arith.shrui %get3A_1344, %shift_right_logical3A_1346 : vector<16xi32>
    %mul3A_1348 = arith.constant 1000 : i32
    %mul3A_1349 = vector.broadcast %mul3A_1348 : i32 to vector<16xi32>
    %mul3A_1350 = arith.muli %shift_right_logical3A_1347, %mul3A_1349 : vector<16xi32>
    %and3A_1351 = arith.constant 1023 : i32
    %and3A_1352 = vector.broadcast %and3A_1351 : i32 to vector<16xi32>
    %and3A_1353 = arith.andi %get3A_1344, %and3A_1352 : vector<16xi32>
    %add3A_1354 = arith.addi %mul3A_1350, %and3A_1353 : vector<16xi32>
    %swap3A_1355 = arith.constant 1536 : index
    %swap3A_1356 = tpu.vector_load %arg7[%swap3A_1355] {strides = array<i32>} : memref<1600xi32, #tpu.memory_space<vmem>>, vector<16xi32>,
    tpu.vector_store %arg7[%swap3A_1355], %add3A_1354 {strides = array<i32>} : memref<1600xi32, #tpu.memory_space<vmem>>, vector<16xi32>,
    %get3A_1357 = arith.constant 1552 : index
    %get3A_1358 = tpu.vector_load %arg6[%get3A_1357] {strides = array<i32>} : memref<1600xi32, #tpu.memory_space<vmem>>, vector<16xi32>,
    %shift_right_logical3A_1359 = arith.constant 10 : i32
    %shift_right_logical3A_1360 = vector.broadcast %shift_right_logical3A_1359 : i32 to vector<16xi32>
    %shift_right_logical3A_1361 = arith.shrui %get3A_1358, %shift_right_logical3A_1360 : vector<16xi32>
    %mul3A_1362 = arith.constant 1000 : i32
    %mul3A_1363 = vector.broadcast %mul3A_1362 : i32 to vector<16xi32>
    %mul3A_1364 = arith.muli %shift_right_logical3A_1361, %mul3A_1363 : vector<16xi32>
    %and3A_1365 = arith.constant 1023 : i32
    %and3A_1366 = vector.broadcast %and3A_1365 : i32 to vector<16xi32>
    %and3A_1367 = arith.andi %get3A_1358, %and3A_1366 : vector<16xi32>
    %add3A_1368 = arith.addi %mul3A_1364, %and3A_1367 : vector<16xi32>
    %swap3A_1369 = arith.constant 1552 : index
    %swap3A_1370 = tpu.vector_load %arg7[%swap3A_1369] {strides = array<i32>} : memref<1600xi32, #tpu.memory_space<vmem>>, vector<16xi32>,
    tpu.vector_store %arg7[%swap3A_1369], %add3A_1368 {strides = array<i32>} : memref<1600xi32, #tpu.memory_space<vmem>>, vector<16xi32>,
    %get3A_1371 = arith.constant 1568 : index
    %get3A_1372 = tpu.vector_load %arg6[%get3A_1371] {strides = array<i32>} : memref<1600xi32, #tpu.memory_space<vmem>>, vector<16xi32>,
    %shift_right_logical3A_1373 = arith.constant 10 : i32
    %shift_right_logical3A_1374 = vector.broadcast %shift_right_logical3A_1373 : i32 to vector<16xi32>
    %shift_right_logical3A_1375 = arith.shrui %get3A_1372, %shift_right_logical3A_1374 : vector<16xi32>
    %mul3A_1376 = arith.constant 1000 : i32
    %mul3A_1377 = vector.broadcast %mul3A_1376 : i32 to vector<16xi32>
    %mul3A_1378 = arith.muli %shift_right_logical3A_1375, %mul3A_1377 : vector<16xi32>
    %and3A_1379 = arith.constant 1023 : i32
    %and3A_1380 = vector.broadcast %and3A_1379 : i32 to vector<16xi32>
    %and3A_1381 = arith.andi %get3A_1372, %and3A_1380 : vector<16xi32>
    %add3A_1382 = arith.addi %mul3A_1378, %and3A_1381 : vector<16xi32>
    %swap3A_1383 = arith.constant 1568 : index
    %swap3A_1384 = tpu.vector_load %arg7[%swap3A_1383] {strides = array<i32>} : memref<1600xi32, #tpu.memory_space<vmem>>, vector<16xi32>,
    tpu.vector_store %arg7[%swap3A_1383], %add3A_1382 {strides = array<i32>} : memref<1600xi32, #tpu.memory_space<vmem>>, vector<16xi32>,
    %get3A_1385 = arith.constant 1584 : index
    %get3A_1386 = tpu.vector_load %arg6[%get3A_1385] {strides = array<i32>} : memref<1600xi32, #tpu.memory_space<vmem>>, vector<16xi32>,
    %shift_right_logical3A_1387 = arith.constant 10 : i32
    %shift_right_logical3A_1388 = vector.broadcast %shift_right_logical3A_1387 : i32 to vector<16xi32>
    %shift_right_logical3A_1389 = arith.shrui %get3A_1386, %shift_right_logical3A_1388 : vector<16xi32>
    %mul3A_1390 = arith.constant 1000 : i32
    %mul3A_1391 = vector.broadcast %mul3A_1390 : i32 to vector<16xi32>
    %mul3A_1392 = arith.muli %shift_right_logical3A_1389, %mul3A_1391 : vector<16xi32>
    %and3A_1393 = arith.constant 1023 : i32
    %and3A_1394 = vector.broadcast %and3A_1393 : i32 to vector<16xi32>
    %and3A_1395 = arith.andi %get3A_1386, %and3A_1394 : vector<16xi32>
    %add3A_1396 = arith.addi %mul3A_1392, %and3A_1395 : vector<16xi32>
    %swap3A_1397 = arith.constant 1584 : index
    %swap3A_1398 = tpu.vector_load %arg7[%swap3A_1397] {strides = array<i32>} : memref<1600xi32, #tpu.memory_space<vmem>>, vector<16xi32>,
    tpu.vector_store %arg7[%swap3A_1397], %add3A_1396 {strides = array<i32>} : memref<1600xi32, #tpu.memory_space<vmem>>, vector<16xi32>,
    %dma_start3A = arith.constant 0 : i32
    %dma_start3A_1399 = tpu.memref_slice %arg8[%dma_start3A] : memref<1600xf32, #tpu.memory_space<vmem>> -> memref<128xf32, #tpu.memory_space<vmem>>
    %dma_start3A_1400 = arith.constant 0 : i32
    %dma_start3A_1401 = tpu.memref_slice %arg7[%dma_start3A_1400] : memref<1600xi32, #tpu.memory_space<vmem>> -> memref<128xi32, #tpu.memory_space<vmem>>
    %dma_start3A_1402 = arith.constant 0 : i32
    %dma_start3A_1403 = tpu.memref_slice %arg2[%dma_start3A_1402] : memref<1000000xf32, #tpu.memory_space<hbm>> -> memref<1000000xf32, #tpu.memory_space<hbm>>
    tpu.enqueue_indirect_dma source(%dma_start3A_1403 : memref<1000000xf32, #tpu.memory_space<hbm>>) target(%dma_start3A_1399 : memref<128xf32, #tpu.memory_space<vmem>>) offsets(%dma_start3A_1401 : memref<128xi32, #tpu.memory_space<vmem>>) semaphore(%arg11 : memref<!tpu.dma_semaphore, #tpu.memory_space<semaphore_mem>>)
    %dma_start3A_1404 = arith.constant 128 : i32
    %dma_start3A_1405 = tpu.memref_slice %arg8[%dma_start3A_1404] : memref<1600xf32, #tpu.memory_space<vmem>> -> memref<128xf32, #tpu.memory_space<vmem>>
    %dma_start3A_1406 = arith.constant 128 : i32
    %dma_start3A_1407 = tpu.memref_slice %arg7[%dma_start3A_1406] : memref<1600xi32, #tpu.memory_space<vmem>> -> memref<128xi32, #tpu.memory_space<vmem>>
    %dma_start3A_1408 = arith.constant 0 : i32
    %dma_start3A_1409 = tpu.memref_slice %arg2[%dma_start3A_1408] : memref<1000000xf32, #tpu.memory_space<hbm>> -> memref<1000000xf32, #tpu.memory_space<hbm>>
    tpu.enqueue_indirect_dma source(%dma_start3A_1409 : memref<1000000xf32, #tpu.memory_space<hbm>>) target(%dma_start3A_1405 : memref<128xf32, #tpu.memory_space<vmem>>) offsets(%dma_start3A_1407 : memref<128xi32, #tpu.memory_space<vmem>>) semaphore(%arg11 : memref<!tpu.dma_semaphore, #tpu.memory_space<semaphore_mem>>)
    %dma_start3A_1410 = arith.constant 256 : i32
    %dma_start3A_1411 = tpu.memref_slice %arg8[%dma_start3A_1410] : memref<1600xf32, #tpu.memory_space<vmem>> -> memref<128xf32, #tpu.memory_space<vmem>>
    %dma_start3A_1412 = arith.constant 256 : i32
    %dma_start3A_1413 = tpu.memref_slice %arg7[%dma_start3A_1412] : memref<1600xi32, #tpu.memory_space<vmem>> -> memref<128xi32, #tpu.memory_space<vmem>>
    %dma_start3A_1414 = arith.constant 0 : i32
    %dma_start3A_1415 = tpu.memref_slice %arg2[%dma_start3A_1414] : memref<1000000xf32, #tpu.memory_space<hbm>> -> memref<1000000xf32, #tpu.memory_space<hbm>>
    tpu.enqueue_indirect_dma source(%dma_start3A_1415 : memref<1000000xf32, #tpu.memory_space<hbm>>) target(%dma_start3A_1411 : memref<128xf32, #tpu.memory_space<vmem>>) offsets(%dma_start3A_1413 : memref<128xi32, #tpu.memory_space<vmem>>) semaphore(%arg11 : memref<!tpu.dma_semaphore, #tpu.memory_space<semaphore_mem>>)
    %dma_start3A_1416 = arith.constant 384 : i32
    %dma_start3A_1417 = tpu.memref_slice %arg8[%dma_start3A_1416] : memref<1600xf32, #tpu.memory_space<vmem>> -> memref<128xf32, #tpu.memory_space<vmem>>
    %dma_start3A_1418 = arith.constant 384 : i32
    %dma_start3A_1419 = tpu.memref_slice %arg7[%dma_start3A_1418] : memref<1600xi32, #tpu.memory_space<vmem>> -> memref<128xi32, #tpu.memory_space<vmem>>
    %dma_start3A_1420 = arith.constant 0 : i32
    %dma_start3A_1421 = tpu.memref_slice %arg2[%dma_start3A_1420] : memref<1000000xf32, #tpu.memory_space<hbm>> -> memref<1000000xf32, #tpu.memory_space<hbm>>
    tpu.enqueue_indirect_dma source(%dma_start3A_1421 : memref<1000000xf32, #tpu.memory_space<hbm>>) target(%dma_start3A_1417 : memref<128xf32, #tpu.memory_space<vmem>>) offsets(%dma_start3A_1419 : memref<128xi32, #tpu.memory_space<vmem>>) semaphore(%arg11 : memref<!tpu.dma_semaphore, #tpu.memory_space<semaphore_mem>>)
    %dma_start3A_1422 = arith.constant 512 : i32
    %dma_start3A_1423 = tpu.memref_slice %arg8[%dma_start3A_1422] : memref<1600xf32, #tpu.memory_space<vmem>> -> memref<128xf32, #tpu.memory_space<vmem>>
    %dma_start3A_1424 = arith.constant 512 : i32
    %dma_start3A_1425 = tpu.memref_slice %arg7[%dma_start3A_1424] : memref<1600xi32, #tpu.memory_space<vmem>> -> memref<128xi32, #tpu.memory_space<vmem>>
    %dma_start3A_1426 = arith.constant 0 : i32
    %dma_start3A_1427 = tpu.memref_slice %arg2[%dma_start3A_1426] : memref<1000000xf32, #tpu.memory_space<hbm>> -> memref<1000000xf32, #tpu.memory_space<hbm>>
    tpu.enqueue_indirect_dma source(%dma_start3A_1427 : memref<1000000xf32, #tpu.memory_space<hbm>>) target(%dma_start3A_1423 : memref<128xf32, #tpu.memory_space<vmem>>) offsets(%dma_start3A_1425 : memref<128xi32, #tpu.memory_space<vmem>>) semaphore(%arg11 : memref<!tpu.dma_semaphore, #tpu.memory_space<semaphore_mem>>)
    %dma_start3A_1428 = arith.constant 640 : i32
    %dma_start3A_1429 = tpu.memref_slice %arg8[%dma_start3A_1428] : memref<1600xf32, #tpu.memory_space<vmem>> -> memref<128xf32, #tpu.memory_space<vmem>>
    %dma_start3A_1430 = arith.constant 640 : i32
    %dma_start3A_1431 = tpu.memref_slice %arg7[%dma_start3A_1430] : memref<1600xi32, #tpu.memory_space<vmem>> -> memref<128xi32, #tpu.memory_space<vmem>>
    %dma_start3A_1432 = arith.constant 0 : i32
    %dma_start3A_1433 = tpu.memref_slice %arg2[%dma_start3A_1432] : memref<1000000xf32, #tpu.memory_space<hbm>> -> memref<1000000xf32, #tpu.memory_space<hbm>>
    tpu.enqueue_indirect_dma source(%dma_start3A_1433 : memref<1000000xf32, #tpu.memory_space<hbm>>) target(%dma_start3A_1429 : memref<128xf32, #tpu.memory_space<vmem>>) offsets(%dma_start3A_1431 : memref<128xi32, #tpu.memory_space<vmem>>) semaphore(%arg11 : memref<!tpu.dma_semaphore, #tpu.memory_space<semaphore_mem>>)
    %dma_start3A_1434 = arith.constant 768 : i32
    %dma_start3A_1435 = tpu.memref_slice %arg8[%dma_start3A_1434] : memref<1600xf32, #tpu.memory_space<vmem>> -> memref<128xf32, #tpu.memory_space<vmem>>
    %dma_start3A_1436 = arith.constant 768 : i32
    %dma_start3A_1437 = tpu.memref_slice %arg7[%dma_start3A_1436] : memref<1600xi32, #tpu.memory_space<vmem>> -> memref<128xi32, #tpu.memory_space<vmem>>
    %dma_start3A_1438 = arith.constant 0 : i32
    %dma_start3A_1439 = tpu.memref_slice %arg2[%dma_start3A_1438] : memref<1000000xf32, #tpu.memory_space<hbm>> -> memref<1000000xf32, #tpu.memory_space<hbm>>
    tpu.enqueue_indirect_dma source(%dma_start3A_1439 : memref<1000000xf32, #tpu.memory_space<hbm>>) target(%dma_start3A_1435 : memref<128xf32, #tpu.memory_space<vmem>>) offsets(%dma_start3A_1437 : memref<128xi32, #tpu.memory_space<vmem>>) semaphore(%arg11 : memref<!tpu.dma_semaphore, #tpu.memory_space<semaphore_mem>>)
    %dma_start3A_1440 = arith.constant 896 : i32
    %dma_start3A_1441 = tpu.memref_slice %arg8[%dma_start3A_1440] : memref<1600xf32, #tpu.memory_space<vmem>> -> memref<128xf32, #tpu.memory_space<vmem>>
    %dma_start3A_1442 = arith.constant 896 : i32
    %dma_start3A_1443 = tpu.memref_slice %arg7[%dma_start3A_1442] : memref<1600xi32, #tpu.memory_space<vmem>> -> memref<128xi32, #tpu.memory_space<vmem>>
    %dma_start3A_1444 = arith.constant 0 : i32
    %dma_start3A_1445 = tpu.memref_slice %arg2[%dma_start3A_1444] : memref<1000000xf32, #tpu.memory_space<hbm>> -> memref<1000000xf32, #tpu.memory_space<hbm>>
    tpu.enqueue_indirect_dma source(%dma_start3A_1445 : memref<1000000xf32, #tpu.memory_space<hbm>>) target(%dma_start3A_1441 : memref<128xf32, #tpu.memory_space<vmem>>) offsets(%dma_start3A_1443 : memref<128xi32, #tpu.memory_space<vmem>>) semaphore(%arg11 : memref<!tpu.dma_semaphore, #tpu.memory_space<semaphore_mem>>)
    %dma_start3A_1446 = arith.constant 1024 : i32
    %dma_start3A_1447 = tpu.memref_slice %arg8[%dma_start3A_1446] : memref<1600xf32, #tpu.memory_space<vmem>> -> memref<128xf32, #tpu.memory_space<vmem>>
    %dma_start3A_1448 = arith.constant 1024 : i32
    %dma_start3A_1449 = tpu.memref_slice %arg7[%dma_start3A_1448] : memref<1600xi32, #tpu.memory_space<vmem>> -> memref<128xi32, #tpu.memory_space<vmem>>
    %dma_start3A_1450 = arith.constant 0 : i32
    %dma_start3A_1451 = tpu.memref_slice %arg2[%dma_start3A_1450] : memref<1000000xf32, #tpu.memory_space<hbm>> -> memref<1000000xf32, #tpu.memory_space<hbm>>
    tpu.enqueue_indirect_dma source(%dma_start3A_1451 : memref<1000000xf32, #tpu.memory_space<hbm>>) target(%dma_start3A_1447 : memref<128xf32, #tpu.memory_space<vmem>>) offsets(%dma_start3A_1449 : memref<128xi32, #tpu.memory_space<vmem>>) semaphore(%arg11 : memref<!tpu.dma_semaphore, #tpu.memory_space<semaphore_mem>>)
    %dma_start3A_1452 = arith.constant 1152 : i32
    %dma_start3A_1453 = tpu.memref_slice %arg8[%dma_start3A_1452] : memref<1600xf32, #tpu.memory_space<vmem>> -> memref<128xf32, #tpu.memory_space<vmem>>
    %dma_start3A_1454 = arith.constant 1152 : i32
    %dma_start3A_1455 = tpu.memref_slice %arg7[%dma_start3A_1454] : memref<1600xi32, #tpu.memory_space<vmem>> -> memref<128xi32, #tpu.memory_space<vmem>>
    %dma_start3A_1456 = arith.constant 0 : i32
    %dma_start3A_1457 = tpu.memref_slice %arg2[%dma_start3A_1456] : memref<1000000xf32, #tpu.memory_space<hbm>> -> memref<1000000xf32, #tpu.memory_space<hbm>>
    tpu.enqueue_indirect_dma source(%dma_start3A_1457 : memref<1000000xf32, #tpu.memory_space<hbm>>) target(%dma_start3A_1453 : memref<128xf32, #tpu.memory_space<vmem>>) offsets(%dma_start3A_1455 : memref<128xi32, #tpu.memory_space<vmem>>) semaphore(%arg11 : memref<!tpu.dma_semaphore, #tpu.memory_space<semaphore_mem>>)
    %dma_start3A_1458 = arith.constant 1280 : i32
    %dma_start3A_1459 = tpu.memref_slice %arg8[%dma_start3A_1458] : memref<1600xf32, #tpu.memory_space<vmem>> -> memref<128xf32, #tpu.memory_space<vmem>>
    %dma_start3A_1460 = arith.constant 1280 : i32
    %dma_start3A_1461 = tpu.memref_slice %arg7[%dma_start3A_1460] : memref<1600xi32, #tpu.memory_space<vmem>> -> memref<128xi32, #tpu.memory_space<vmem>>
    %dma_start3A_1462 = arith.constant 0 : i32
    %dma_start3A_1463 = tpu.memref_slice %arg2[%dma_start3A_1462] : memref<1000000xf32, #tpu.memory_space<hbm>> -> memref<1000000xf32, #tpu.memory_space<hbm>>
    tpu.enqueue_indirect_dma source(%dma_start3A_1463 : memref<1000000xf32, #tpu.memory_space<hbm>>) target(%dma_start3A_1459 : memref<128xf32, #tpu.memory_space<vmem>>) offsets(%dma_start3A_1461 : memref<128xi32, #tpu.memory_space<vmem>>) semaphore(%arg11 : memref<!tpu.dma_semaphore, #tpu.memory_space<semaphore_mem>>)
    %dma_start3A_1464 = arith.constant 1408 : i32
    %dma_start3A_1465 = tpu.memref_slice %arg8[%dma_start3A_1464] : memref<1600xf32, #tpu.memory_space<vmem>> -> memref<128xf32, #tpu.memory_space<vmem>>
    %dma_start3A_1466 = arith.constant 1408 : i32
    %dma_start3A_1467 = tpu.memref_slice %arg7[%dma_start3A_1466] : memref<1600xi32, #tpu.memory_space<vmem>> -> memref<128xi32, #tpu.memory_space<vmem>>
    %dma_start3A_1468 = arith.constant 0 : i32
    %dma_start3A_1469 = tpu.memref_slice %arg2[%dma_start3A_1468] : memref<1000000xf32, #tpu.memory_space<hbm>> -> memref<1000000xf32, #tpu.memory_space<hbm>>
    tpu.enqueue_indirect_dma source(%dma_start3A_1469 : memref<1000000xf32, #tpu.memory_space<hbm>>) target(%dma_start3A_1465 : memref<128xf32, #tpu.memory_space<vmem>>) offsets(%dma_start3A_1467 : memref<128xi32, #tpu.memory_space<vmem>>) semaphore(%arg11 : memref<!tpu.dma_semaphore, #tpu.memory_space<semaphore_mem>>)
    %dma_start3A_1470 = arith.constant 1536 : i32
    %dma_start3A_1471 = tpu.memref_slice %arg8[%dma_start3A_1470] : memref<1600xf32, #tpu.memory_space<vmem>> -> memref<64xf32, #tpu.memory_space<vmem>>
    %dma_start3A_1472 = arith.constant 1536 : i32
    %dma_start3A_1473 = tpu.memref_slice %arg7[%dma_start3A_1472] : memref<1600xi32, #tpu.memory_space<vmem>> -> memref<64xi32, #tpu.memory_space<vmem>>
    %dma_start3A_1474 = arith.constant 0 : i32
    %dma_start3A_1475 = tpu.memref_slice %arg2[%dma_start3A_1474] : memref<1000000xf32, #tpu.memory_space<hbm>> -> memref<1000000xf32, #tpu.memory_space<hbm>>
    tpu.enqueue_indirect_dma source(%dma_start3A_1475 : memref<1000000xf32, #tpu.memory_space<hbm>>) target(%dma_start3A_1471 : memref<64xf32, #tpu.memory_space<vmem>>) offsets(%dma_start3A_1473 : memref<64xi32, #tpu.memory_space<vmem>>) semaphore(%arg11 : memref<!tpu.dma_semaphore, #tpu.memory_space<semaphore_mem>>)
    %dma_wait3A = arith.constant 0 : i32
    %dma_wait3A_1476 = tpu.memref_slice %arg8[%dma_wait3A] : memref<1600xf32, #tpu.memory_space<vmem>> -> memref<128xf32, #tpu.memory_space<vmem>>
    %dma_wait3A_1477 = arith.constant 0 : i32
    %dma_wait3A_1478 = tpu.memref_slice %arg7[%dma_wait3A_1477] : memref<1600xi32, #tpu.memory_space<vmem>> -> memref<128xi32, #tpu.memory_space<vmem>>
    %dma_wait3A_1479 = arith.constant 0 : i32
    %dma_wait3A_1480 = tpu.memref_slice %arg2[%dma_wait3A_1479] : memref<1000000xf32, #tpu.memory_space<hbm>> -> memref<1000000xf32, #tpu.memory_space<hbm>>
    tpu.wait_indirect_dma semaphore(%arg11 : memref<!tpu.dma_semaphore, #tpu.memory_space<semaphore_mem>>) src(%dma_wait3A_1480 : memref<1000000xf32, #tpu.memory_space<hbm>>) dst(%dma_wait3A_1476 : memref<128xf32, #tpu.memory_space<vmem>>)
    %dma_wait3A_1481 = arith.constant 128 : i32
    %dma_wait3A_1482 = tpu.memref_slice %arg8[%dma_wait3A_1481] : memref<1600xf32, #tpu.memory_space<vmem>> -> memref<128xf32, #tpu.memory_space<vmem>>
    %dma_wait3A_1483 = arith.constant 128 : i32
    %dma_wait3A_1484 = tpu.memref_slice %arg7[%dma_wait3A_1483] : memref<1600xi32, #tpu.memory_space<vmem>> -> memref<128xi32, #tpu.memory_space<vmem>>
    %dma_wait3A_1485 = arith.constant 0 : i32
    %dma_wait3A_1486 = tpu.memref_slice %arg2[%dma_wait3A_1485] : memref<1000000xf32, #tpu.memory_space<hbm>> -> memref<1000000xf32, #tpu.memory_space<hbm>>
    tpu.wait_indirect_dma semaphore(%arg11 : memref<!tpu.dma_semaphore, #tpu.memory_space<semaphore_mem>>) src(%dma_wait3A_1486 : memref<1000000xf32, #tpu.memory_space<hbm>>) dst(%dma_wait3A_1482 : memref<128xf32, #tpu.memory_space<vmem>>)
    %dma_wait3A_1487 = arith.constant 256 : i32
    %dma_wait3A_1488 = tpu.memref_slice %arg8[%dma_wait3A_1487] : memref<1600xf32, #tpu.memory_space<vmem>> -> memref<128xf32, #tpu.memory_space<vmem>>
    %dma_wait3A_1489 = arith.constant 256 : i32
    %dma_wait3A_1490 = tpu.memref_slice %arg7[%dma_wait3A_1489] : memref<1600xi32, #tpu.memory_space<vmem>> -> memref<128xi32, #tpu.memory_space<vmem>>
    %dma_wait3A_1491 = arith.constant 0 : i32
    %dma_wait3A_1492 = tpu.memref_slice %arg2[%dma_wait3A_1491] : memref<1000000xf32, #tpu.memory_space<hbm>> -> memref<1000000xf32, #tpu.memory_space<hbm>>
    tpu.wait_indirect_dma semaphore(%arg11 : memref<!tpu.dma_semaphore, #tpu.memory_space<semaphore_mem>>) src(%dma_wait3A_1492 : memref<1000000xf32, #tpu.memory_space<hbm>>) dst(%dma_wait3A_1488 : memref<128xf32, #tpu.memory_space<vmem>>)
    %dma_wait3A_1493 = arith.constant 384 : i32
    %dma_wait3A_1494 = tpu.memref_slice %arg8[%dma_wait3A_1493] : memref<1600xf32, #tpu.memory_space<vmem>> -> memref<128xf32, #tpu.memory_space<vmem>>
    %dma_wait3A_1495 = arith.constant 384 : i32
    %dma_wait3A_1496 = tpu.memref_slice %arg7[%dma_wait3A_1495] : memref<1600xi32, #tpu.memory_space<vmem>> -> memref<128xi32, #tpu.memory_space<vmem>>
    %dma_wait3A_1497 = arith.constant 0 : i32
    %dma_wait3A_1498 = tpu.memref_slice %arg2[%dma_wait3A_1497] : memref<1000000xf32, #tpu.memory_space<hbm>> -> memref<1000000xf32, #tpu.memory_space<hbm>>
    tpu.wait_indirect_dma semaphore(%arg11 : memref<!tpu.dma_semaphore, #tpu.memory_space<semaphore_mem>>) src(%dma_wait3A_1498 : memref<1000000xf32, #tpu.memory_space<hbm>>) dst(%dma_wait3A_1494 : memref<128xf32, #tpu.memory_space<vmem>>)
    %dma_wait3A_1499 = arith.constant 512 : i32
    %dma_wait3A_1500 = tpu.memref_slice %arg8[%dma_wait3A_1499] : memref<1600xf32, #tpu.memory_space<vmem>> -> memref<128xf32, #tpu.memory_space<vmem>>
    %dma_wait3A_1501 = arith.constant 512 : i32
    %dma_wait3A_1502 = tpu.memref_slice %arg7[%dma_wait3A_1501] : memref<1600xi32, #tpu.memory_space<vmem>> -> memref<128xi32, #tpu.memory_space<vmem>>
    %dma_wait3A_1503 = arith.constant 0 : i32
    %dma_wait3A_1504 = tpu.memref_slice %arg2[%dma_wait3A_1503] : memref<1000000xf32, #tpu.memory_space<hbm>> -> memref<1000000xf32, #tpu.memory_space<hbm>>
    tpu.wait_indirect_dma semaphore(%arg11 : memref<!tpu.dma_semaphore, #tpu.memory_space<semaphore_mem>>) src(%dma_wait3A_1504 : memref<1000000xf32, #tpu.memory_space<hbm>>) dst(%dma_wait3A_1500 : memref<128xf32, #tpu.memory_space<vmem>>)
    %dma_wait3A_1505 = arith.constant 640 : i32
    %dma_wait3A_1506 = tpu.memref_slice %arg8[%dma_wait3A_1505] : memref<1600xf32, #tpu.memory_space<vmem>> -> memref<128xf32, #tpu.memory_space<vmem>>
    %dma_wait3A_1507 = arith.constant 640 : i32
    %dma_wait3A_1508 = tpu.memref_slice %arg7[%dma_wait3A_1507] : memref<1600xi32, #tpu.memory_space<vmem>> -> memref<128xi32, #tpu.memory_space<vmem>>
    %dma_wait3A_1509 = arith.constant 0 : i32
    %dma_wait3A_1510 = tpu.memref_slice %arg2[%dma_wait3A_1509] : memref<1000000xf32, #tpu.memory_space<hbm>> -> memref<1000000xf32, #tpu.memory_space<hbm>>
    tpu.wait_indirect_dma semaphore(%arg11 : memref<!tpu.dma_semaphore, #tpu.memory_space<semaphore_mem>>) src(%dma_wait3A_1510 : memref<1000000xf32, #tpu.memory_space<hbm>>) dst(%dma_wait3A_1506 : memref<128xf32, #tpu.memory_space<vmem>>)
    %dma_wait3A_1511 = arith.constant 768 : i32
    %dma_wait3A_1512 = tpu.memref_slice %arg8[%dma_wait3A_1511] : memref<1600xf32, #tpu.memory_space<vmem>> -> memref<128xf32, #tpu.memory_space<vmem>>
    %dma_wait3A_1513 = arith.constant 768 : i32
    %dma_wait3A_1514 = tpu.memref_slice %arg7[%dma_wait3A_1513] : memref<1600xi32, #tpu.memory_space<vmem>> -> memref<128xi32, #tpu.memory_space<vmem>>
    %dma_wait3A_1515 = arith.constant 0 : i32
    %dma_wait3A_1516 = tpu.memref_slice %arg2[%dma_wait3A_1515] : memref<1000000xf32, #tpu.memory_space<hbm>> -> memref<1000000xf32, #tpu.memory_space<hbm>>
    tpu.wait_indirect_dma semaphore(%arg11 : memref<!tpu.dma_semaphore, #tpu.memory_space<semaphore_mem>>) src(%dma_wait3A_1516 : memref<1000000xf32, #tpu.memory_space<hbm>>) dst(%dma_wait3A_1512 : memref<128xf32, #tpu.memory_space<vmem>>)
    %dma_wait3A_1517 = arith.constant 896 : i32
    %dma_wait3A_1518 = tpu.memref_slice %arg8[%dma_wait3A_1517] : memref<1600xf32, #tpu.memory_space<vmem>> -> memref<128xf32, #tpu.memory_space<vmem>>
    %dma_wait3A_1519 = arith.constant 896 : i32
    %dma_wait3A_1520 = tpu.memref_slice %arg7[%dma_wait3A_1519] : memref<1600xi32, #tpu.memory_space<vmem>> -> memref<128xi32, #tpu.memory_space<vmem>>
    %dma_wait3A_1521 = arith.constant 0 : i32
    %dma_wait3A_1522 = tpu.memref_slice %arg2[%dma_wait3A_1521] : memref<1000000xf32, #tpu.memory_space<hbm>> -> memref<1000000xf32, #tpu.memory_space<hbm>>
    tpu.wait_indirect_dma semaphore(%arg11 : memref<!tpu.dma_semaphore, #tpu.memory_space<semaphore_mem>>) src(%dma_wait3A_1522 : memref<1000000xf32, #tpu.memory_space<hbm>>) dst(%dma_wait3A_1518 : memref<128xf32, #tpu.memory_space<vmem>>)
    %dma_wait3A_1523 = arith.constant 1024 : i32
    %dma_wait3A_1524 = tpu.memref_slice %arg8[%dma_wait3A_1523] : memref<1600xf32, #tpu.memory_space<vmem>> -> memref<128xf32, #tpu.memory_space<vmem>>
    %dma_wait3A_1525 = arith.constant 1024 : i32
    %dma_wait3A_1526 = tpu.memref_slice %arg7[%dma_wait3A_1525] : memref<1600xi32, #tpu.memory_space<vmem>> -> memref<128xi32, #tpu.memory_space<vmem>>
    %dma_wait3A_1527 = arith.constant 0 : i32
    %dma_wait3A_1528 = tpu.memref_slice %arg2[%dma_wait3A_1527] : memref<1000000xf32, #tpu.memory_space<hbm>> -> memref<1000000xf32, #tpu.memory_space<hbm>>
    tpu.wait_indirect_dma semaphore(%arg11 : memref<!tpu.dma_semaphore, #tpu.memory_space<semaphore_mem>>) src(%dma_wait3A_1528 : memref<1000000xf32, #tpu.memory_space<hbm>>) dst(%dma_wait3A_1524 : memref<128xf32, #tpu.memory_space<vmem>>)
    %dma_wait3A_1529 = arith.constant 1152 : i32
    %dma_wait3A_1530 = tpu.memref_slice %arg8[%dma_wait3A_1529] : memref<1600xf32, #tpu.memory_space<vmem>> -> memref<128xf32, #tpu.memory_space<vmem>>
    %dma_wait3A_1531 = arith.constant 1152 : i32
    %dma_wait3A_1532 = tpu.memref_slice %arg7[%dma_wait3A_1531] : memref<1600xi32, #tpu.memory_space<vmem>> -> memref<128xi32, #tpu.memory_space<vmem>>
    %dma_wait3A_1533 = arith.constant 0 : i32
    %dma_wait3A_1534 = tpu.memref_slice %arg2[%dma_wait3A_1533] : memref<1000000xf32, #tpu.memory_space<hbm>> -> memref<1000000xf32, #tpu.memory_space<hbm>>
    tpu.wait_indirect_dma semaphore(%arg11 : memref<!tpu.dma_semaphore, #tpu.memory_space<semaphore_mem>>) src(%dma_wait3A_1534 : memref<1000000xf32, #tpu.memory_space<hbm>>) dst(%dma_wait3A_1530 : memref<128xf32, #tpu.memory_space<vmem>>)
    %dma_wait3A_1535 = arith.constant 1280 : i32
    %dma_wait3A_1536 = tpu.memref_slice %arg8[%dma_wait3A_1535] : memref<1600xf32, #tpu.memory_space<vmem>> -> memref<128xf32, #tpu.memory_space<vmem>>
    %dma_wait3A_1537 = arith.constant 1280 : i32
    %dma_wait3A_1538 = tpu.memref_slice %arg7[%dma_wait3A_1537] : memref<1600xi32, #tpu.memory_space<vmem>> -> memref<128xi32, #tpu.memory_space<vmem>>
    %dma_wait3A_1539 = arith.constant 0 : i32
    %dma_wait3A_1540 = tpu.memref_slice %arg2[%dma_wait3A_1539] : memref<1000000xf32, #tpu.memory_space<hbm>> -> memref<1000000xf32, #tpu.memory_space<hbm>>
    tpu.wait_indirect_dma semaphore(%arg11 : memref<!tpu.dma_semaphore, #tpu.memory_space<semaphore_mem>>) src(%dma_wait3A_1540 : memref<1000000xf32, #tpu.memory_space<hbm>>) dst(%dma_wait3A_1536 : memref<128xf32, #tpu.memory_space<vmem>>)
    %dma_wait3A_1541 = arith.constant 1408 : i32
    %dma_wait3A_1542 = tpu.memref_slice %arg8[%dma_wait3A_1541] : memref<1600xf32, #tpu.memory_space<vmem>> -> memref<128xf32, #tpu.memory_space<vmem>>
    %dma_wait3A_1543 = arith.constant 1408 : i32
    %dma_wait3A_1544 = tpu.memref_slice %arg7[%dma_wait3A_1543] : memref<1600xi32, #tpu.memory_space<vmem>> -> memref<128xi32, #tpu.memory_space<vmem>>
    %dma_wait3A_1545 = arith.constant 0 : i32
    %dma_wait3A_1546 = tpu.memref_slice %arg2[%dma_wait3A_1545] : memref<1000000xf32, #tpu.memory_space<hbm>> -> memref<1000000xf32, #tpu.memory_space<hbm>>
    tpu.wait_indirect_dma semaphore(%arg11 : memref<!tpu.dma_semaphore, #tpu.memory_space<semaphore_mem>>) src(%dma_wait3A_1546 : memref<1000000xf32, #tpu.memory_space<hbm>>) dst(%dma_wait3A_1542 : memref<128xf32, #tpu.memory_space<vmem>>)
    %dma_wait3A_1547 = arith.constant 1536 : i32
    %dma_wait3A_1548 = tpu.memref_slice %arg8[%dma_wait3A_1547] : memref<1600xf32, #tpu.memory_space<vmem>> -> memref<64xf32, #tpu.memory_space<vmem>>
    %dma_wait3A_1549 = arith.constant 1536 : i32
    %dma_wait3A_1550 = tpu.memref_slice %arg7[%dma_wait3A_1549] : memref<1600xi32, #tpu.memory_space<vmem>> -> memref<64xi32, #tpu.memory_space<vmem>>
    %dma_wait3A_1551 = arith.constant 0 : i32
    %dma_wait3A_1552 = tpu.memref_slice %arg2[%dma_wait3A_1551] : memref<1000000xf32, #tpu.memory_space<hbm>> -> memref<1000000xf32, #tpu.memory_space<hbm>>
    tpu.wait_indirect_dma semaphore(%arg11 : memref<!tpu.dma_semaphore, #tpu.memory_space<semaphore_mem>>) src(%dma_wait3A_1552 : memref<1000000xf32, #tpu.memory_space<hbm>>) dst(%dma_wait3A_1548 : memref<64xf32, #tpu.memory_space<vmem>>)
    %broadcast_in_dim3A = arith.constant 0.000000e+00 : f32
    %broadcast_in_dim3A_1553 = vector.broadcast %broadcast_in_dim3A : f32 to vector<16xf32>
    %get3A_1554 = arith.constant 0 : index
    %get3A_1555 = tpu.vector_load %arg6[%get3A_1554] {strides = array<i32>} : memref<1600xi32, #tpu.memory_space<vmem>>, vector<16xi32>,
    %shift_right_logical3A_1556 = arith.constant 10 : i32
    %shift_right_logical3A_1557 = vector.broadcast %shift_right_logical3A_1556 : i32 to vector<16xi32>
    %shift_right_logical3A_1558 = arith.shrui %get3A_1555, %shift_right_logical3A_1557 : vector<16xi32>
    %gather3A = tpu.vector_load_idx %arg9[%shift_right_logical3A_1558] : memref<1024xf32, #tpu.memory_space<vmem>>[vector<16xi32>], vector<16xf32>,
    %get3A_1559 = arith.constant 0 : index
    %get3A_1560 = tpu.vector_load %arg8[%get3A_1559] {strides = array<i32>} : memref<1600xf32, #tpu.memory_space<vmem>>, vector<16xf32>,
    %sub3A = arith.subf %gather3A, %get3A_1560 : vector<16xf32>
    %add3A_1561 = arith.addf %broadcast_in_dim3A_1553, %sub3A : vector<16xf32>
    %get3A_1562 = arith.constant 16 : index
    %get3A_1563 = tpu.vector_load %arg6[%get3A_1562] {strides = array<i32>} : memref<1600xi32, #tpu.memory_space<vmem>>, vector<16xi32>,
    %shift_right_logical3A_1564 = arith.constant 10 : i32
    %shift_right_logical3A_1565 = vector.broadcast %shift_right_logical3A_1564 : i32 to vector<16xi32>
    %shift_right_logical3A_1566 = arith.shrui %get3A_1563, %shift_right_logical3A_1565 : vector<16xi32>
    %gather3A_1567 = tpu.vector_load_idx %arg9[%shift_right_logical3A_1566] : memref<1024xf32, #tpu.memory_space<vmem>>[vector<16xi32>], vector<16xf32>,
    %get3A_1568 = arith.constant 16 : index
    %get3A_1569 = tpu.vector_load %arg8[%get3A_1568] {strides = array<i32>} : memref<1600xf32, #tpu.memory_space<vmem>>, vector<16xf32>,
    %sub3A_1570 = arith.subf %gather3A_1567, %get3A_1569 : vector<16xf32>
    %add3A_1571 = arith.addf %add3A_1561, %sub3A_1570 : vector<16xf32>
    %get3A_1572 = arith.constant 32 : index
    %get3A_1573 = tpu.vector_load %arg6[%get3A_1572] {strides = array<i32>} : memref<1600xi32, #tpu.memory_space<vmem>>, vector<16xi32>,
    %shift_right_logical3A_1574 = arith.constant 10 : i32
    %shift_right_logical3A_1575 = vector.broadcast %shift_right_logical3A_1574 : i32 to vector<16xi32>
    %shift_right_logical3A_1576 = arith.shrui %get3A_1573, %shift_right_logical3A_1575 : vector<16xi32>
    %gather3A_1577 = tpu.vector_load_idx %arg9[%shift_right_logical3A_1576] : memref<1024xf32, #tpu.memory_space<vmem>>[vector<16xi32>], vector<16xf32>,
    %get3A_1578 = arith.constant 32 : index
    %get3A_1579 = tpu.vector_load %arg8[%get3A_1578] {strides = array<i32>} : memref<1600xf32, #tpu.memory_space<vmem>>, vector<16xf32>,
    %sub3A_1580 = arith.subf %gather3A_1577, %get3A_1579 : vector<16xf32>
    %add3A_1581 = arith.addf %add3A_1571, %sub3A_1580 : vector<16xf32>
    %get3A_1582 = arith.constant 48 : index
    %get3A_1583 = tpu.vector_load %arg6[%get3A_1582] {strides = array<i32>} : memref<1600xi32, #tpu.memory_space<vmem>>, vector<16xi32>,
    %shift_right_logical3A_1584 = arith.constant 10 : i32
    %shift_right_logical3A_1585 = vector.broadcast %shift_right_logical3A_1584 : i32 to vector<16xi32>
    %shift_right_logical3A_1586 = arith.shrui %get3A_1583, %shift_right_logical3A_1585 : vector<16xi32>
    %gather3A_1587 = tpu.vector_load_idx %arg9[%shift_right_logical3A_1586] : memref<1024xf32, #tpu.memory_space<vmem>>[vector<16xi32>], vector<16xf32>,
    %get3A_1588 = arith.constant 48 : index
    %get3A_1589 = tpu.vector_load %arg8[%get3A_1588] {strides = array<i32>} : memref<1600xf32, #tpu.memory_space<vmem>>, vector<16xf32>,
    %sub3A_1590 = arith.subf %gather3A_1587, %get3A_1589 : vector<16xf32>
    %add3A_1591 = arith.addf %add3A_1581, %sub3A_1590 : vector<16xf32>
    %get3A_1592 = arith.constant 64 : index
    %get3A_1593 = tpu.vector_load %arg6[%get3A_1592] {strides = array<i32>} : memref<1600xi32, #tpu.memory_space<vmem>>, vector<16xi32>,
    %shift_right_logical3A_1594 = arith.constant 10 : i32
    %shift_right_logical3A_1595 = vector.broadcast %shift_right_logical3A_1594 : i32 to vector<16xi32>
    %shift_right_logical3A_1596 = arith.shrui %get3A_1593, %shift_right_logical3A_1595 : vector<16xi32>
    %gather3A_1597 = tpu.vector_load_idx %arg9[%shift_right_logical3A_1596] : memref<1024xf32, #tpu.memory_space<vmem>>[vector<16xi32>], vector<16xf32>,
    %get3A_1598 = arith.constant 64 : index
    %get3A_1599 = tpu.vector_load %arg8[%get3A_1598] {strides = array<i32>} : memref<1600xf32, #tpu.memory_space<vmem>>, vector<16xf32>,
    %sub3A_1600 = arith.subf %gather3A_1597, %get3A_1599 : vector<16xf32>
    %add3A_1601 = arith.addf %add3A_1591, %sub3A_1600 : vector<16xf32>
    %get3A_1602 = arith.constant 80 : index
    %get3A_1603 = tpu.vector_load %arg6[%get3A_1602] {strides = array<i32>} : memref<1600xi32, #tpu.memory_space<vmem>>, vector<16xi32>,
    %shift_right_logical3A_1604 = arith.constant 10 : i32
    %shift_right_logical3A_1605 = vector.broadcast %shift_right_logical3A_1604 : i32 to vector<16xi32>
    %shift_right_logical3A_1606 = arith.shrui %get3A_1603, %shift_right_logical3A_1605 : vector<16xi32>
    %gather3A_1607 = tpu.vector_load_idx %arg9[%shift_right_logical3A_1606] : memref<1024xf32, #tpu.memory_space<vmem>>[vector<16xi32>], vector<16xf32>,
    %get3A_1608 = arith.constant 80 : index
    %get3A_1609 = tpu.vector_load %arg8[%get3A_1608] {strides = array<i32>} : memref<1600xf32, #tpu.memory_space<vmem>>, vector<16xf32>,
    %sub3A_1610 = arith.subf %gather3A_1607, %get3A_1609 : vector<16xf32>
    %add3A_1611 = arith.addf %add3A_1601, %sub3A_1610 : vector<16xf32>
    %get3A_1612 = arith.constant 96 : index
    %get3A_1613 = tpu.vector_load %arg6[%get3A_1612] {strides = array<i32>} : memref<1600xi32, #tpu.memory_space<vmem>>, vector<16xi32>,
    %shift_right_logical3A_1614 = arith.constant 10 : i32
    %shift_right_logical3A_1615 = vector.broadcast %shift_right_logical3A_1614 : i32 to vector<16xi32>
    %shift_right_logical3A_1616 = arith.shrui %get3A_1613, %shift_right_logical3A_1615 : vector<16xi32>
    %gather3A_1617 = tpu.vector_load_idx %arg9[%shift_right_logical3A_1616] : memref<1024xf32, #tpu.memory_space<vmem>>[vector<16xi32>], vector<16xf32>,
    %get3A_1618 = arith.constant 96 : index
    %get3A_1619 = tpu.vector_load %arg8[%get3A_1618] {strides = array<i32>} : memref<1600xf32, #tpu.memory_space<vmem>>, vector<16xf32>,
    %sub3A_1620 = arith.subf %gather3A_1617, %get3A_1619 : vector<16xf32>
    %add3A_1621 = arith.addf %add3A_1611, %sub3A_1620 : vector<16xf32>
    %get3A_1622 = arith.constant 112 : index
    %get3A_1623 = tpu.vector_load %arg6[%get3A_1622] {strides = array<i32>} : memref<1600xi32, #tpu.memory_space<vmem>>, vector<16xi32>,
    %shift_right_logical3A_1624 = arith.constant 10 : i32
    %shift_right_logical3A_1625 = vector.broadcast %shift_right_logical3A_1624 : i32 to vector<16xi32>
    %shift_right_logical3A_1626 = arith.shrui %get3A_1623, %shift_right_logical3A_1625 : vector<16xi32>
    %gather3A_1627 = tpu.vector_load_idx %arg9[%shift_right_logical3A_1626] : memref<1024xf32, #tpu.memory_space<vmem>>[vector<16xi32>], vector<16xf32>,
    %get3A_1628 = arith.constant 112 : index
    %get3A_1629 = tpu.vector_load %arg8[%get3A_1628] {strides = array<i32>} : memref<1600xf32, #tpu.memory_space<vmem>>, vector<16xf32>,
    %sub3A_1630 = arith.subf %gather3A_1627, %get3A_1629 : vector<16xf32>
    %add3A_1631 = arith.addf %add3A_1621, %sub3A_1630 : vector<16xf32>
    %get3A_1632 = arith.constant 128 : index
    %get3A_1633 = tpu.vector_load %arg6[%get3A_1632] {strides = array<i32>} : memref<1600xi32, #tpu.memory_space<vmem>>, vector<16xi32>,
    %shift_right_logical3A_1634 = arith.constant 10 : i32
    %shift_right_logical3A_1635 = vector.broadcast %shift_right_logical3A_1634 : i32 to vector<16xi32>
    %shift_right_logical3A_1636 = arith.shrui %get3A_1633, %shift_right_logical3A_1635 : vector<16xi32>
    %gather3A_1637 = tpu.vector_load_idx %arg9[%shift_right_logical3A_1636] : memref<1024xf32, #tpu.memory_space<vmem>>[vector<16xi32>], vector<16xf32>,
    %get3A_1638 = arith.constant 128 : index
    %get3A_1639 = tpu.vector_load %arg8[%get3A_1638] {strides = array<i32>} : memref<1600xf32, #tpu.memory_space<vmem>>, vector<16xf32>,
    %sub3A_1640 = arith.subf %gather3A_1637, %get3A_1639 : vector<16xf32>
    %add3A_1641 = arith.addf %add3A_1631, %sub3A_1640 : vector<16xf32>
    %get3A_1642 = arith.constant 144 : index
    %get3A_1643 = tpu.vector_load %arg6[%get3A_1642] {strides = array<i32>} : memref<1600xi32, #tpu.memory_space<vmem>>, vector<16xi32>,
    %shift_right_logical3A_1644 = arith.constant 10 : i32
    %shift_right_logical3A_1645 = vector.broadcast %shift_right_logical3A_1644 : i32 to vector<16xi32>
    %shift_right_logical3A_1646 = arith.shrui %get3A_1643, %shift_right_logical3A_1645 : vector<16xi32>
    %gather3A_1647 = tpu.vector_load_idx %arg9[%shift_right_logical3A_1646] : memref<1024xf32, #tpu.memory_space<vmem>>[vector<16xi32>], vector<16xf32>,
    %get3A_1648 = arith.constant 144 : index
    %get3A_1649 = tpu.vector_load %arg8[%get3A_1648] {strides = array<i32>} : memref<1600xf32, #tpu.memory_space<vmem>>, vector<16xf32>,
    %sub3A_1650 = arith.subf %gather3A_1647, %get3A_1649 : vector<16xf32>
    %add3A_1651 = arith.addf %add3A_1641, %sub3A_1650 : vector<16xf32>
    %get3A_1652 = arith.constant 160 : index
    %get3A_1653 = tpu.vector_load %arg6[%get3A_1652] {strides = array<i32>} : memref<1600xi32, #tpu.memory_space<vmem>>, vector<16xi32>,
    %shift_right_logical3A_1654 = arith.constant 10 : i32
    %shift_right_logical3A_1655 = vector.broadcast %shift_right_logical3A_1654 : i32 to vector<16xi32>
    %shift_right_logical3A_1656 = arith.shrui %get3A_1653, %shift_right_logical3A_1655 : vector<16xi32>
    %gather3A_1657 = tpu.vector_load_idx %arg9[%shift_right_logical3A_1656] : memref<1024xf32, #tpu.memory_space<vmem>>[vector<16xi32>], vector<16xf32>,
    %get3A_1658 = arith.constant 160 : index
    %get3A_1659 = tpu.vector_load %arg8[%get3A_1658] {strides = array<i32>} : memref<1600xf32, #tpu.memory_space<vmem>>, vector<16xf32>,
    %sub3A_1660 = arith.subf %gather3A_1657, %get3A_1659 : vector<16xf32>
    %add3A_1661 = arith.addf %add3A_1651, %sub3A_1660 : vector<16xf32>
    %get3A_1662 = arith.constant 176 : index
    %get3A_1663 = tpu.vector_load %arg6[%get3A_1662] {strides = array<i32>} : memref<1600xi32, #tpu.memory_space<vmem>>, vector<16xi32>,
    %shift_right_logical3A_1664 = arith.constant 10 : i32
    %shift_right_logical3A_1665 = vector.broadcast %shift_right_logical3A_1664 : i32 to vector<16xi32>
    %shift_right_logical3A_1666 = arith.shrui %get3A_1663, %shift_right_logical3A_1665 : vector<16xi32>
    %gather3A_1667 = tpu.vector_load_idx %arg9[%shift_right_logical3A_1666] : memref<1024xf32, #tpu.memory_space<vmem>>[vector<16xi32>], vector<16xf32>,
    %get3A_1668 = arith.constant 176 : index
    %get3A_1669 = tpu.vector_load %arg8[%get3A_1668] {strides = array<i32>} : memref<1600xf32, #tpu.memory_space<vmem>>, vector<16xf32>,
    %sub3A_1670 = arith.subf %gather3A_1667, %get3A_1669 : vector<16xf32>
    %add3A_1671 = arith.addf %add3A_1661, %sub3A_1670 : vector<16xf32>
    %get3A_1672 = arith.constant 192 : index
    %get3A_1673 = tpu.vector_load %arg6[%get3A_1672] {strides = array<i32>} : memref<1600xi32, #tpu.memory_space<vmem>>, vector<16xi32>,
    %shift_right_logical3A_1674 = arith.constant 10 : i32
    %shift_right_logical3A_1675 = vector.broadcast %shift_right_logical3A_1674 : i32 to vector<16xi32>
    %shift_right_logical3A_1676 = arith.shrui %get3A_1673, %shift_right_logical3A_1675 : vector<16xi32>
    %gather3A_1677 = tpu.vector_load_idx %arg9[%shift_right_logical3A_1676] : memref<1024xf32, #tpu.memory_space<vmem>>[vector<16xi32>], vector<16xf32>,
    %get3A_1678 = arith.constant 192 : index
    %get3A_1679 = tpu.vector_load %arg8[%get3A_1678] {strides = array<i32>} : memref<1600xf32, #tpu.memory_space<vmem>>, vector<16xf32>,
    %sub3A_1680 = arith.subf %gather3A_1677, %get3A_1679 : vector<16xf32>
    %add3A_1681 = arith.addf %add3A_1671, %sub3A_1680 : vector<16xf32>
    %get3A_1682 = arith.constant 208 : index
    %get3A_1683 = tpu.vector_load %arg6[%get3A_1682] {strides = array<i32>} : memref<1600xi32, #tpu.memory_space<vmem>>, vector<16xi32>,
    %shift_right_logical3A_1684 = arith.constant 10 : i32
    %shift_right_logical3A_1685 = vector.broadcast %shift_right_logical3A_1684 : i32 to vector<16xi32>
    %shift_right_logical3A_1686 = arith.shrui %get3A_1683, %shift_right_logical3A_1685 : vector<16xi32>
    %gather3A_1687 = tpu.vector_load_idx %arg9[%shift_right_logical3A_1686] : memref<1024xf32, #tpu.memory_space<vmem>>[vector<16xi32>], vector<16xf32>,
    %get3A_1688 = arith.constant 208 : index
    %get3A_1689 = tpu.vector_load %arg8[%get3A_1688] {strides = array<i32>} : memref<1600xf32, #tpu.memory_space<vmem>>, vector<16xf32>,
    %sub3A_1690 = arith.subf %gather3A_1687, %get3A_1689 : vector<16xf32>
    %add3A_1691 = arith.addf %add3A_1681, %sub3A_1690 : vector<16xf32>
    %get3A_1692 = arith.constant 224 : index
    %get3A_1693 = tpu.vector_load %arg6[%get3A_1692] {strides = array<i32>} : memref<1600xi32, #tpu.memory_space<vmem>>, vector<16xi32>,
    %shift_right_logical3A_1694 = arith.constant 10 : i32
    %shift_right_logical3A_1695 = vector.broadcast %shift_right_logical3A_1694 : i32 to vector<16xi32>
    %shift_right_logical3A_1696 = arith.shrui %get3A_1693, %shift_right_logical3A_1695 : vector<16xi32>
    %gather3A_1697 = tpu.vector_load_idx %arg9[%shift_right_logical3A_1696] : memref<1024xf32, #tpu.memory_space<vmem>>[vector<16xi32>], vector<16xf32>,
    %get3A_1698 = arith.constant 224 : index
    %get3A_1699 = tpu.vector_load %arg8[%get3A_1698] {strides = array<i32>} : memref<1600xf32, #tpu.memory_space<vmem>>, vector<16xf32>,
    %sub3A_1700 = arith.subf %gather3A_1697, %get3A_1699 : vector<16xf32>
    %add3A_1701 = arith.addf %add3A_1691, %sub3A_1700 : vector<16xf32>
    %get3A_1702 = arith.constant 240 : index
    %get3A_1703 = tpu.vector_load %arg6[%get3A_1702] {strides = array<i32>} : memref<1600xi32, #tpu.memory_space<vmem>>, vector<16xi32>,
    %shift_right_logical3A_1704 = arith.constant 10 : i32
    %shift_right_logical3A_1705 = vector.broadcast %shift_right_logical3A_1704 : i32 to vector<16xi32>
    %shift_right_logical3A_1706 = arith.shrui %get3A_1703, %shift_right_logical3A_1705 : vector<16xi32>
    %gather3A_1707 = tpu.vector_load_idx %arg9[%shift_right_logical3A_1706] : memref<1024xf32, #tpu.memory_space<vmem>>[vector<16xi32>], vector<16xf32>,
    %get3A_1708 = arith.constant 240 : index
    %get3A_1709 = tpu.vector_load %arg8[%get3A_1708] {strides = array<i32>} : memref<1600xf32, #tpu.memory_space<vmem>>, vector<16xf32>,
    %sub3A_1710 = arith.subf %gather3A_1707, %get3A_1709 : vector<16xf32>
    %add3A_1711 = arith.addf %add3A_1701, %sub3A_1710 : vector<16xf32>
    %get3A_1712 = arith.constant 256 : index
    %get3A_1713 = tpu.vector_load %arg6[%get3A_1712] {strides = array<i32>} : memref<1600xi32, #tpu.memory_space<vmem>>, vector<16xi32>,
    %shift_right_logical3A_1714 = arith.constant 10 : i32
    %shift_right_logical3A_1715 = vector.broadcast %shift_right_logical3A_1714 : i32 to vector<16xi32>
    %shift_right_logical3A_1716 = arith.shrui %get3A_1713, %shift_right_logical3A_1715 : vector<16xi32>
    %gather3A_1717 = tpu.vector_load_idx %arg9[%shift_right_logical3A_1716] : memref<1024xf32, #tpu.memory_space<vmem>>[vector<16xi32>], vector<16xf32>,
    %get3A_1718 = arith.constant 256 : index
    %get3A_1719 = tpu.vector_load %arg8[%get3A_1718] {strides = array<i32>} : memref<1600xf32, #tpu.memory_space<vmem>>, vector<16xf32>,
    %sub3A_1720 = arith.subf %gather3A_1717, %get3A_1719 : vector<16xf32>
    %add3A_1721 = arith.addf %add3A_1711, %sub3A_1720 : vector<16xf32>
    %get3A_1722 = arith.constant 272 : index
    %get3A_1723 = tpu.vector_load %arg6[%get3A_1722] {strides = array<i32>} : memref<1600xi32, #tpu.memory_space<vmem>>, vector<16xi32>,
    %shift_right_logical3A_1724 = arith.constant 10 : i32
    %shift_right_logical3A_1725 = vector.broadcast %shift_right_logical3A_1724 : i32 to vector<16xi32>
    %shift_right_logical3A_1726 = arith.shrui %get3A_1723, %shift_right_logical3A_1725 : vector<16xi32>
    %gather3A_1727 = tpu.vector_load_idx %arg9[%shift_right_logical3A_1726] : memref<1024xf32, #tpu.memory_space<vmem>>[vector<16xi32>], vector<16xf32>,
    %get3A_1728 = arith.constant 272 : index
    %get3A_1729 = tpu.vector_load %arg8[%get3A_1728] {strides = array<i32>} : memref<1600xf32, #tpu.memory_space<vmem>>, vector<16xf32>,
    %sub3A_1730 = arith.subf %gather3A_1727, %get3A_1729 : vector<16xf32>
    %add3A_1731 = arith.addf %add3A_1721, %sub3A_1730 : vector<16xf32>
    %get3A_1732 = arith.constant 288 : index
    %get3A_1733 = tpu.vector_load %arg6[%get3A_1732] {strides = array<i32>} : memref<1600xi32, #tpu.memory_space<vmem>>, vector<16xi32>,
    %shift_right_logical3A_1734 = arith.constant 10 : i32
    %shift_right_logical3A_1735 = vector.broadcast %shift_right_logical3A_1734 : i32 to vector<16xi32>
    %shift_right_logical3A_1736 = arith.shrui %get3A_1733, %shift_right_logical3A_1735 : vector<16xi32>
    %gather3A_1737 = tpu.vector_load_idx %arg9[%shift_right_logical3A_1736] : memref<1024xf32, #tpu.memory_space<vmem>>[vector<16xi32>], vector<16xf32>,
    %get3A_1738 = arith.constant 288 : index
    %get3A_1739 = tpu.vector_load %arg8[%get3A_1738] {strides = array<i32>} : memref<1600xf32, #tpu.memory_space<vmem>>, vector<16xf32>,
    %sub3A_1740 = arith.subf %gather3A_1737, %get3A_1739 : vector<16xf32>
    %add3A_1741 = arith.addf %add3A_1731, %sub3A_1740 : vector<16xf32>
    %get3A_1742 = arith.constant 304 : index
    %get3A_1743 = tpu.vector_load %arg6[%get3A_1742] {strides = array<i32>} : memref<1600xi32, #tpu.memory_space<vmem>>, vector<16xi32>,
    %shift_right_logical3A_1744 = arith.constant 10 : i32
    %shift_right_logical3A_1745 = vector.broadcast %shift_right_logical3A_1744 : i32 to vector<16xi32>
    %shift_right_logical3A_1746 = arith.shrui %get3A_1743, %shift_right_logical3A_1745 : vector<16xi32>
    %gather3A_1747 = tpu.vector_load_idx %arg9[%shift_right_logical3A_1746] : memref<1024xf32, #tpu.memory_space<vmem>>[vector<16xi32>], vector<16xf32>,
    %get3A_1748 = arith.constant 304 : index
    %get3A_1749 = tpu.vector_load %arg8[%get3A_1748] {strides = array<i32>} : memref<1600xf32, #tpu.memory_space<vmem>>, vector<16xf32>,
    %sub3A_1750 = arith.subf %gather3A_1747, %get3A_1749 : vector<16xf32>
    %add3A_1751 = arith.addf %add3A_1741, %sub3A_1750 : vector<16xf32>
    %get3A_1752 = arith.constant 320 : index
    %get3A_1753 = tpu.vector_load %arg6[%get3A_1752] {strides = array<i32>} : memref<1600xi32, #tpu.memory_space<vmem>>, vector<16xi32>,
    %shift_right_logical3A_1754 = arith.constant 10 : i32
    %shift_right_logical3A_1755 = vector.broadcast %shift_right_logical3A_1754 : i32 to vector<16xi32>
    %shift_right_logical3A_1756 = arith.shrui %get3A_1753, %shift_right_logical3A_1755 : vector<16xi32>
    %gather3A_1757 = tpu.vector_load_idx %arg9[%shift_right_logical3A_1756] : memref<1024xf32, #tpu.memory_space<vmem>>[vector<16xi32>], vector<16xf32>,
    %get3A_1758 = arith.constant 320 : index
    %get3A_1759 = tpu.vector_load %arg8[%get3A_1758] {strides = array<i32>} : memref<1600xf32, #tpu.memory_space<vmem>>, vector<16xf32>,
    %sub3A_1760 = arith.subf %gather3A_1757, %get3A_1759 : vector<16xf32>
    %add3A_1761 = arith.addf %add3A_1751, %sub3A_1760 : vector<16xf32>
    %get3A_1762 = arith.constant 336 : index
    %get3A_1763 = tpu.vector_load %arg6[%get3A_1762] {strides = array<i32>} : memref<1600xi32, #tpu.memory_space<vmem>>, vector<16xi32>,
    %shift_right_logical3A_1764 = arith.constant 10 : i32
    %shift_right_logical3A_1765 = vector.broadcast %shift_right_logical3A_1764 : i32 to vector<16xi32>
    %shift_right_logical3A_1766 = arith.shrui %get3A_1763, %shift_right_logical3A_1765 : vector<16xi32>
    %gather3A_1767 = tpu.vector_load_idx %arg9[%shift_right_logical3A_1766] : memref<1024xf32, #tpu.memory_space<vmem>>[vector<16xi32>], vector<16xf32>,
    %get3A_1768 = arith.constant 336 : index
    %get3A_1769 = tpu.vector_load %arg8[%get3A_1768] {strides = array<i32>} : memref<1600xf32, #tpu.memory_space<vmem>>, vector<16xf32>,
    %sub3A_1770 = arith.subf %gather3A_1767, %get3A_1769 : vector<16xf32>
    %add3A_1771 = arith.addf %add3A_1761, %sub3A_1770 : vector<16xf32>
    %get3A_1772 = arith.constant 352 : index
    %get3A_1773 = tpu.vector_load %arg6[%get3A_1772] {strides = array<i32>} : memref<1600xi32, #tpu.memory_space<vmem>>, vector<16xi32>,
    %shift_right_logical3A_1774 = arith.constant 10 : i32
    %shift_right_logical3A_1775 = vector.broadcast %shift_right_logical3A_1774 : i32 to vector<16xi32>
    %shift_right_logical3A_1776 = arith.shrui %get3A_1773, %shift_right_logical3A_1775 : vector<16xi32>
    %gather3A_1777 = tpu.vector_load_idx %arg9[%shift_right_logical3A_1776] : memref<1024xf32, #tpu.memory_space<vmem>>[vector<16xi32>], vector<16xf32>,
    %get3A_1778 = arith.constant 352 : index
    %get3A_1779 = tpu.vector_load %arg8[%get3A_1778] {strides = array<i32>} : memref<1600xf32, #tpu.memory_space<vmem>>, vector<16xf32>,
    %sub3A_1780 = arith.subf %gather3A_1777, %get3A_1779 : vector<16xf32>
    %add3A_1781 = arith.addf %add3A_1771, %sub3A_1780 : vector<16xf32>
    %get3A_1782 = arith.constant 368 : index
    %get3A_1783 = tpu.vector_load %arg6[%get3A_1782] {strides = array<i32>} : memref<1600xi32, #tpu.memory_space<vmem>>, vector<16xi32>,
    %shift_right_logical3A_1784 = arith.constant 10 : i32
    %shift_right_logical3A_1785 = vector.broadcast %shift_right_logical3A_1784 : i32 to vector<16xi32>
    %shift_right_logical3A_1786 = arith.shrui %get3A_1783, %shift_right_logical3A_1785 : vector<16xi32>
    %gather3A_1787 = tpu.vector_load_idx %arg9[%shift_right_logical3A_1786] : memref<1024xf32, #tpu.memory_space<vmem>>[vector<16xi32>], vector<16xf32>,
    %get3A_1788 = arith.constant 368 : index
    %get3A_1789 = tpu.vector_load %arg8[%get3A_1788] {strides = array<i32>} : memref<1600xf32, #tpu.memory_space<vmem>>, vector<16xf32>,
    %sub3A_1790 = arith.subf %gather3A_1787, %get3A_1789 : vector<16xf32>
    %add3A_1791 = arith.addf %add3A_1781, %sub3A_1790 : vector<16xf32>
    %get3A_1792 = arith.constant 384 : index
    %get3A_1793 = tpu.vector_load %arg6[%get3A_1792] {strides = array<i32>} : memref<1600xi32, #tpu.memory_space<vmem>>, vector<16xi32>,
    %shift_right_logical3A_1794 = arith.constant 10 : i32
    %shift_right_logical3A_1795 = vector.broadcast %shift_right_logical3A_1794 : i32 to vector<16xi32>
    %shift_right_logical3A_1796 = arith.shrui %get3A_1793, %shift_right_logical3A_1795 : vector<16xi32>
    %gather3A_1797 = tpu.vector_load_idx %arg9[%shift_right_logical3A_1796] : memref<1024xf32, #tpu.memory_space<vmem>>[vector<16xi32>], vector<16xf32>,
    %get3A_1798 = arith.constant 384 : index
    %get3A_1799 = tpu.vector_load %arg8[%get3A_1798] {strides = array<i32>} : memref<1600xf32, #tpu.memory_space<vmem>>, vector<16xf32>,
    %sub3A_1800 = arith.subf %gather3A_1797, %get3A_1799 : vector<16xf32>
    %add3A_1801 = arith.addf %add3A_1791, %sub3A_1800 : vector<16xf32>
    %get3A_1802 = arith.constant 400 : index
    %get3A_1803 = tpu.vector_load %arg6[%get3A_1802] {strides = array<i32>} : memref<1600xi32, #tpu.memory_space<vmem>>, vector<16xi32>,
    %shift_right_logical3A_1804 = arith.constant 10 : i32
    %shift_right_logical3A_1805 = vector.broadcast %shift_right_logical3A_1804 : i32 to vector<16xi32>
    %shift_right_logical3A_1806 = arith.shrui %get3A_1803, %shift_right_logical3A_1805 : vector<16xi32>
    %gather3A_1807 = tpu.vector_load_idx %arg9[%shift_right_logical3A_1806] : memref<1024xf32, #tpu.memory_space<vmem>>[vector<16xi32>], vector<16xf32>,
    %get3A_1808 = arith.constant 400 : index
    %get3A_1809 = tpu.vector_load %arg8[%get3A_1808] {strides = array<i32>} : memref<1600xf32, #tpu.memory_space<vmem>>, vector<16xf32>,
    %sub3A_1810 = arith.subf %gather3A_1807, %get3A_1809 : vector<16xf32>
    %add3A_1811 = arith.addf %add3A_1801, %sub3A_1810 : vector<16xf32>
    %get3A_1812 = arith.constant 416 : index
    %get3A_1813 = tpu.vector_load %arg6[%get3A_1812] {strides = array<i32>} : memref<1600xi32, #tpu.memory_space<vmem>>, vector<16xi32>,
    %shift_right_logical3A_1814 = arith.constant 10 : i32
    %shift_right_logical3A_1815 = vector.broadcast %shift_right_logical3A_1814 : i32 to vector<16xi32>
    %shift_right_logical3A_1816 = arith.shrui %get3A_1813, %shift_right_logical3A_1815 : vector<16xi32>
    %gather3A_1817 = tpu.vector_load_idx %arg9[%shift_right_logical3A_1816] : memref<1024xf32, #tpu.memory_space<vmem>>[vector<16xi32>], vector<16xf32>,
    %get3A_1818 = arith.constant 416 : index
    %get3A_1819 = tpu.vector_load %arg8[%get3A_1818] {strides = array<i32>} : memref<1600xf32, #tpu.memory_space<vmem>>, vector<16xf32>,
    %sub3A_1820 = arith.subf %gather3A_1817, %get3A_1819 : vector<16xf32>
    %add3A_1821 = arith.addf %add3A_1811, %sub3A_1820 : vector<16xf32>
    %get3A_1822 = arith.constant 432 : index
    %get3A_1823 = tpu.vector_load %arg6[%get3A_1822] {strides = array<i32>} : memref<1600xi32, #tpu.memory_space<vmem>>, vector<16xi32>,
    %shift_right_logical3A_1824 = arith.constant 10 : i32
    %shift_right_logical3A_1825 = vector.broadcast %shift_right_logical3A_1824 : i32 to vector<16xi32>
    %shift_right_logical3A_1826 = arith.shrui %get3A_1823, %shift_right_logical3A_1825 : vector<16xi32>
    %gather3A_1827 = tpu.vector_load_idx %arg9[%shift_right_logical3A_1826] : memref<1024xf32, #tpu.memory_space<vmem>>[vector<16xi32>], vector<16xf32>,
    %get3A_1828 = arith.constant 432 : index
    %get3A_1829 = tpu.vector_load %arg8[%get3A_1828] {strides = array<i32>} : memref<1600xf32, #tpu.memory_space<vmem>>, vector<16xf32>,
    %sub3A_1830 = arith.subf %gather3A_1827, %get3A_1829 : vector<16xf32>
    %add3A_1831 = arith.addf %add3A_1821, %sub3A_1830 : vector<16xf32>
    %get3A_1832 = arith.constant 448 : index
    %get3A_1833 = tpu.vector_load %arg6[%get3A_1832] {strides = array<i32>} : memref<1600xi32, #tpu.memory_space<vmem>>, vector<16xi32>,
    %shift_right_logical3A_1834 = arith.constant 10 : i32
    %shift_right_logical3A_1835 = vector.broadcast %shift_right_logical3A_1834 : i32 to vector<16xi32>
    %shift_right_logical3A_1836 = arith.shrui %get3A_1833, %shift_right_logical3A_1835 : vector<16xi32>
    %gather3A_1837 = tpu.vector_load_idx %arg9[%shift_right_logical3A_1836] : memref<1024xf32, #tpu.memory_space<vmem>>[vector<16xi32>], vector<16xf32>,
    %get3A_1838 = arith.constant 448 : index
    %get3A_1839 = tpu.vector_load %arg8[%get3A_1838] {strides = array<i32>} : memref<1600xf32, #tpu.memory_space<vmem>>, vector<16xf32>,
    %sub3A_1840 = arith.subf %gather3A_1837, %get3A_1839 : vector<16xf32>
    %add3A_1841 = arith.addf %add3A_1831, %sub3A_1840 : vector<16xf32>
    %get3A_1842 = arith.constant 464 : index
    %get3A_1843 = tpu.vector_load %arg6[%get3A_1842] {strides = array<i32>} : memref<1600xi32, #tpu.memory_space<vmem>>, vector<16xi32>,
    %shift_right_logical3A_1844 = arith.constant 10 : i32
    %shift_right_logical3A_1845 = vector.broadcast %shift_right_logical3A_1844 : i32 to vector<16xi32>
    %shift_right_logical3A_1846 = arith.shrui %get3A_1843, %shift_right_logical3A_1845 : vector<16xi32>
    %gather3A_1847 = tpu.vector_load_idx %arg9[%shift_right_logical3A_1846] : memref<1024xf32, #tpu.memory_space<vmem>>[vector<16xi32>], vector<16xf32>,
    %get3A_1848 = arith.constant 464 : index
    %get3A_1849 = tpu.vector_load %arg8[%get3A_1848] {strides = array<i32>} : memref<1600xf32, #tpu.memory_space<vmem>>, vector<16xf32>,
    %sub3A_1850 = arith.subf %gather3A_1847, %get3A_1849 : vector<16xf32>
    %add3A_1851 = arith.addf %add3A_1841, %sub3A_1850 : vector<16xf32>
    %get3A_1852 = arith.constant 480 : index
    %get3A_1853 = tpu.vector_load %arg6[%get3A_1852] {strides = array<i32>} : memref<1600xi32, #tpu.memory_space<vmem>>, vector<16xi32>,
    %shift_right_logical3A_1854 = arith.constant 10 : i32
    %shift_right_logical3A_1855 = vector.broadcast %shift_right_logical3A_1854 : i32 to vector<16xi32>
    %shift_right_logical3A_1856 = arith.shrui %get3A_1853, %shift_right_logical3A_1855 : vector<16xi32>
    %gather3A_1857 = tpu.vector_load_idx %arg9[%shift_right_logical3A_1856] : memref<1024xf32, #tpu.memory_space<vmem>>[vector<16xi32>], vector<16xf32>,
    %get3A_1858 = arith.constant 480 : index
    %get3A_1859 = tpu.vector_load %arg8[%get3A_1858] {strides = array<i32>} : memref<1600xf32, #tpu.memory_space<vmem>>, vector<16xf32>,
    %sub3A_1860 = arith.subf %gather3A_1857, %get3A_1859 : vector<16xf32>
    %add3A_1861 = arith.addf %add3A_1851, %sub3A_1860 : vector<16xf32>
    %get3A_1862 = arith.constant 496 : index
    %get3A_1863 = tpu.vector_load %arg6[%get3A_1862] {strides = array<i32>} : memref<1600xi32, #tpu.memory_space<vmem>>, vector<16xi32>,
    %shift_right_logical3A_1864 = arith.constant 10 : i32
    %shift_right_logical3A_1865 = vector.broadcast %shift_right_logical3A_1864 : i32 to vector<16xi32>
    %shift_right_logical3A_1866 = arith.shrui %get3A_1863, %shift_right_logical3A_1865 : vector<16xi32>
    %gather3A_1867 = tpu.vector_load_idx %arg9[%shift_right_logical3A_1866] : memref<1024xf32, #tpu.memory_space<vmem>>[vector<16xi32>], vector<16xf32>,
    %get3A_1868 = arith.constant 496 : index
    %get3A_1869 = tpu.vector_load %arg8[%get3A_1868] {strides = array<i32>} : memref<1600xf32, #tpu.memory_space<vmem>>, vector<16xf32>,
    %sub3A_1870 = arith.subf %gather3A_1867, %get3A_1869 : vector<16xf32>
    %add3A_1871 = arith.addf %add3A_1861, %sub3A_1870 : vector<16xf32>
    %get3A_1872 = arith.constant 512 : index
    %get3A_1873 = tpu.vector_load %arg6[%get3A_1872] {strides = array<i32>} : memref<1600xi32, #tpu.memory_space<vmem>>, vector<16xi32>,
    %shift_right_logical3A_1874 = arith.constant 10 : i32
    %shift_right_logical3A_1875 = vector.broadcast %shift_right_logical3A_1874 : i32 to vector<16xi32>
    %shift_right_logical3A_1876 = arith.shrui %get3A_1873, %shift_right_logical3A_1875 : vector<16xi32>
    %gather3A_1877 = tpu.vector_load_idx %arg9[%shift_right_logical3A_1876] : memref<1024xf32, #tpu.memory_space<vmem>>[vector<16xi32>], vector<16xf32>,
    %get3A_1878 = arith.constant 512 : index
    %get3A_1879 = tpu.vector_load %arg8[%get3A_1878] {strides = array<i32>} : memref<1600xf32, #tpu.memory_space<vmem>>, vector<16xf32>,
    %sub3A_1880 = arith.subf %gather3A_1877, %get3A_1879 : vector<16xf32>
    %add3A_1881 = arith.addf %add3A_1871, %sub3A_1880 : vector<16xf32>
    %get3A_1882 = arith.constant 528 : index
    %get3A_1883 = tpu.vector_load %arg6[%get3A_1882] {strides = array<i32>} : memref<1600xi32, #tpu.memory_space<vmem>>, vector<16xi32>,
    %shift_right_logical3A_1884 = arith.constant 10 : i32
    %shift_right_logical3A_1885 = vector.broadcast %shift_right_logical3A_1884 : i32 to vector<16xi32>
    %shift_right_logical3A_1886 = arith.shrui %get3A_1883, %shift_right_logical3A_1885 : vector<16xi32>
    %gather3A_1887 = tpu.vector_load_idx %arg9[%shift_right_logical3A_1886] : memref<1024xf32, #tpu.memory_space<vmem>>[vector<16xi32>], vector<16xf32>,
    %get3A_1888 = arith.constant 528 : index
    %get3A_1889 = tpu.vector_load %arg8[%get3A_1888] {strides = array<i32>} : memref<1600xf32, #tpu.memory_space<vmem>>, vector<16xf32>,
    %sub3A_1890 = arith.subf %gather3A_1887, %get3A_1889 : vector<16xf32>
    %add3A_1891 = arith.addf %add3A_1881, %sub3A_1890 : vector<16xf32>
    %get3A_1892 = arith.constant 544 : index
    %get3A_1893 = tpu.vector_load %arg6[%get3A_1892] {strides = array<i32>} : memref<1600xi32, #tpu.memory_space<vmem>>, vector<16xi32>,
    %shift_right_logical3A_1894 = arith.constant 10 : i32
    %shift_right_logical3A_1895 = vector.broadcast %shift_right_logical3A_1894 : i32 to vector<16xi32>
    %shift_right_logical3A_1896 = arith.shrui %get3A_1893, %shift_right_logical3A_1895 : vector<16xi32>
    %gather3A_1897 = tpu.vector_load_idx %arg9[%shift_right_logical3A_1896] : memref<1024xf32, #tpu.memory_space<vmem>>[vector<16xi32>], vector<16xf32>,
    %get3A_1898 = arith.constant 544 : index
    %get3A_1899 = tpu.vector_load %arg8[%get3A_1898] {strides = array<i32>} : memref<1600xf32, #tpu.memory_space<vmem>>, vector<16xf32>,
    %sub3A_1900 = arith.subf %gather3A_1897, %get3A_1899 : vector<16xf32>
    %add3A_1901 = arith.addf %add3A_1891, %sub3A_1900 : vector<16xf32>
    %get3A_1902 = arith.constant 560 : index
    %get3A_1903 = tpu.vector_load %arg6[%get3A_1902] {strides = array<i32>} : memref<1600xi32, #tpu.memory_space<vmem>>, vector<16xi32>,
    %shift_right_logical3A_1904 = arith.constant 10 : i32
    %shift_right_logical3A_1905 = vector.broadcast %shift_right_logical3A_1904 : i32 to vector<16xi32>
    %shift_right_logical3A_1906 = arith.shrui %get3A_1903, %shift_right_logical3A_1905 : vector<16xi32>
    %gather3A_1907 = tpu.vector_load_idx %arg9[%shift_right_logical3A_1906] : memref<1024xf32, #tpu.memory_space<vmem>>[vector<16xi32>], vector<16xf32>,
    %get3A_1908 = arith.constant 560 : index
    %get3A_1909 = tpu.vector_load %arg8[%get3A_1908] {strides = array<i32>} : memref<1600xf32, #tpu.memory_space<vmem>>, vector<16xf32>,
    %sub3A_1910 = arith.subf %gather3A_1907, %get3A_1909 : vector<16xf32>
    %add3A_1911 = arith.addf %add3A_1901, %sub3A_1910 : vector<16xf32>
    %get3A_1912 = arith.constant 576 : index
    %get3A_1913 = tpu.vector_load %arg6[%get3A_1912] {strides = array<i32>} : memref<1600xi32, #tpu.memory_space<vmem>>, vector<16xi32>,
    %shift_right_logical3A_1914 = arith.constant 10 : i32
    %shift_right_logical3A_1915 = vector.broadcast %shift_right_logical3A_1914 : i32 to vector<16xi32>
    %shift_right_logical3A_1916 = arith.shrui %get3A_1913, %shift_right_logical3A_1915 : vector<16xi32>
    %gather3A_1917 = tpu.vector_load_idx %arg9[%shift_right_logical3A_1916] : memref<1024xf32, #tpu.memory_space<vmem>>[vector<16xi32>], vector<16xf32>,
    %get3A_1918 = arith.constant 576 : index
    %get3A_1919 = tpu.vector_load %arg8[%get3A_1918] {strides = array<i32>} : memref<1600xf32, #tpu.memory_space<vmem>>, vector<16xf32>,
    %sub3A_1920 = arith.subf %gather3A_1917, %get3A_1919 : vector<16xf32>
    %add3A_1921 = arith.addf %add3A_1911, %sub3A_1920 : vector<16xf32>
    %get3A_1922 = arith.constant 592 : index
    %get3A_1923 = tpu.vector_load %arg6[%get3A_1922] {strides = array<i32>} : memref<1600xi32, #tpu.memory_space<vmem>>, vector<16xi32>,
    %shift_right_logical3A_1924 = arith.constant 10 : i32
    %shift_right_logical3A_1925 = vector.broadcast %shift_right_logical3A_1924 : i32 to vector<16xi32>
    %shift_right_logical3A_1926 = arith.shrui %get3A_1923, %shift_right_logical3A_1925 : vector<16xi32>
    %gather3A_1927 = tpu.vector_load_idx %arg9[%shift_right_logical3A_1926] : memref<1024xf32, #tpu.memory_space<vmem>>[vector<16xi32>], vector<16xf32>,
    %get3A_1928 = arith.constant 592 : index
    %get3A_1929 = tpu.vector_load %arg8[%get3A_1928] {strides = array<i32>} : memref<1600xf32, #tpu.memory_space<vmem>>, vector<16xf32>,
    %sub3A_1930 = arith.subf %gather3A_1927, %get3A_1929 : vector<16xf32>
    %add3A_1931 = arith.addf %add3A_1921, %sub3A_1930 : vector<16xf32>
    %get3A_1932 = arith.constant 608 : index
    %get3A_1933 = tpu.vector_load %arg6[%get3A_1932] {strides = array<i32>} : memref<1600xi32, #tpu.memory_space<vmem>>, vector<16xi32>,
    %shift_right_logical3A_1934 = arith.constant 10 : i32
    %shift_right_logical3A_1935 = vector.broadcast %shift_right_logical3A_1934 : i32 to vector<16xi32>
    %shift_right_logical3A_1936 = arith.shrui %get3A_1933, %shift_right_logical3A_1935 : vector<16xi32>
    %gather3A_1937 = tpu.vector_load_idx %arg9[%shift_right_logical3A_1936] : memref<1024xf32, #tpu.memory_space<vmem>>[vector<16xi32>], vector<16xf32>,
    %get3A_1938 = arith.constant 608 : index
    %get3A_1939 = tpu.vector_load %arg8[%get3A_1938] {strides = array<i32>} : memref<1600xf32, #tpu.memory_space<vmem>>, vector<16xf32>,
    %sub3A_1940 = arith.subf %gather3A_1937, %get3A_1939 : vector<16xf32>
    %add3A_1941 = arith.addf %add3A_1931, %sub3A_1940 : vector<16xf32>
    %get3A_1942 = arith.constant 624 : index
    %get3A_1943 = tpu.vector_load %arg6[%get3A_1942] {strides = array<i32>} : memref<1600xi32, #tpu.memory_space<vmem>>, vector<16xi32>,
    %shift_right_logical3A_1944 = arith.constant 10 : i32
    %shift_right_logical3A_1945 = vector.broadcast %shift_right_logical3A_1944 : i32 to vector<16xi32>
    %shift_right_logical3A_1946 = arith.shrui %get3A_1943, %shift_right_logical3A_1945 : vector<16xi32>
    %gather3A_1947 = tpu.vector_load_idx %arg9[%shift_right_logical3A_1946] : memref<1024xf32, #tpu.memory_space<vmem>>[vector<16xi32>], vector<16xf32>,
    %get3A_1948 = arith.constant 624 : index
    %get3A_1949 = tpu.vector_load %arg8[%get3A_1948] {strides = array<i32>} : memref<1600xf32, #tpu.memory_space<vmem>>, vector<16xf32>,
    %sub3A_1950 = arith.subf %gather3A_1947, %get3A_1949 : vector<16xf32>
    %add3A_1951 = arith.addf %add3A_1941, %sub3A_1950 : vector<16xf32>
    %get3A_1952 = arith.constant 640 : index
    %get3A_1953 = tpu.vector_load %arg6[%get3A_1952] {strides = array<i32>} : memref<1600xi32, #tpu.memory_space<vmem>>, vector<16xi32>,
    %shift_right_logical3A_1954 = arith.constant 10 : i32
    %shift_right_logical3A_1955 = vector.broadcast %shift_right_logical3A_1954 : i32 to vector<16xi32>
    %shift_right_logical3A_1956 = arith.shrui %get3A_1953, %shift_right_logical3A_1955 : vector<16xi32>
    %gather3A_1957 = tpu.vector_load_idx %arg9[%shift_right_logical3A_1956] : memref<1024xf32, #tpu.memory_space<vmem>>[vector<16xi32>], vector<16xf32>,
    %get3A_1958 = arith.constant 640 : index
    %get3A_1959 = tpu.vector_load %arg8[%get3A_1958] {strides = array<i32>} : memref<1600xf32, #tpu.memory_space<vmem>>, vector<16xf32>,
    %sub3A_1960 = arith.subf %gather3A_1957, %get3A_1959 : vector<16xf32>
    %add3A_1961 = arith.addf %add3A_1951, %sub3A_1960 : vector<16xf32>
    %get3A_1962 = arith.constant 656 : index
    %get3A_1963 = tpu.vector_load %arg6[%get3A_1962] {strides = array<i32>} : memref<1600xi32, #tpu.memory_space<vmem>>, vector<16xi32>,
    %shift_right_logical3A_1964 = arith.constant 10 : i32
    %shift_right_logical3A_1965 = vector.broadcast %shift_right_logical3A_1964 : i32 to vector<16xi32>
    %shift_right_logical3A_1966 = arith.shrui %get3A_1963, %shift_right_logical3A_1965 : vector<16xi32>
    %gather3A_1967 = tpu.vector_load_idx %arg9[%shift_right_logical3A_1966] : memref<1024xf32, #tpu.memory_space<vmem>>[vector<16xi32>], vector<16xf32>,
    %get3A_1968 = arith.constant 656 : index
    %get3A_1969 = tpu.vector_load %arg8[%get3A_1968] {strides = array<i32>} : memref<1600xf32, #tpu.memory_space<vmem>>, vector<16xf32>,
    %sub3A_1970 = arith.subf %gather3A_1967, %get3A_1969 : vector<16xf32>
    %add3A_1971 = arith.addf %add3A_1961, %sub3A_1970 : vector<16xf32>
    %get3A_1972 = arith.constant 672 : index
    %get3A_1973 = tpu.vector_load %arg6[%get3A_1972] {strides = array<i32>} : memref<1600xi32, #tpu.memory_space<vmem>>, vector<16xi32>,
    %shift_right_logical3A_1974 = arith.constant 10 : i32
    %shift_right_logical3A_1975 = vector.broadcast %shift_right_logical3A_1974 : i32 to vector<16xi32>
    %shift_right_logical3A_1976 = arith.shrui %get3A_1973, %shift_right_logical3A_1975 : vector<16xi32>
    %gather3A_1977 = tpu.vector_load_idx %arg9[%shift_right_logical3A_1976] : memref<1024xf32, #tpu.memory_space<vmem>>[vector<16xi32>], vector<16xf32>,
    %get3A_1978 = arith.constant 672 : index
    %get3A_1979 = tpu.vector_load %arg8[%get3A_1978] {strides = array<i32>} : memref<1600xf32, #tpu.memory_space<vmem>>, vector<16xf32>,
    %sub3A_1980 = arith.subf %gather3A_1977, %get3A_1979 : vector<16xf32>
    %add3A_1981 = arith.addf %add3A_1971, %sub3A_1980 : vector<16xf32>
    %get3A_1982 = arith.constant 688 : index
    %get3A_1983 = tpu.vector_load %arg6[%get3A_1982] {strides = array<i32>} : memref<1600xi32, #tpu.memory_space<vmem>>, vector<16xi32>,
    %shift_right_logical3A_1984 = arith.constant 10 : i32
    %shift_right_logical3A_1985 = vector.broadcast %shift_right_logical3A_1984 : i32 to vector<16xi32>
    %shift_right_logical3A_1986 = arith.shrui %get3A_1983, %shift_right_logical3A_1985 : vector<16xi32>
    %gather3A_1987 = tpu.vector_load_idx %arg9[%shift_right_logical3A_1986] : memref<1024xf32, #tpu.memory_space<vmem>>[vector<16xi32>], vector<16xf32>,
    %get3A_1988 = arith.constant 688 : index
    %get3A_1989 = tpu.vector_load %arg8[%get3A_1988] {strides = array<i32>} : memref<1600xf32, #tpu.memory_space<vmem>>, vector<16xf32>,
    %sub3A_1990 = arith.subf %gather3A_1987, %get3A_1989 : vector<16xf32>
    %add3A_1991 = arith.addf %add3A_1981, %sub3A_1990 : vector<16xf32>
    %get3A_1992 = arith.constant 704 : index
    %get3A_1993 = tpu.vector_load %arg6[%get3A_1992] {strides = array<i32>} : memref<1600xi32, #tpu.memory_space<vmem>>, vector<16xi32>,
    %shift_right_logical3A_1994 = arith.constant 10 : i32
    %shift_right_logical3A_1995 = vector.broadcast %shift_right_logical3A_1994 : i32 to vector<16xi32>
    %shift_right_logical3A_1996 = arith.shrui %get3A_1993, %shift_right_logical3A_1995 : vector<16xi32>
    %gather3A_1997 = tpu.vector_load_idx %arg9[%shift_right_logical3A_1996] : memref<1024xf32, #tpu.memory_space<vmem>>[vector<16xi32>], vector<16xf32>,
    %get3A_1998 = arith.constant 704 : index
    %get3A_1999 = tpu.vector_load %arg8[%get3A_1998] {strides = array<i32>} : memref<1600xf32, #tpu.memory_space<vmem>>, vector<16xf32>,
    %sub3A_2000 = arith.subf %gather3A_1997, %get3A_1999 : vector<16xf32>
    %add3A_2001 = arith.addf %add3A_1991, %sub3A_2000 : vector<16xf32>
    %get3A_2002 = arith.constant 720 : index
    %get3A_2003 = tpu.vector_load %arg6[%get3A_2002] {strides = array<i32>} : memref<1600xi32, #tpu.memory_space<vmem>>, vector<16xi32>,
    %shift_right_logical3A_2004 = arith.constant 10 : i32
    %shift_right_logical3A_2005 = vector.broadcast %shift_right_logical3A_2004 : i32 to vector<16xi32>
    %shift_right_logical3A_2006 = arith.shrui %get3A_2003, %shift_right_logical3A_2005 : vector<16xi32>
    %gather3A_2007 = tpu.vector_load_idx %arg9[%shift_right_logical3A_2006] : memref<1024xf32, #tpu.memory_space<vmem>>[vector<16xi32>], vector<16xf32>,
    %get3A_2008 = arith.constant 720 : index
    %get3A_2009 = tpu.vector_load %arg8[%get3A_2008] {strides = array<i32>} : memref<1600xf32, #tpu.memory_space<vmem>>, vector<16xf32>,
    %sub3A_2010 = arith.subf %gather3A_2007, %get3A_2009 : vector<16xf32>
    %add3A_2011 = arith.addf %add3A_2001, %sub3A_2010 : vector<16xf32>
    %get3A_2012 = arith.constant 736 : index
    %get3A_2013 = tpu.vector_load %arg6[%get3A_2012] {strides = array<i32>} : memref<1600xi32, #tpu.memory_space<vmem>>, vector<16xi32>,
    %shift_right_logical3A_2014 = arith.constant 10 : i32
    %shift_right_logical3A_2015 = vector.broadcast %shift_right_logical3A_2014 : i32 to vector<16xi32>
    %shift_right_logical3A_2016 = arith.shrui %get3A_2013, %shift_right_logical3A_2015 : vector<16xi32>
    %gather3A_2017 = tpu.vector_load_idx %arg9[%shift_right_logical3A_2016] : memref<1024xf32, #tpu.memory_space<vmem>>[vector<16xi32>], vector<16xf32>,
    %get3A_2018 = arith.constant 736 : index
    %get3A_2019 = tpu.vector_load %arg8[%get3A_2018] {strides = array<i32>} : memref<1600xf32, #tpu.memory_space<vmem>>, vector<16xf32>,
    %sub3A_2020 = arith.subf %gather3A_2017, %get3A_2019 : vector<16xf32>
    %add3A_2021 = arith.addf %add3A_2011, %sub3A_2020 : vector<16xf32>
    %get3A_2022 = arith.constant 752 : index
    %get3A_2023 = tpu.vector_load %arg6[%get3A_2022] {strides = array<i32>} : memref<1600xi32, #tpu.memory_space<vmem>>, vector<16xi32>,
    %shift_right_logical3A_2024 = arith.constant 10 : i32
    %shift_right_logical3A_2025 = vector.broadcast %shift_right_logical3A_2024 : i32 to vector<16xi32>
    %shift_right_logical3A_2026 = arith.shrui %get3A_2023, %shift_right_logical3A_2025 : vector<16xi32>
    %gather3A_2027 = tpu.vector_load_idx %arg9[%shift_right_logical3A_2026] : memref<1024xf32, #tpu.memory_space<vmem>>[vector<16xi32>], vector<16xf32>,
    %get3A_2028 = arith.constant 752 : index
    %get3A_2029 = tpu.vector_load %arg8[%get3A_2028] {strides = array<i32>} : memref<1600xf32, #tpu.memory_space<vmem>>, vector<16xf32>,
    %sub3A_2030 = arith.subf %gather3A_2027, %get3A_2029 : vector<16xf32>
    %add3A_2031 = arith.addf %add3A_2021, %sub3A_2030 : vector<16xf32>
    %get3A_2032 = arith.constant 768 : index
    %get3A_2033 = tpu.vector_load %arg6[%get3A_2032] {strides = array<i32>} : memref<1600xi32, #tpu.memory_space<vmem>>, vector<16xi32>,
    %shift_right_logical3A_2034 = arith.constant 10 : i32
    %shift_right_logical3A_2035 = vector.broadcast %shift_right_logical3A_2034 : i32 to vector<16xi32>
    %shift_right_logical3A_2036 = arith.shrui %get3A_2033, %shift_right_logical3A_2035 : vector<16xi32>
    %gather3A_2037 = tpu.vector_load_idx %arg9[%shift_right_logical3A_2036] : memref<1024xf32, #tpu.memory_space<vmem>>[vector<16xi32>], vector<16xf32>,
    %get3A_2038 = arith.constant 768 : index
    %get3A_2039 = tpu.vector_load %arg8[%get3A_2038] {strides = array<i32>} : memref<1600xf32, #tpu.memory_space<vmem>>, vector<16xf32>,
    %sub3A_2040 = arith.subf %gather3A_2037, %get3A_2039 : vector<16xf32>
    %add3A_2041 = arith.addf %add3A_2031, %sub3A_2040 : vector<16xf32>
    %get3A_2042 = arith.constant 784 : index
    %get3A_2043 = tpu.vector_load %arg6[%get3A_2042] {strides = array<i32>} : memref<1600xi32, #tpu.memory_space<vmem>>, vector<16xi32>,
    %shift_right_logical3A_2044 = arith.constant 10 : i32
    %shift_right_logical3A_2045 = vector.broadcast %shift_right_logical3A_2044 : i32 to vector<16xi32>
    %shift_right_logical3A_2046 = arith.shrui %get3A_2043, %shift_right_logical3A_2045 : vector<16xi32>
    %gather3A_2047 = tpu.vector_load_idx %arg9[%shift_right_logical3A_2046] : memref<1024xf32, #tpu.memory_space<vmem>>[vector<16xi32>], vector<16xf32>,
    %get3A_2048 = arith.constant 784 : index
    %get3A_2049 = tpu.vector_load %arg8[%get3A_2048] {strides = array<i32>} : memref<1600xf32, #tpu.memory_space<vmem>>, vector<16xf32>,
    %sub3A_2050 = arith.subf %gather3A_2047, %get3A_2049 : vector<16xf32>
    %add3A_2051 = arith.addf %add3A_2041, %sub3A_2050 : vector<16xf32>
    %get3A_2052 = arith.constant 800 : index
    %get3A_2053 = tpu.vector_load %arg6[%get3A_2052] {strides = array<i32>} : memref<1600xi32, #tpu.memory_space<vmem>>, vector<16xi32>,
    %shift_right_logical3A_2054 = arith.constant 10 : i32
    %shift_right_logical3A_2055 = vector.broadcast %shift_right_logical3A_2054 : i32 to vector<16xi32>
    %shift_right_logical3A_2056 = arith.shrui %get3A_2053, %shift_right_logical3A_2055 : vector<16xi32>
    %gather3A_2057 = tpu.vector_load_idx %arg9[%shift_right_logical3A_2056] : memref<1024xf32, #tpu.memory_space<vmem>>[vector<16xi32>], vector<16xf32>,
    %get3A_2058 = arith.constant 800 : index
    %get3A_2059 = tpu.vector_load %arg8[%get3A_2058] {strides = array<i32>} : memref<1600xf32, #tpu.memory_space<vmem>>, vector<16xf32>,
    %sub3A_2060 = arith.subf %gather3A_2057, %get3A_2059 : vector<16xf32>
    %add3A_2061 = arith.addf %add3A_2051, %sub3A_2060 : vector<16xf32>
    %get3A_2062 = arith.constant 816 : index
    %get3A_2063 = tpu.vector_load %arg6[%get3A_2062] {strides = array<i32>} : memref<1600xi32, #tpu.memory_space<vmem>>, vector<16xi32>,
    %shift_right_logical3A_2064 = arith.constant 10 : i32
    %shift_right_logical3A_2065 = vector.broadcast %shift_right_logical3A_2064 : i32 to vector<16xi32>
    %shift_right_logical3A_2066 = arith.shrui %get3A_2063, %shift_right_logical3A_2065 : vector<16xi32>
    %gather3A_2067 = tpu.vector_load_idx %arg9[%shift_right_logical3A_2066] : memref<1024xf32, #tpu.memory_space<vmem>>[vector<16xi32>], vector<16xf32>,
    %get3A_2068 = arith.constant 816 : index
    %get3A_2069 = tpu.vector_load %arg8[%get3A_2068] {strides = array<i32>} : memref<1600xf32, #tpu.memory_space<vmem>>, vector<16xf32>,
    %sub3A_2070 = arith.subf %gather3A_2067, %get3A_2069 : vector<16xf32>
    %add3A_2071 = arith.addf %add3A_2061, %sub3A_2070 : vector<16xf32>
    %get3A_2072 = arith.constant 832 : index
    %get3A_2073 = tpu.vector_load %arg6[%get3A_2072] {strides = array<i32>} : memref<1600xi32, #tpu.memory_space<vmem>>, vector<16xi32>,
    %shift_right_logical3A_2074 = arith.constant 10 : i32
    %shift_right_logical3A_2075 = vector.broadcast %shift_right_logical3A_2074 : i32 to vector<16xi32>
    %shift_right_logical3A_2076 = arith.shrui %get3A_2073, %shift_right_logical3A_2075 : vector<16xi32>
    %gather3A_2077 = tpu.vector_load_idx %arg9[%shift_right_logical3A_2076] : memref<1024xf32, #tpu.memory_space<vmem>>[vector<16xi32>], vector<16xf32>,
    %get3A_2078 = arith.constant 832 : index
    %get3A_2079 = tpu.vector_load %arg8[%get3A_2078] {strides = array<i32>} : memref<1600xf32, #tpu.memory_space<vmem>>, vector<16xf32>,
    %sub3A_2080 = arith.subf %gather3A_2077, %get3A_2079 : vector<16xf32>
    %add3A_2081 = arith.addf %add3A_2071, %sub3A_2080 : vector<16xf32>
    %get3A_2082 = arith.constant 848 : index
    %get3A_2083 = tpu.vector_load %arg6[%get3A_2082] {strides = array<i32>} : memref<1600xi32, #tpu.memory_space<vmem>>, vector<16xi32>,
    %shift_right_logical3A_2084 = arith.constant 10 : i32
    %shift_right_logical3A_2085 = vector.broadcast %shift_right_logical3A_2084 : i32 to vector<16xi32>
    %shift_right_logical3A_2086 = arith.shrui %get3A_2083, %shift_right_logical3A_2085 : vector<16xi32>
    %gather3A_2087 = tpu.vector_load_idx %arg9[%shift_right_logical3A_2086] : memref<1024xf32, #tpu.memory_space<vmem>>[vector<16xi32>], vector<16xf32>,
    %get3A_2088 = arith.constant 848 : index
    %get3A_2089 = tpu.vector_load %arg8[%get3A_2088] {strides = array<i32>} : memref<1600xf32, #tpu.memory_space<vmem>>, vector<16xf32>,
    %sub3A_2090 = arith.subf %gather3A_2087, %get3A_2089 : vector<16xf32>
    %add3A_2091 = arith.addf %add3A_2081, %sub3A_2090 : vector<16xf32>
    %get3A_2092 = arith.constant 864 : index
    %get3A_2093 = tpu.vector_load %arg6[%get3A_2092] {strides = array<i32>} : memref<1600xi32, #tpu.memory_space<vmem>>, vector<16xi32>,
    %shift_right_logical3A_2094 = arith.constant 10 : i32
    %shift_right_logical3A_2095 = vector.broadcast %shift_right_logical3A_2094 : i32 to vector<16xi32>
    %shift_right_logical3A_2096 = arith.shrui %get3A_2093, %shift_right_logical3A_2095 : vector<16xi32>
    %gather3A_2097 = tpu.vector_load_idx %arg9[%shift_right_logical3A_2096] : memref<1024xf32, #tpu.memory_space<vmem>>[vector<16xi32>], vector<16xf32>,
    %get3A_2098 = arith.constant 864 : index
    %get3A_2099 = tpu.vector_load %arg8[%get3A_2098] {strides = array<i32>} : memref<1600xf32, #tpu.memory_space<vmem>>, vector<16xf32>,
    %sub3A_2100 = arith.subf %gather3A_2097, %get3A_2099 : vector<16xf32>
    %add3A_2101 = arith.addf %add3A_2091, %sub3A_2100 : vector<16xf32>
    %get3A_2102 = arith.constant 880 : index
    %get3A_2103 = tpu.vector_load %arg6[%get3A_2102] {strides = array<i32>} : memref<1600xi32, #tpu.memory_space<vmem>>, vector<16xi32>,
    %shift_right_logical3A_2104 = arith.constant 10 : i32
    %shift_right_logical3A_2105 = vector.broadcast %shift_right_logical3A_2104 : i32 to vector<16xi32>
    %shift_right_logical3A_2106 = arith.shrui %get3A_2103, %shift_right_logical3A_2105 : vector<16xi32>
    %gather3A_2107 = tpu.vector_load_idx %arg9[%shift_right_logical3A_2106] : memref<1024xf32, #tpu.memory_space<vmem>>[vector<16xi32>], vector<16xf32>,
    %get3A_2108 = arith.constant 880 : index
    %get3A_2109 = tpu.vector_load %arg8[%get3A_2108] {strides = array<i32>} : memref<1600xf32, #tpu.memory_space<vmem>>, vector<16xf32>,
    %sub3A_2110 = arith.subf %gather3A_2107, %get3A_2109 : vector<16xf32>
    %add3A_2111 = arith.addf %add3A_2101, %sub3A_2110 : vector<16xf32>
    %get3A_2112 = arith.constant 896 : index
    %get3A_2113 = tpu.vector_load %arg6[%get3A_2112] {strides = array<i32>} : memref<1600xi32, #tpu.memory_space<vmem>>, vector<16xi32>,
    %shift_right_logical3A_2114 = arith.constant 10 : i32
    %shift_right_logical3A_2115 = vector.broadcast %shift_right_logical3A_2114 : i32 to vector<16xi32>
    %shift_right_logical3A_2116 = arith.shrui %get3A_2113, %shift_right_logical3A_2115 : vector<16xi32>
    %gather3A_2117 = tpu.vector_load_idx %arg9[%shift_right_logical3A_2116] : memref<1024xf32, #tpu.memory_space<vmem>>[vector<16xi32>], vector<16xf32>,
    %get3A_2118 = arith.constant 896 : index
    %get3A_2119 = tpu.vector_load %arg8[%get3A_2118] {strides = array<i32>} : memref<1600xf32, #tpu.memory_space<vmem>>, vector<16xf32>,
    %sub3A_2120 = arith.subf %gather3A_2117, %get3A_2119 : vector<16xf32>
    %add3A_2121 = arith.addf %add3A_2111, %sub3A_2120 : vector<16xf32>
    %get3A_2122 = arith.constant 912 : index
    %get3A_2123 = tpu.vector_load %arg6[%get3A_2122] {strides = array<i32>} : memref<1600xi32, #tpu.memory_space<vmem>>, vector<16xi32>,
    %shift_right_logical3A_2124 = arith.constant 10 : i32
    %shift_right_logical3A_2125 = vector.broadcast %shift_right_logical3A_2124 : i32 to vector<16xi32>
    %shift_right_logical3A_2126 = arith.shrui %get3A_2123, %shift_right_logical3A_2125 : vector<16xi32>
    %gather3A_2127 = tpu.vector_load_idx %arg9[%shift_right_logical3A_2126] : memref<1024xf32, #tpu.memory_space<vmem>>[vector<16xi32>], vector<16xf32>,
    %get3A_2128 = arith.constant 912 : index
    %get3A_2129 = tpu.vector_load %arg8[%get3A_2128] {strides = array<i32>} : memref<1600xf32, #tpu.memory_space<vmem>>, vector<16xf32>,
    %sub3A_2130 = arith.subf %gather3A_2127, %get3A_2129 : vector<16xf32>
    %add3A_2131 = arith.addf %add3A_2121, %sub3A_2130 : vector<16xf32>
    %get3A_2132 = arith.constant 928 : index
    %get3A_2133 = tpu.vector_load %arg6[%get3A_2132] {strides = array<i32>} : memref<1600xi32, #tpu.memory_space<vmem>>, vector<16xi32>,
    %shift_right_logical3A_2134 = arith.constant 10 : i32
    %shift_right_logical3A_2135 = vector.broadcast %shift_right_logical3A_2134 : i32 to vector<16xi32>
    %shift_right_logical3A_2136 = arith.shrui %get3A_2133, %shift_right_logical3A_2135 : vector<16xi32>
    %gather3A_2137 = tpu.vector_load_idx %arg9[%shift_right_logical3A_2136] : memref<1024xf32, #tpu.memory_space<vmem>>[vector<16xi32>], vector<16xf32>,
    %get3A_2138 = arith.constant 928 : index
    %get3A_2139 = tpu.vector_load %arg8[%get3A_2138] {strides = array<i32>} : memref<1600xf32, #tpu.memory_space<vmem>>, vector<16xf32>,
    %sub3A_2140 = arith.subf %gather3A_2137, %get3A_2139 : vector<16xf32>
    %add3A_2141 = arith.addf %add3A_2131, %sub3A_2140 : vector<16xf32>
    %get3A_2142 = arith.constant 944 : index
    %get3A_2143 = tpu.vector_load %arg6[%get3A_2142] {strides = array<i32>} : memref<1600xi32, #tpu.memory_space<vmem>>, vector<16xi32>,
    %shift_right_logical3A_2144 = arith.constant 10 : i32
    %shift_right_logical3A_2145 = vector.broadcast %shift_right_logical3A_2144 : i32 to vector<16xi32>
    %shift_right_logical3A_2146 = arith.shrui %get3A_2143, %shift_right_logical3A_2145 : vector<16xi32>
    %gather3A_2147 = tpu.vector_load_idx %arg9[%shift_right_logical3A_2146] : memref<1024xf32, #tpu.memory_space<vmem>>[vector<16xi32>], vector<16xf32>,
    %get3A_2148 = arith.constant 944 : index
    %get3A_2149 = tpu.vector_load %arg8[%get3A_2148] {strides = array<i32>} : memref<1600xf32, #tpu.memory_space<vmem>>, vector<16xf32>,
    %sub3A_2150 = arith.subf %gather3A_2147, %get3A_2149 : vector<16xf32>
    %add3A_2151 = arith.addf %add3A_2141, %sub3A_2150 : vector<16xf32>
    %get3A_2152 = arith.constant 960 : index
    %get3A_2153 = tpu.vector_load %arg6[%get3A_2152] {strides = array<i32>} : memref<1600xi32, #tpu.memory_space<vmem>>, vector<16xi32>,
    %shift_right_logical3A_2154 = arith.constant 10 : i32
    %shift_right_logical3A_2155 = vector.broadcast %shift_right_logical3A_2154 : i32 to vector<16xi32>
    %shift_right_logical3A_2156 = arith.shrui %get3A_2153, %shift_right_logical3A_2155 : vector<16xi32>
    %gather3A_2157 = tpu.vector_load_idx %arg9[%shift_right_logical3A_2156] : memref<1024xf32, #tpu.memory_space<vmem>>[vector<16xi32>], vector<16xf32>,
    %get3A_2158 = arith.constant 960 : index
    %get3A_2159 = tpu.vector_load %arg8[%get3A_2158] {strides = array<i32>} : memref<1600xf32, #tpu.memory_space<vmem>>, vector<16xf32>,
    %sub3A_2160 = arith.subf %gather3A_2157, %get3A_2159 : vector<16xf32>
    %add3A_2161 = arith.addf %add3A_2151, %sub3A_2160 : vector<16xf32>
    %get3A_2162 = arith.constant 976 : index
    %get3A_2163 = tpu.vector_load %arg6[%get3A_2162] {strides = array<i32>} : memref<1600xi32, #tpu.memory_space<vmem>>, vector<16xi32>,
    %shift_right_logical3A_2164 = arith.constant 10 : i32
    %shift_right_logical3A_2165 = vector.broadcast %shift_right_logical3A_2164 : i32 to vector<16xi32>
    %shift_right_logical3A_2166 = arith.shrui %get3A_2163, %shift_right_logical3A_2165 : vector<16xi32>
    %gather3A_2167 = tpu.vector_load_idx %arg9[%shift_right_logical3A_2166] : memref<1024xf32, #tpu.memory_space<vmem>>[vector<16xi32>], vector<16xf32>,
    %get3A_2168 = arith.constant 976 : index
    %get3A_2169 = tpu.vector_load %arg8[%get3A_2168] {strides = array<i32>} : memref<1600xf32, #tpu.memory_space<vmem>>, vector<16xf32>,
    %sub3A_2170 = arith.subf %gather3A_2167, %get3A_2169 : vector<16xf32>
    %add3A_2171 = arith.addf %add3A_2161, %sub3A_2170 : vector<16xf32>
    %get3A_2172 = arith.constant 992 : index
    %get3A_2173 = tpu.vector_load %arg6[%get3A_2172] {strides = array<i32>} : memref<1600xi32, #tpu.memory_space<vmem>>, vector<16xi32>,
    %shift_right_logical3A_2174 = arith.constant 10 : i32
    %shift_right_logical3A_2175 = vector.broadcast %shift_right_logical3A_2174 : i32 to vector<16xi32>
    %shift_right_logical3A_2176 = arith.shrui %get3A_2173, %shift_right_logical3A_2175 : vector<16xi32>
    %gather3A_2177 = tpu.vector_load_idx %arg9[%shift_right_logical3A_2176] : memref<1024xf32, #tpu.memory_space<vmem>>[vector<16xi32>], vector<16xf32>,
    %get3A_2178 = arith.constant 992 : index
    %get3A_2179 = tpu.vector_load %arg8[%get3A_2178] {strides = array<i32>} : memref<1600xf32, #tpu.memory_space<vmem>>, vector<16xf32>,
    %sub3A_2180 = arith.subf %gather3A_2177, %get3A_2179 : vector<16xf32>
    %add3A_2181 = arith.addf %add3A_2171, %sub3A_2180 : vector<16xf32>
    %get3A_2182 = arith.constant 1008 : index
    %get3A_2183 = tpu.vector_load %arg6[%get3A_2182] {strides = array<i32>} : memref<1600xi32, #tpu.memory_space<vmem>>, vector<16xi32>,
    %shift_right_logical3A_2184 = arith.constant 10 : i32
    %shift_right_logical3A_2185 = vector.broadcast %shift_right_logical3A_2184 : i32 to vector<16xi32>
    %shift_right_logical3A_2186 = arith.shrui %get3A_2183, %shift_right_logical3A_2185 : vector<16xi32>
    %gather3A_2187 = tpu.vector_load_idx %arg9[%shift_right_logical3A_2186] : memref<1024xf32, #tpu.memory_space<vmem>>[vector<16xi32>], vector<16xf32>,
    %get3A_2188 = arith.constant 1008 : index
    %get3A_2189 = tpu.vector_load %arg8[%get3A_2188] {strides = array<i32>} : memref<1600xf32, #tpu.memory_space<vmem>>, vector<16xf32>,
    %sub3A_2190 = arith.subf %gather3A_2187, %get3A_2189 : vector<16xf32>
    %add3A_2191 = arith.addf %add3A_2181, %sub3A_2190 : vector<16xf32>
    %get3A_2192 = arith.constant 1024 : index
    %get3A_2193 = tpu.vector_load %arg6[%get3A_2192] {strides = array<i32>} : memref<1600xi32, #tpu.memory_space<vmem>>, vector<16xi32>,
    %shift_right_logical3A_2194 = arith.constant 10 : i32
    %shift_right_logical3A_2195 = vector.broadcast %shift_right_logical3A_2194 : i32 to vector<16xi32>
    %shift_right_logical3A_2196 = arith.shrui %get3A_2193, %shift_right_logical3A_2195 : vector<16xi32>
    %gather3A_2197 = tpu.vector_load_idx %arg9[%shift_right_logical3A_2196] : memref<1024xf32, #tpu.memory_space<vmem>>[vector<16xi32>], vector<16xf32>,
    %get3A_2198 = arith.constant 1024 : index
    %get3A_2199 = tpu.vector_load %arg8[%get3A_2198] {strides = array<i32>} : memref<1600xf32, #tpu.memory_space<vmem>>, vector<16xf32>,
    %sub3A_2200 = arith.subf %gather3A_2197, %get3A_2199 : vector<16xf32>
    %add3A_2201 = arith.addf %add3A_2191, %sub3A_2200 : vector<16xf32>
    %get3A_2202 = arith.constant 1040 : index
    %get3A_2203 = tpu.vector_load %arg6[%get3A_2202] {strides = array<i32>} : memref<1600xi32, #tpu.memory_space<vmem>>, vector<16xi32>,
    %shift_right_logical3A_2204 = arith.constant 10 : i32
    %shift_right_logical3A_2205 = vector.broadcast %shift_right_logical3A_2204 : i32 to vector<16xi32>
    %shift_right_logical3A_2206 = arith.shrui %get3A_2203, %shift_right_logical3A_2205 : vector<16xi32>
    %gather3A_2207 = tpu.vector_load_idx %arg9[%shift_right_logical3A_2206] : memref<1024xf32, #tpu.memory_space<vmem>>[vector<16xi32>], vector<16xf32>,
    %get3A_2208 = arith.constant 1040 : index
    %get3A_2209 = tpu.vector_load %arg8[%get3A_2208] {strides = array<i32>} : memref<1600xf32, #tpu.memory_space<vmem>>, vector<16xf32>,
    %sub3A_2210 = arith.subf %gather3A_2207, %get3A_2209 : vector<16xf32>
    %add3A_2211 = arith.addf %add3A_2201, %sub3A_2210 : vector<16xf32>
    %get3A_2212 = arith.constant 1056 : index
    %get3A_2213 = tpu.vector_load %arg6[%get3A_2212] {strides = array<i32>} : memref<1600xi32, #tpu.memory_space<vmem>>, vector<16xi32>,
    %shift_right_logical3A_2214 = arith.constant 10 : i32
    %shift_right_logical3A_2215 = vector.broadcast %shift_right_logical3A_2214 : i32 to vector<16xi32>
    %shift_right_logical3A_2216 = arith.shrui %get3A_2213, %shift_right_logical3A_2215 : vector<16xi32>
    %gather3A_2217 = tpu.vector_load_idx %arg9[%shift_right_logical3A_2216] : memref<1024xf32, #tpu.memory_space<vmem>>[vector<16xi32>], vector<16xf32>,
    %get3A_2218 = arith.constant 1056 : index
    %get3A_2219 = tpu.vector_load %arg8[%get3A_2218] {strides = array<i32>} : memref<1600xf32, #tpu.memory_space<vmem>>, vector<16xf32>,
    %sub3A_2220 = arith.subf %gather3A_2217, %get3A_2219 : vector<16xf32>
    %add3A_2221 = arith.addf %add3A_2211, %sub3A_2220 : vector<16xf32>
    %get3A_2222 = arith.constant 1072 : index
    %get3A_2223 = tpu.vector_load %arg6[%get3A_2222] {strides = array<i32>} : memref<1600xi32, #tpu.memory_space<vmem>>, vector<16xi32>,
    %shift_right_logical3A_2224 = arith.constant 10 : i32
    %shift_right_logical3A_2225 = vector.broadcast %shift_right_logical3A_2224 : i32 to vector<16xi32>
    %shift_right_logical3A_2226 = arith.shrui %get3A_2223, %shift_right_logical3A_2225 : vector<16xi32>
    %gather3A_2227 = tpu.vector_load_idx %arg9[%shift_right_logical3A_2226] : memref<1024xf32, #tpu.memory_space<vmem>>[vector<16xi32>], vector<16xf32>,
    %get3A_2228 = arith.constant 1072 : index
    %get3A_2229 = tpu.vector_load %arg8[%get3A_2228] {strides = array<i32>} : memref<1600xf32, #tpu.memory_space<vmem>>, vector<16xf32>,
    %sub3A_2230 = arith.subf %gather3A_2227, %get3A_2229 : vector<16xf32>
    %add3A_2231 = arith.addf %add3A_2221, %sub3A_2230 : vector<16xf32>
    %get3A_2232 = arith.constant 1088 : index
    %get3A_2233 = tpu.vector_load %arg6[%get3A_2232] {strides = array<i32>} : memref<1600xi32, #tpu.memory_space<vmem>>, vector<16xi32>,
    %shift_right_logical3A_2234 = arith.constant 10 : i32
    %shift_right_logical3A_2235 = vector.broadcast %shift_right_logical3A_2234 : i32 to vector<16xi32>
    %shift_right_logical3A_2236 = arith.shrui %get3A_2233, %shift_right_logical3A_2235 : vector<16xi32>
    %gather3A_2237 = tpu.vector_load_idx %arg9[%shift_right_logical3A_2236] : memref<1024xf32, #tpu.memory_space<vmem>>[vector<16xi32>], vector<16xf32>,
    %get3A_2238 = arith.constant 1088 : index
    %get3A_2239 = tpu.vector_load %arg8[%get3A_2238] {strides = array<i32>} : memref<1600xf32, #tpu.memory_space<vmem>>, vector<16xf32>,
    %sub3A_2240 = arith.subf %gather3A_2237, %get3A_2239 : vector<16xf32>
    %add3A_2241 = arith.addf %add3A_2231, %sub3A_2240 : vector<16xf32>
    %get3A_2242 = arith.constant 1104 : index
    %get3A_2243 = tpu.vector_load %arg6[%get3A_2242] {strides = array<i32>} : memref<1600xi32, #tpu.memory_space<vmem>>, vector<16xi32>,
    %shift_right_logical3A_2244 = arith.constant 10 : i32
    %shift_right_logical3A_2245 = vector.broadcast %shift_right_logical3A_2244 : i32 to vector<16xi32>
    %shift_right_logical3A_2246 = arith.shrui %get3A_2243, %shift_right_logical3A_2245 : vector<16xi32>
    %gather3A_2247 = tpu.vector_load_idx %arg9[%shift_right_logical3A_2246] : memref<1024xf32, #tpu.memory_space<vmem>>[vector<16xi32>], vector<16xf32>,
    %get3A_2248 = arith.constant 1104 : index
    %get3A_2249 = tpu.vector_load %arg8[%get3A_2248] {strides = array<i32>} : memref<1600xf32, #tpu.memory_space<vmem>>, vector<16xf32>,
    %sub3A_2250 = arith.subf %gather3A_2247, %get3A_2249 : vector<16xf32>
    %add3A_2251 = arith.addf %add3A_2241, %sub3A_2250 : vector<16xf32>
    %get3A_2252 = arith.constant 1120 : index
    %get3A_2253 = tpu.vector_load %arg6[%get3A_2252] {strides = array<i32>} : memref<1600xi32, #tpu.memory_space<vmem>>, vector<16xi32>,
    %shift_right_logical3A_2254 = arith.constant 10 : i32
    %shift_right_logical3A_2255 = vector.broadcast %shift_right_logical3A_2254 : i32 to vector<16xi32>
    %shift_right_logical3A_2256 = arith.shrui %get3A_2253, %shift_right_logical3A_2255 : vector<16xi32>
    %gather3A_2257 = tpu.vector_load_idx %arg9[%shift_right_logical3A_2256] : memref<1024xf32, #tpu.memory_space<vmem>>[vector<16xi32>], vector<16xf32>,
    %get3A_2258 = arith.constant 1120 : index
    %get3A_2259 = tpu.vector_load %arg8[%get3A_2258] {strides = array<i32>} : memref<1600xf32, #tpu.memory_space<vmem>>, vector<16xf32>,
    %sub3A_2260 = arith.subf %gather3A_2257, %get3A_2259 : vector<16xf32>
    %add3A_2261 = arith.addf %add3A_2251, %sub3A_2260 : vector<16xf32>
    %get3A_2262 = arith.constant 1136 : index
    %get3A_2263 = tpu.vector_load %arg6[%get3A_2262] {strides = array<i32>} : memref<1600xi32, #tpu.memory_space<vmem>>, vector<16xi32>,
    %shift_right_logical3A_2264 = arith.constant 10 : i32
    %shift_right_logical3A_2265 = vector.broadcast %shift_right_logical3A_2264 : i32 to vector<16xi32>
    %shift_right_logical3A_2266 = arith.shrui %get3A_2263, %shift_right_logical3A_2265 : vector<16xi32>
    %gather3A_2267 = tpu.vector_load_idx %arg9[%shift_right_logical3A_2266] : memref<1024xf32, #tpu.memory_space<vmem>>[vector<16xi32>], vector<16xf32>,
    %get3A_2268 = arith.constant 1136 : index
    %get3A_2269 = tpu.vector_load %arg8[%get3A_2268] {strides = array<i32>} : memref<1600xf32, #tpu.memory_space<vmem>>, vector<16xf32>,
    %sub3A_2270 = arith.subf %gather3A_2267, %get3A_2269 : vector<16xf32>
    %add3A_2271 = arith.addf %add3A_2261, %sub3A_2270 : vector<16xf32>
    %get3A_2272 = arith.constant 1152 : index
    %get3A_2273 = tpu.vector_load %arg6[%get3A_2272] {strides = array<i32>} : memref<1600xi32, #tpu.memory_space<vmem>>, vector<16xi32>,
    %shift_right_logical3A_2274 = arith.constant 10 : i32
    %shift_right_logical3A_2275 = vector.broadcast %shift_right_logical3A_2274 : i32 to vector<16xi32>
    %shift_right_logical3A_2276 = arith.shrui %get3A_2273, %shift_right_logical3A_2275 : vector<16xi32>
    %gather3A_2277 = tpu.vector_load_idx %arg9[%shift_right_logical3A_2276] : memref<1024xf32, #tpu.memory_space<vmem>>[vector<16xi32>], vector<16xf32>,
    %get3A_2278 = arith.constant 1152 : index
    %get3A_2279 = tpu.vector_load %arg8[%get3A_2278] {strides = array<i32>} : memref<1600xf32, #tpu.memory_space<vmem>>, vector<16xf32>,
    %sub3A_2280 = arith.subf %gather3A_2277, %get3A_2279 : vector<16xf32>
    %add3A_2281 = arith.addf %add3A_2271, %sub3A_2280 : vector<16xf32>
    %get3A_2282 = arith.constant 1168 : index
    %get3A_2283 = tpu.vector_load %arg6[%get3A_2282] {strides = array<i32>} : memref<1600xi32, #tpu.memory_space<vmem>>, vector<16xi32>,
    %shift_right_logical3A_2284 = arith.constant 10 : i32
    %shift_right_logical3A_2285 = vector.broadcast %shift_right_logical3A_2284 : i32 to vector<16xi32>
    %shift_right_logical3A_2286 = arith.shrui %get3A_2283, %shift_right_logical3A_2285 : vector<16xi32>
    %gather3A_2287 = tpu.vector_load_idx %arg9[%shift_right_logical3A_2286] : memref<1024xf32, #tpu.memory_space<vmem>>[vector<16xi32>], vector<16xf32>,
    %get3A_2288 = arith.constant 1168 : index
    %get3A_2289 = tpu.vector_load %arg8[%get3A_2288] {strides = array<i32>} : memref<1600xf32, #tpu.memory_space<vmem>>, vector<16xf32>,
    %sub3A_2290 = arith.subf %gather3A_2287, %get3A_2289 : vector<16xf32>
    %add3A_2291 = arith.addf %add3A_2281, %sub3A_2290 : vector<16xf32>
    %get3A_2292 = arith.constant 1184 : index
    %get3A_2293 = tpu.vector_load %arg6[%get3A_2292] {strides = array<i32>} : memref<1600xi32, #tpu.memory_space<vmem>>, vector<16xi32>,
    %shift_right_logical3A_2294 = arith.constant 10 : i32
    %shift_right_logical3A_2295 = vector.broadcast %shift_right_logical3A_2294 : i32 to vector<16xi32>
    %shift_right_logical3A_2296 = arith.shrui %get3A_2293, %shift_right_logical3A_2295 : vector<16xi32>
    %gather3A_2297 = tpu.vector_load_idx %arg9[%shift_right_logical3A_2296] : memref<1024xf32, #tpu.memory_space<vmem>>[vector<16xi32>], vector<16xf32>,
    %get3A_2298 = arith.constant 1184 : index
    %get3A_2299 = tpu.vector_load %arg8[%get3A_2298] {strides = array<i32>} : memref<1600xf32, #tpu.memory_space<vmem>>, vector<16xf32>,
    %sub3A_2300 = arith.subf %gather3A_2297, %get3A_2299 : vector<16xf32>
    %add3A_2301 = arith.addf %add3A_2291, %sub3A_2300 : vector<16xf32>
    %get3A_2302 = arith.constant 1200 : index
    %get3A_2303 = tpu.vector_load %arg6[%get3A_2302] {strides = array<i32>} : memref<1600xi32, #tpu.memory_space<vmem>>, vector<16xi32>,
    %shift_right_logical3A_2304 = arith.constant 10 : i32
    %shift_right_logical3A_2305 = vector.broadcast %shift_right_logical3A_2304 : i32 to vector<16xi32>
    %shift_right_logical3A_2306 = arith.shrui %get3A_2303, %shift_right_logical3A_2305 : vector<16xi32>
    %gather3A_2307 = tpu.vector_load_idx %arg9[%shift_right_logical3A_2306] : memref<1024xf32, #tpu.memory_space<vmem>>[vector<16xi32>], vector<16xf32>,
    %get3A_2308 = arith.constant 1200 : index
    %get3A_2309 = tpu.vector_load %arg8[%get3A_2308] {strides = array<i32>} : memref<1600xf32, #tpu.memory_space<vmem>>, vector<16xf32>,
    %sub3A_2310 = arith.subf %gather3A_2307, %get3A_2309 : vector<16xf32>
    %add3A_2311 = arith.addf %add3A_2301, %sub3A_2310 : vector<16xf32>
    %get3A_2312 = arith.constant 1216 : index
    %get3A_2313 = tpu.vector_load %arg6[%get3A_2312] {strides = array<i32>} : memref<1600xi32, #tpu.memory_space<vmem>>, vector<16xi32>,
    %shift_right_logical3A_2314 = arith.constant 10 : i32
    %shift_right_logical3A_2315 = vector.broadcast %shift_right_logical3A_2314 : i32 to vector<16xi32>
    %shift_right_logical3A_2316 = arith.shrui %get3A_2313, %shift_right_logical3A_2315 : vector<16xi32>
    %gather3A_2317 = tpu.vector_load_idx %arg9[%shift_right_logical3A_2316] : memref<1024xf32, #tpu.memory_space<vmem>>[vector<16xi32>], vector<16xf32>,
    %get3A_2318 = arith.constant 1216 : index
    %get3A_2319 = tpu.vector_load %arg8[%get3A_2318] {strides = array<i32>} : memref<1600xf32, #tpu.memory_space<vmem>>, vector<16xf32>,
    %sub3A_2320 = arith.subf %gather3A_2317, %get3A_2319 : vector<16xf32>
    %add3A_2321 = arith.addf %add3A_2311, %sub3A_2320 : vector<16xf32>
    %get3A_2322 = arith.constant 1232 : index
    %get3A_2323 = tpu.vector_load %arg6[%get3A_2322] {strides = array<i32>} : memref<1600xi32, #tpu.memory_space<vmem>>, vector<16xi32>,
    %shift_right_logical3A_2324 = arith.constant 10 : i32
    %shift_right_logical3A_2325 = vector.broadcast %shift_right_logical3A_2324 : i32 to vector<16xi32>
    %shift_right_logical3A_2326 = arith.shrui %get3A_2323, %shift_right_logical3A_2325 : vector<16xi32>
    %gather3A_2327 = tpu.vector_load_idx %arg9[%shift_right_logical3A_2326] : memref<1024xf32, #tpu.memory_space<vmem>>[vector<16xi32>], vector<16xf32>,
    %get3A_2328 = arith.constant 1232 : index
    %get3A_2329 = tpu.vector_load %arg8[%get3A_2328] {strides = array<i32>} : memref<1600xf32, #tpu.memory_space<vmem>>, vector<16xf32>,
    %sub3A_2330 = arith.subf %gather3A_2327, %get3A_2329 : vector<16xf32>
    %add3A_2331 = arith.addf %add3A_2321, %sub3A_2330 : vector<16xf32>
    %get3A_2332 = arith.constant 1248 : index
    %get3A_2333 = tpu.vector_load %arg6[%get3A_2332] {strides = array<i32>} : memref<1600xi32, #tpu.memory_space<vmem>>, vector<16xi32>,
    %shift_right_logical3A_2334 = arith.constant 10 : i32
    %shift_right_logical3A_2335 = vector.broadcast %shift_right_logical3A_2334 : i32 to vector<16xi32>
    %shift_right_logical3A_2336 = arith.shrui %get3A_2333, %shift_right_logical3A_2335 : vector<16xi32>
    %gather3A_2337 = tpu.vector_load_idx %arg9[%shift_right_logical3A_2336] : memref<1024xf32, #tpu.memory_space<vmem>>[vector<16xi32>], vector<16xf32>,
    %get3A_2338 = arith.constant 1248 : index
    %get3A_2339 = tpu.vector_load %arg8[%get3A_2338] {strides = array<i32>} : memref<1600xf32, #tpu.memory_space<vmem>>, vector<16xf32>,
    %sub3A_2340 = arith.subf %gather3A_2337, %get3A_2339 : vector<16xf32>
    %add3A_2341 = arith.addf %add3A_2331, %sub3A_2340 : vector<16xf32>
    %get3A_2342 = arith.constant 1264 : index
    %get3A_2343 = tpu.vector_load %arg6[%get3A_2342] {strides = array<i32>} : memref<1600xi32, #tpu.memory_space<vmem>>, vector<16xi32>,
    %shift_right_logical3A_2344 = arith.constant 10 : i32
    %shift_right_logical3A_2345 = vector.broadcast %shift_right_logical3A_2344 : i32 to vector<16xi32>
    %shift_right_logical3A_2346 = arith.shrui %get3A_2343, %shift_right_logical3A_2345 : vector<16xi32>
    %gather3A_2347 = tpu.vector_load_idx %arg9[%shift_right_logical3A_2346] : memref<1024xf32, #tpu.memory_space<vmem>>[vector<16xi32>], vector<16xf32>,
    %get3A_2348 = arith.constant 1264 : index
    %get3A_2349 = tpu.vector_load %arg8[%get3A_2348] {strides = array<i32>} : memref<1600xf32, #tpu.memory_space<vmem>>, vector<16xf32>,
    %sub3A_2350 = arith.subf %gather3A_2347, %get3A_2349 : vector<16xf32>
    %add3A_2351 = arith.addf %add3A_2341, %sub3A_2350 : vector<16xf32>
    %get3A_2352 = arith.constant 1280 : index
    %get3A_2353 = tpu.vector_load %arg6[%get3A_2352] {strides = array<i32>} : memref<1600xi32, #tpu.memory_space<vmem>>, vector<16xi32>,
    %shift_right_logical3A_2354 = arith.constant 10 : i32
    %shift_right_logical3A_2355 = vector.broadcast %shift_right_logical3A_2354 : i32 to vector<16xi32>
    %shift_right_logical3A_2356 = arith.shrui %get3A_2353, %shift_right_logical3A_2355 : vector<16xi32>
    %gather3A_2357 = tpu.vector_load_idx %arg9[%shift_right_logical3A_2356] : memref<1024xf32, #tpu.memory_space<vmem>>[vector<16xi32>], vector<16xf32>,
    %get3A_2358 = arith.constant 1280 : index
    %get3A_2359 = tpu.vector_load %arg8[%get3A_2358] {strides = array<i32>} : memref<1600xf32, #tpu.memory_space<vmem>>, vector<16xf32>,
    %sub3A_2360 = arith.subf %gather3A_2357, %get3A_2359 : vector<16xf32>
    %add3A_2361 = arith.addf %add3A_2351, %sub3A_2360 : vector<16xf32>
    %get3A_2362 = arith.constant 1296 : index
    %get3A_2363 = tpu.vector_load %arg6[%get3A_2362] {strides = array<i32>} : memref<1600xi32, #tpu.memory_space<vmem>>, vector<16xi32>,
    %shift_right_logical3A_2364 = arith.constant 10 : i32
    %shift_right_logical3A_2365 = vector.broadcast %shift_right_logical3A_2364 : i32 to vector<16xi32>
    %shift_right_logical3A_2366 = arith.shrui %get3A_2363, %shift_right_logical3A_2365 : vector<16xi32>
    %gather3A_2367 = tpu.vector_load_idx %arg9[%shift_right_logical3A_2366] : memref<1024xf32, #tpu.memory_space<vmem>>[vector<16xi32>], vector<16xf32>,
    %get3A_2368 = arith.constant 1296 : index
    %get3A_2369 = tpu.vector_load %arg8[%get3A_2368] {strides = array<i32>} : memref<1600xf32, #tpu.memory_space<vmem>>, vector<16xf32>,
    %sub3A_2370 = arith.subf %gather3A_2367, %get3A_2369 : vector<16xf32>
    %add3A_2371 = arith.addf %add3A_2361, %sub3A_2370 : vector<16xf32>
    %get3A_2372 = arith.constant 1312 : index
    %get3A_2373 = tpu.vector_load %arg6[%get3A_2372] {strides = array<i32>} : memref<1600xi32, #tpu.memory_space<vmem>>, vector<16xi32>,
    %shift_right_logical3A_2374 = arith.constant 10 : i32
    %shift_right_logical3A_2375 = vector.broadcast %shift_right_logical3A_2374 : i32 to vector<16xi32>
    %shift_right_logical3A_2376 = arith.shrui %get3A_2373, %shift_right_logical3A_2375 : vector<16xi32>
    %gather3A_2377 = tpu.vector_load_idx %arg9[%shift_right_logical3A_2376] : memref<1024xf32, #tpu.memory_space<vmem>>[vector<16xi32>], vector<16xf32>,
    %get3A_2378 = arith.constant 1312 : index
    %get3A_2379 = tpu.vector_load %arg8[%get3A_2378] {strides = array<i32>} : memref<1600xf32, #tpu.memory_space<vmem>>, vector<16xf32>,
    %sub3A_2380 = arith.subf %gather3A_2377, %get3A_2379 : vector<16xf32>
    %add3A_2381 = arith.addf %add3A_2371, %sub3A_2380 : vector<16xf32>
    %get3A_2382 = arith.constant 1328 : index
    %get3A_2383 = tpu.vector_load %arg6[%get3A_2382] {strides = array<i32>} : memref<1600xi32, #tpu.memory_space<vmem>>, vector<16xi32>,
    %shift_right_logical3A_2384 = arith.constant 10 : i32
    %shift_right_logical3A_2385 = vector.broadcast %shift_right_logical3A_2384 : i32 to vector<16xi32>
    %shift_right_logical3A_2386 = arith.shrui %get3A_2383, %shift_right_logical3A_2385 : vector<16xi32>
    %gather3A_2387 = tpu.vector_load_idx %arg9[%shift_right_logical3A_2386] : memref<1024xf32, #tpu.memory_space<vmem>>[vector<16xi32>], vector<16xf32>,
    %get3A_2388 = arith.constant 1328 : index
    %get3A_2389 = tpu.vector_load %arg8[%get3A_2388] {strides = array<i32>} : memref<1600xf32, #tpu.memory_space<vmem>>, vector<16xf32>,
    %sub3A_2390 = arith.subf %gather3A_2387, %get3A_2389 : vector<16xf32>
    %add3A_2391 = arith.addf %add3A_2381, %sub3A_2390 : vector<16xf32>
    %get3A_2392 = arith.constant 1344 : index
    %get3A_2393 = tpu.vector_load %arg6[%get3A_2392] {strides = array<i32>} : memref<1600xi32, #tpu.memory_space<vmem>>, vector<16xi32>,
    %shift_right_logical3A_2394 = arith.constant 10 : i32
    %shift_right_logical3A_2395 = vector.broadcast %shift_right_logical3A_2394 : i32 to vector<16xi32>
    %shift_right_logical3A_2396 = arith.shrui %get3A_2393, %shift_right_logical3A_2395 : vector<16xi32>
    %gather3A_2397 = tpu.vector_load_idx %arg9[%shift_right_logical3A_2396] : memref<1024xf32, #tpu.memory_space<vmem>>[vector<16xi32>], vector<16xf32>,
    %get3A_2398 = arith.constant 1344 : index
    %get3A_2399 = tpu.vector_load %arg8[%get3A_2398] {strides = array<i32>} : memref<1600xf32, #tpu.memory_space<vmem>>, vector<16xf32>,
    %sub3A_2400 = arith.subf %gather3A_2397, %get3A_2399 : vector<16xf32>
    %add3A_2401 = arith.addf %add3A_2391, %sub3A_2400 : vector<16xf32>
    %get3A_2402 = arith.constant 1360 : index
    %get3A_2403 = tpu.vector_load %arg6[%get3A_2402] {strides = array<i32>} : memref<1600xi32, #tpu.memory_space<vmem>>, vector<16xi32>,
    %shift_right_logical3A_2404 = arith.constant 10 : i32
    %shift_right_logical3A_2405 = vector.broadcast %shift_right_logical3A_2404 : i32 to vector<16xi32>
    %shift_right_logical3A_2406 = arith.shrui %get3A_2403, %shift_right_logical3A_2405 : vector<16xi32>
    %gather3A_2407 = tpu.vector_load_idx %arg9[%shift_right_logical3A_2406] : memref<1024xf32, #tpu.memory_space<vmem>>[vector<16xi32>], vector<16xf32>,
    %get3A_2408 = arith.constant 1360 : index
    %get3A_2409 = tpu.vector_load %arg8[%get3A_2408] {strides = array<i32>} : memref<1600xf32, #tpu.memory_space<vmem>>, vector<16xf32>,
    %sub3A_2410 = arith.subf %gather3A_2407, %get3A_2409 : vector<16xf32>
    %add3A_2411 = arith.addf %add3A_2401, %sub3A_2410 : vector<16xf32>
    %get3A_2412 = arith.constant 1376 : index
    %get3A_2413 = tpu.vector_load %arg6[%get3A_2412] {strides = array<i32>} : memref<1600xi32, #tpu.memory_space<vmem>>, vector<16xi32>,
    %shift_right_logical3A_2414 = arith.constant 10 : i32
    %shift_right_logical3A_2415 = vector.broadcast %shift_right_logical3A_2414 : i32 to vector<16xi32>
    %shift_right_logical3A_2416 = arith.shrui %get3A_2413, %shift_right_logical3A_2415 : vector<16xi32>
    %gather3A_2417 = tpu.vector_load_idx %arg9[%shift_right_logical3A_2416] : memref<1024xf32, #tpu.memory_space<vmem>>[vector<16xi32>], vector<16xf32>,
    %get3A_2418 = arith.constant 1376 : index
    %get3A_2419 = tpu.vector_load %arg8[%get3A_2418] {strides = array<i32>} : memref<1600xf32, #tpu.memory_space<vmem>>, vector<16xf32>,
    %sub3A_2420 = arith.subf %gather3A_2417, %get3A_2419 : vector<16xf32>
    %add3A_2421 = arith.addf %add3A_2411, %sub3A_2420 : vector<16xf32>
    %get3A_2422 = arith.constant 1392 : index
    %get3A_2423 = tpu.vector_load %arg6[%get3A_2422] {strides = array<i32>} : memref<1600xi32, #tpu.memory_space<vmem>>, vector<16xi32>,
    %shift_right_logical3A_2424 = arith.constant 10 : i32
    %shift_right_logical3A_2425 = vector.broadcast %shift_right_logical3A_2424 : i32 to vector<16xi32>
    %shift_right_logical3A_2426 = arith.shrui %get3A_2423, %shift_right_logical3A_2425 : vector<16xi32>
    %gather3A_2427 = tpu.vector_load_idx %arg9[%shift_right_logical3A_2426] : memref<1024xf32, #tpu.memory_space<vmem>>[vector<16xi32>], vector<16xf32>,
    %get3A_2428 = arith.constant 1392 : index
    %get3A_2429 = tpu.vector_load %arg8[%get3A_2428] {strides = array<i32>} : memref<1600xf32, #tpu.memory_space<vmem>>, vector<16xf32>,
    %sub3A_2430 = arith.subf %gather3A_2427, %get3A_2429 : vector<16xf32>
    %add3A_2431 = arith.addf %add3A_2421, %sub3A_2430 : vector<16xf32>
    %get3A_2432 = arith.constant 1408 : index
    %get3A_2433 = tpu.vector_load %arg6[%get3A_2432] {strides = array<i32>} : memref<1600xi32, #tpu.memory_space<vmem>>, vector<16xi32>,
    %shift_right_logical3A_2434 = arith.constant 10 : i32
    %shift_right_logical3A_2435 = vector.broadcast %shift_right_logical3A_2434 : i32 to vector<16xi32>
    %shift_right_logical3A_2436 = arith.shrui %get3A_2433, %shift_right_logical3A_2435 : vector<16xi32>
    %gather3A_2437 = tpu.vector_load_idx %arg9[%shift_right_logical3A_2436] : memref<1024xf32, #tpu.memory_space<vmem>>[vector<16xi32>], vector<16xf32>,
    %get3A_2438 = arith.constant 1408 : index
    %get3A_2439 = tpu.vector_load %arg8[%get3A_2438] {strides = array<i32>} : memref<1600xf32, #tpu.memory_space<vmem>>, vector<16xf32>,
    %sub3A_2440 = arith.subf %gather3A_2437, %get3A_2439 : vector<16xf32>
    %add3A_2441 = arith.addf %add3A_2431, %sub3A_2440 : vector<16xf32>
    %get3A_2442 = arith.constant 1424 : index
    %get3A_2443 = tpu.vector_load %arg6[%get3A_2442] {strides = array<i32>} : memref<1600xi32, #tpu.memory_space<vmem>>, vector<16xi32>,
    %shift_right_logical3A_2444 = arith.constant 10 : i32
    %shift_right_logical3A_2445 = vector.broadcast %shift_right_logical3A_2444 : i32 to vector<16xi32>
    %shift_right_logical3A_2446 = arith.shrui %get3A_2443, %shift_right_logical3A_2445 : vector<16xi32>
    %gather3A_2447 = tpu.vector_load_idx %arg9[%shift_right_logical3A_2446] : memref<1024xf32, #tpu.memory_space<vmem>>[vector<16xi32>], vector<16xf32>,
    %get3A_2448 = arith.constant 1424 : index
    %get3A_2449 = tpu.vector_load %arg8[%get3A_2448] {strides = array<i32>} : memref<1600xf32, #tpu.memory_space<vmem>>, vector<16xf32>,
    %sub3A_2450 = arith.subf %gather3A_2447, %get3A_2449 : vector<16xf32>
    %add3A_2451 = arith.addf %add3A_2441, %sub3A_2450 : vector<16xf32>
    %get3A_2452 = arith.constant 1440 : index
    %get3A_2453 = tpu.vector_load %arg6[%get3A_2452] {strides = array<i32>} : memref<1600xi32, #tpu.memory_space<vmem>>, vector<16xi32>,
    %shift_right_logical3A_2454 = arith.constant 10 : i32
    %shift_right_logical3A_2455 = vector.broadcast %shift_right_logical3A_2454 : i32 to vector<16xi32>
    %shift_right_logical3A_2456 = arith.shrui %get3A_2453, %shift_right_logical3A_2455 : vector<16xi32>
    %gather3A_2457 = tpu.vector_load_idx %arg9[%shift_right_logical3A_2456] : memref<1024xf32, #tpu.memory_space<vmem>>[vector<16xi32>], vector<16xf32>,
    %get3A_2458 = arith.constant 1440 : index
    %get3A_2459 = tpu.vector_load %arg8[%get3A_2458] {strides = array<i32>} : memref<1600xf32, #tpu.memory_space<vmem>>, vector<16xf32>,
    %sub3A_2460 = arith.subf %gather3A_2457, %get3A_2459 : vector<16xf32>
    %add3A_2461 = arith.addf %add3A_2451, %sub3A_2460 : vector<16xf32>
    %get3A_2462 = arith.constant 1456 : index
    %get3A_2463 = tpu.vector_load %arg6[%get3A_2462] {strides = array<i32>} : memref<1600xi32, #tpu.memory_space<vmem>>, vector<16xi32>,
    %shift_right_logical3A_2464 = arith.constant 10 : i32
    %shift_right_logical3A_2465 = vector.broadcast %shift_right_logical3A_2464 : i32 to vector<16xi32>
    %shift_right_logical3A_2466 = arith.shrui %get3A_2463, %shift_right_logical3A_2465 : vector<16xi32>
    %gather3A_2467 = tpu.vector_load_idx %arg9[%shift_right_logical3A_2466] : memref<1024xf32, #tpu.memory_space<vmem>>[vector<16xi32>], vector<16xf32>,
    %get3A_2468 = arith.constant 1456 : index
    %get3A_2469 = tpu.vector_load %arg8[%get3A_2468] {strides = array<i32>} : memref<1600xf32, #tpu.memory_space<vmem>>, vector<16xf32>,
    %sub3A_2470 = arith.subf %gather3A_2467, %get3A_2469 : vector<16xf32>
    %add3A_2471 = arith.addf %add3A_2461, %sub3A_2470 : vector<16xf32>
    %get3A_2472 = arith.constant 1472 : index
    %get3A_2473 = tpu.vector_load %arg6[%get3A_2472] {strides = array<i32>} : memref<1600xi32, #tpu.memory_space<vmem>>, vector<16xi32>,
    %shift_right_logical3A_2474 = arith.constant 10 : i32
    %shift_right_logical3A_2475 = vector.broadcast %shift_right_logical3A_2474 : i32 to vector<16xi32>
    %shift_right_logical3A_2476 = arith.shrui %get3A_2473, %shift_right_logical3A_2475 : vector<16xi32>
    %gather3A_2477 = tpu.vector_load_idx %arg9[%shift_right_logical3A_2476] : memref<1024xf32, #tpu.memory_space<vmem>>[vector<16xi32>], vector<16xf32>,
    %get3A_2478 = arith.constant 1472 : index
    %get3A_2479 = tpu.vector_load %arg8[%get3A_2478] {strides = array<i32>} : memref<1600xf32, #tpu.memory_space<vmem>>, vector<16xf32>,
    %sub3A_2480 = arith.subf %gather3A_2477, %get3A_2479 : vector<16xf32>
    %add3A_2481 = arith.addf %add3A_2471, %sub3A_2480 : vector<16xf32>
    %get3A_2482 = arith.constant 1488 : index
    %get3A_2483 = tpu.vector_load %arg6[%get3A_2482] {strides = array<i32>} : memref<1600xi32, #tpu.memory_space<vmem>>, vector<16xi32>,
    %shift_right_logical3A_2484 = arith.constant 10 : i32
    %shift_right_logical3A_2485 = vector.broadcast %shift_right_logical3A_2484 : i32 to vector<16xi32>
    %shift_right_logical3A_2486 = arith.shrui %get3A_2483, %shift_right_logical3A_2485 : vector<16xi32>
    %gather3A_2487 = tpu.vector_load_idx %arg9[%shift_right_logical3A_2486] : memref<1024xf32, #tpu.memory_space<vmem>>[vector<16xi32>], vector<16xf32>,
    %get3A_2488 = arith.constant 1488 : index
    %get3A_2489 = tpu.vector_load %arg8[%get3A_2488] {strides = array<i32>} : memref<1600xf32, #tpu.memory_space<vmem>>, vector<16xf32>,
    %sub3A_2490 = arith.subf %gather3A_2487, %get3A_2489 : vector<16xf32>
    %add3A_2491 = arith.addf %add3A_2481, %sub3A_2490 : vector<16xf32>
    %get3A_2492 = arith.constant 1504 : index
    %get3A_2493 = tpu.vector_load %arg6[%get3A_2492] {strides = array<i32>} : memref<1600xi32, #tpu.memory_space<vmem>>, vector<16xi32>,
    %shift_right_logical3A_2494 = arith.constant 10 : i32
    %shift_right_logical3A_2495 = vector.broadcast %shift_right_logical3A_2494 : i32 to vector<16xi32>
    %shift_right_logical3A_2496 = arith.shrui %get3A_2493, %shift_right_logical3A_2495 : vector<16xi32>
    %gather3A_2497 = tpu.vector_load_idx %arg9[%shift_right_logical3A_2496] : memref<1024xf32, #tpu.memory_space<vmem>>[vector<16xi32>], vector<16xf32>,
    %get3A_2498 = arith.constant 1504 : index
    %get3A_2499 = tpu.vector_load %arg8[%get3A_2498] {strides = array<i32>} : memref<1600xf32, #tpu.memory_space<vmem>>, vector<16xf32>,
    %sub3A_2500 = arith.subf %gather3A_2497, %get3A_2499 : vector<16xf32>
    %add3A_2501 = arith.addf %add3A_2491, %sub3A_2500 : vector<16xf32>
    %get3A_2502 = arith.constant 1520 : index
    %get3A_2503 = tpu.vector_load %arg6[%get3A_2502] {strides = array<i32>} : memref<1600xi32, #tpu.memory_space<vmem>>, vector<16xi32>,
    %shift_right_logical3A_2504 = arith.constant 10 : i32
    %shift_right_logical3A_2505 = vector.broadcast %shift_right_logical3A_2504 : i32 to vector<16xi32>
    %shift_right_logical3A_2506 = arith.shrui %get3A_2503, %shift_right_logical3A_2505 : vector<16xi32>
    %gather3A_2507 = tpu.vector_load_idx %arg9[%shift_right_logical3A_2506] : memref<1024xf32, #tpu.memory_space<vmem>>[vector<16xi32>], vector<16xf32>,
    %get3A_2508 = arith.constant 1520 : index
    %get3A_2509 = tpu.vector_load %arg8[%get3A_2508] {strides = array<i32>} : memref<1600xf32, #tpu.memory_space<vmem>>, vector<16xf32>,
    %sub3A_2510 = arith.subf %gather3A_2507, %get3A_2509 : vector<16xf32>
    %add3A_2511 = arith.addf %add3A_2501, %sub3A_2510 : vector<16xf32>
    %get3A_2512 = arith.constant 1536 : index
    %get3A_2513 = tpu.vector_load %arg6[%get3A_2512] {strides = array<i32>} : memref<1600xi32, #tpu.memory_space<vmem>>, vector<16xi32>,
    %shift_right_logical3A_2514 = arith.constant 10 : i32
    %shift_right_logical3A_2515 = vector.broadcast %shift_right_logical3A_2514 : i32 to vector<16xi32>
    %shift_right_logical3A_2516 = arith.shrui %get3A_2513, %shift_right_logical3A_2515 : vector<16xi32>
    %gather3A_2517 = tpu.vector_load_idx %arg9[%shift_right_logical3A_2516] : memref<1024xf32, #tpu.memory_space<vmem>>[vector<16xi32>], vector<16xf32>,
    %get3A_2518 = arith.constant 1536 : index
    %get3A_2519 = tpu.vector_load %arg8[%get3A_2518] {strides = array<i32>} : memref<1600xf32, #tpu.memory_space<vmem>>, vector<16xf32>,
    %sub3A_2520 = arith.subf %gather3A_2517, %get3A_2519 : vector<16xf32>
    %add3A_2521 = arith.addf %add3A_2511, %sub3A_2520 : vector<16xf32>
    %get3A_2522 = arith.constant 1552 : index
    %get3A_2523 = tpu.vector_load %arg6[%get3A_2522] {strides = array<i32>} : memref<1600xi32, #tpu.memory_space<vmem>>, vector<16xi32>,
    %shift_right_logical3A_2524 = arith.constant 10 : i32
    %shift_right_logical3A_2525 = vector.broadcast %shift_right_logical3A_2524 : i32 to vector<16xi32>
    %shift_right_logical3A_2526 = arith.shrui %get3A_2523, %shift_right_logical3A_2525 : vector<16xi32>
    %gather3A_2527 = tpu.vector_load_idx %arg9[%shift_right_logical3A_2526] : memref<1024xf32, #tpu.memory_space<vmem>>[vector<16xi32>], vector<16xf32>,
    %get3A_2528 = arith.constant 1552 : index
    %get3A_2529 = tpu.vector_load %arg8[%get3A_2528] {strides = array<i32>} : memref<1600xf32, #tpu.memory_space<vmem>>, vector<16xf32>,
    %sub3A_2530 = arith.subf %gather3A_2527, %get3A_2529 : vector<16xf32>
    %add3A_2531 = arith.addf %add3A_2521, %sub3A_2530 : vector<16xf32>
    %get3A_2532 = arith.constant 1568 : index
    %get3A_2533 = tpu.vector_load %arg6[%get3A_2532] {strides = array<i32>} : memref<1600xi32, #tpu.memory_space<vmem>>, vector<16xi32>,
    %shift_right_logical3A_2534 = arith.constant 10 : i32
    %shift_right_logical3A_2535 = vector.broadcast %shift_right_logical3A_2534 : i32 to vector<16xi32>
    %shift_right_logical3A_2536 = arith.shrui %get3A_2533, %shift_right_logical3A_2535 : vector<16xi32>
    %gather3A_2537 = tpu.vector_load_idx %arg9[%shift_right_logical3A_2536] : memref<1024xf32, #tpu.memory_space<vmem>>[vector<16xi32>], vector<16xf32>,
    %get3A_2538 = arith.constant 1568 : index
    %get3A_2539 = tpu.vector_load %arg8[%get3A_2538] {strides = array<i32>} : memref<1600xf32, #tpu.memory_space<vmem>>, vector<16xf32>,
    %sub3A_2540 = arith.subf %gather3A_2537, %get3A_2539 : vector<16xf32>
    %add3A_2541 = arith.addf %add3A_2531, %sub3A_2540 : vector<16xf32>
    %get3A_2542 = arith.constant 1584 : index
    %get3A_2543 = tpu.vector_load %arg6[%get3A_2542] {strides = array<i32>} : memref<1600xi32, #tpu.memory_space<vmem>>, vector<16xi32>,
    %shift_right_logical3A_2544 = arith.constant 10 : i32
    %shift_right_logical3A_2545 = vector.broadcast %shift_right_logical3A_2544 : i32 to vector<16xi32>
    %shift_right_logical3A_2546 = arith.shrui %get3A_2543, %shift_right_logical3A_2545 : vector<16xi32>
    %gather3A_2547 = tpu.vector_load_idx %arg9[%shift_right_logical3A_2546] : memref<1024xf32, #tpu.memory_space<vmem>>[vector<16xi32>], vector<16xf32>,
    %get3A_2548 = arith.constant 1584 : index
    %get3A_2549 = tpu.vector_load %arg8[%get3A_2548] {strides = array<i32>} : memref<1600xf32, #tpu.memory_space<vmem>>, vector<16xf32>,
    %sub3A_2550 = arith.subf %gather3A_2547, %get3A_2549 : vector<16xf32>
    %add3A_2551 = arith.addf %add3A_2541, %sub3A_2550 : vector<16xf32>
    %swap3A_2552 = arith.constant 0 : index
    %swap3A_2553 = tpu.vector_load %arg10[%swap3A_2552] {strides = array<i32>} : memref<16xf32, #tpu.memory_space<vmem>>, vector<16xf32>,
    tpu.vector_store %arg10[%swap3A_2552], %add3A_2551 {strides = array<i32>} : memref<16xf32, #tpu.memory_space<vmem>>, vector<16xf32>,
    "tpu.region"() ({
      %run_scoped3A = tpu.sem_alloc : memref<!tpu.dma_semaphore, #tpu.memory_space<semaphore_mem>>
      %dma_start3A_2554 = arith.constant 0 : i32
      %dma_start3A_2555 = tpu.memref_slice %arg5[%add3A, %dma_start3A_2554] : memref<32x16xf32, #tpu.memory_space<hbm>> -> memref<1x16xf32, #tpu.memory_space<hbm>>
      %dma_start3A_2556 = tpu.memref_squeeze %dma_start3A_2555 : memref<1x16xf32, #tpu.memory_space<hbm>> -> memref<16xf32, #tpu.memory_space<hbm>>
      %dma_start3A_2557 = arith.constant 0 : i32
      %dma_start3A_2558 = tpu.memref_slice %arg5[%add3A, %dma_start3A_2557] : memref<32x16xf32, #tpu.memory_space<hbm>> -> memref<1x16xf32, #tpu.memory_space<hbm>>
      %dma_start3A_2559 = tpu.memref_squeeze %dma_start3A_2558 : memref<1x16xf32, #tpu.memory_space<hbm>> -> memref<16xf32, #tpu.memory_space<hbm>>
      tpu.enqueue_dma source(%arg10 : memref<16xf32, #tpu.memory_space<vmem>>) target(%dma_start3A_2559 : memref<16xf32, #tpu.memory_space<hbm>>) target_semaphore(%run_scoped3A : memref<!tpu.dma_semaphore, #tpu.memory_space<semaphore_mem>>)
      %dma_wait3A_2560 = arith.constant 0 : i32
      %dma_wait3A_2561 = tpu.memref_slice %arg5[%add3A, %dma_wait3A_2560] : memref<32x16xf32, #tpu.memory_space<hbm>> -> memref<1x16xf32, #tpu.memory_space<hbm>>
      %dma_wait3A_2562 = tpu.memref_squeeze %dma_wait3A_2561 : memref<1x16xf32, #tpu.memory_space<hbm>> -> memref<16xf32, #tpu.memory_space<hbm>>
      %dma_wait3A_2563 = arith.constant 0 : i32
      %dma_wait3A_2564 = tpu.memref_slice %arg5[%add3A, %dma_wait3A_2563] : memref<32x16xf32, #tpu.memory_space<hbm>> -> memref<1x16xf32, #tpu.memory_space<hbm>>
      %dma_wait3A_2565 = tpu.memref_squeeze %dma_wait3A_2564 : memref<1x16xf32, #tpu.memory_space<hbm>> -> memref<16xf32, #tpu.memory_space<hbm>>
      tpu.wait_dma2 semaphore(%run_scoped3A : memref<!tpu.dma_semaphore, #tpu.memory_space<semaphore_mem>>) src(%arg10 : memref<16xf32, #tpu.memory_space<vmem>>) dst(%dma_wait3A_2565 : memref<16xf32, #tpu.memory_space<hbm>>)
      tpu.yield
    }) : () -> ()
    return
  }
}

module attributes {stable_mosaic.version = 14 : i64} {
  func.func @_prep_body(%arg0: memref<1000x1000xf32, #tpu.memory_space<vmem>>, %arg1: memref<1000x1xf32, #tpu.memory_space<vmem>>) attributes {dimension_semantics = [], scalar_prefetch = 0 : i64, scratch_operands = 0 : i64, tpu.core_type = #tpu.core_type<tc>} {
    %get3A = arith.constant 0 : index
    %get3A_0 = arith.constant 0 : index
    %get3A_1 = vector.load %arg0[%get3A, %get3A_0] : memref<1000x1000xf32, #tpu.memory_space<vmem>>, vector<1000x1000xf32>
    %reduce_max3A = arith.constant dense<0xFF800000> : vector<1000xf32>
    %reduce_max3A_2 = vector.multi_reduction <maximumf>, %get3A_1, %reduce_max3A [1] : vector<1000x1000xf32> to vector<1000xf32>
    %broadcast_in_dim3A = vector.shape_cast %reduce_max3A_2 : vector<1000xf32> to vector<1000x1xf32>
    %sub3A = vector.broadcast %broadcast_in_dim3A : vector<1000x1xf32> to vector<1000x1000xf32>
    %sub3A_3 = arith.subf %get3A_1, %sub3A : vector<1000x1000xf32>
    %exp3A = math.exp %sub3A_3 : vector<1000x1000xf32>
    %reduce_sum3A = arith.constant dense<0.000000e+00> : vector<1000xf32>
    %reduce_sum3A_4 = vector.multi_reduction <add>, %exp3A, %reduce_sum3A [1] : vector<1000x1000xf32> to vector<1000xf32>
    %broadcast_in_dim3A_5 = vector.shape_cast %reduce_sum3A_4 : vector<1000xf32> to vector<1000x1xf32>
    %log3A = math.log %broadcast_in_dim3A_5 : vector<1000x1xf32>
    %add3A = arith.addf %broadcast_in_dim3A, %log3A : vector<1000x1xf32>
    %swap3A = arith.constant 0 : index
    %swap3A_6 = arith.constant 0 : index
    %swap3A_7 = vector.load %arg1[%swap3A, %swap3A_6] : memref<1000x1xf32, #tpu.memory_space<vmem>>, vector<1000x1xf32>
    tpu.vector_store %arg1[%swap3A, %swap3A_6], %add3A {strides = array<i32>} : memref<1000x1xf32, #tpu.memory_space<vmem>>, vector<1000x1xf32>,
    return
  }
}

module attributes {stable_mosaic.version = 14 : i64} {
  func.func @_gather_body(%arg0: i32, %arg1: memref<2x1x1024xi32, #tpu.memory_space<vmem>>, %arg2: memref<1000x1000xbf16, #tpu.memory_space<vmem>>, %arg3: memref<2x1000x1024xf32, #tpu.memory_space<vmem>>) attributes {dimension_semantics = [#tpu.dimension_semantics<arbitrary>], iteration_bounds = array<i64: 25>, scalar_prefetch = 0 : i64, scratch_operands = 0 : i64, tpu.core_type = #tpu.core_type<tc>, window_params = [{transform_indices = @transform_0, window_bounds = array<i64: 2, 1, 1024>}, {pipeline_mode = #tpu.pipeline_mode<synchronous>, transform_indices = @transform_1, window_bounds = array<i64: 1000, 1000>}, {transform_indices = @transform_2, window_bounds = array<i64: 2, 1000, 1024>}]} {
    %iota3A = tpu.iota {dimensions = array<i32: 0>} : vector<1000x1024xi32>
    %get3A = arith.constant 0 : index
    %get3A_0 = arith.constant 0 : index
    %get3A_1 = arith.constant 0 : index
    %get3A_2 = vector.load %arg1[%get3A, %get3A_0, %get3A_1] : memref<2x1x1024xi32, #tpu.memory_space<vmem>>, vector<1x1x1024xi32>
    %get3A_3 = vector.shape_cast %get3A_2 : vector<1x1x1024xi32> to vector<1x1024xi32>
    %eq3A = vector.broadcast %get3A_3 : vector<1x1024xi32> to vector<1000x1024xi32>
    %eq3A_4 = arith.cmpi eq, %iota3A, %eq3A : vector<1000x1024xi32>
    %jit3A = arith.constant 1.000000e+00 : f32
    %jit3A_5 = arith.constant 0.000000e+00 : f32
    %broadcast_in_dim3A = vector.broadcast %jit3A : f32 to vector<1000x1024xf32>
    %broadcast_in_dim3A_6 = vector.broadcast %jit3A_5 : f32 to vector<1000x1024xf32>
    %select_n3A = arith.select %eq3A_4, %broadcast_in_dim3A, %broadcast_in_dim3A_6 : vector<1000x1024xi1>, vector<1000x1024xf32>
    %convert_element_type3A = arith.truncf %select_n3A : vector<1000x1024xf32> to vector<1000x1024xbf16>
    %get3A_7 = arith.constant 0 : index
    %get3A_8 = arith.constant 0 : index
    %get3A_9 = vector.load %arg2[%get3A_7, %get3A_8] : memref<1000x1000xbf16, #tpu.memory_space<vmem>>, vector<1000x1000xbf16>
    %dot_general3A = arith.constant dense<0.000000e+00> : vector<1000x1024xf32>
    %dot_general3A_10 = tpu.matmul %get3A_9, %convert_element_type3A, %dot_general3A {dimension_numbers = #tpu.dot_dimension_numbers<[1], [0], [0], [1], [0, 0, 1, 1], [], []>, transpose_lhs_hint = false} : vector<1000x1000xbf16>, vector<1000x1024xbf16>, vector<1000x1024xf32> -> vector<1000x1024xf32>
    %swap3A = arith.constant 0 : index
    %swap3A_11 = arith.constant 0 : index
    %swap3A_12 = arith.constant 0 : index
    %swap3A_13 = vector.load %arg3[%swap3A, %swap3A_11, %swap3A_12] : memref<2x1000x1024xf32, #tpu.memory_space<vmem>>, vector<1x1000x1024xf32>
    %swap3A_14 = vector.shape_cast %swap3A_13 : vector<1x1000x1024xf32> to vector<1000x1024xf32>
    %swap3A_15 = vector.shape_cast %dot_general3A_10 : vector<1000x1024xf32> to vector<1x1000x1024xf32>
    tpu.vector_store %arg3[%swap3A, %swap3A_11, %swap3A_12], %swap3A_15 {strides = array<i32>} : memref<2x1000x1024xf32, #tpu.memory_space<vmem>>, vector<1x1000x1024xf32>,
    %get3A_16 = arith.constant 1 : index
    %get3A_17 = arith.constant 0 : index
    %get3A_18 = arith.constant 0 : index
    %get3A_19 = vector.load %arg1[%get3A_16, %get3A_17, %get3A_18] : memref<2x1x1024xi32, #tpu.memory_space<vmem>>, vector<1x1x1024xi32>
    %get3A_20 = vector.shape_cast %get3A_19 : vector<1x1x1024xi32> to vector<1x1024xi32>
    %eq3A_21 = vector.broadcast %get3A_20 : vector<1x1024xi32> to vector<1000x1024xi32>
    %eq3A_22 = arith.cmpi eq, %iota3A, %eq3A_21 : vector<1000x1024xi32>
    %jit3A_23 = arith.constant 1.000000e+00 : f32
    %jit3A_24 = arith.constant 0.000000e+00 : f32
    %broadcast_in_dim3A_25 = vector.broadcast %jit3A_23 : f32 to vector<1000x1024xf32>
    %broadcast_in_dim3A_26 = vector.broadcast %jit3A_24 : f32 to vector<1000x1024xf32>
    %select_n3A_27 = arith.select %eq3A_22, %broadcast_in_dim3A_25, %broadcast_in_dim3A_26 : vector<1000x1024xi1>, vector<1000x1024xf32>
    %convert_element_type3A_28 = arith.truncf %select_n3A_27 : vector<1000x1024xf32> to vector<1000x1024xbf16>
    %get3A_29 = arith.constant 0 : index
    %get3A_30 = arith.constant 0 : index
    %get3A_31 = vector.load %arg2[%get3A_29, %get3A_30] : memref<1000x1000xbf16, #tpu.memory_space<vmem>>, vector<1000x1000xbf16>
    %dot_general3A_32 = arith.constant dense<0.000000e+00> : vector<1000x1024xf32>
    %dot_general3A_33 = tpu.matmul %get3A_31, %convert_element_type3A_28, %dot_general3A_32 {dimension_numbers = #tpu.dot_dimension_numbers<[1], [0], [0], [1], [0, 0, 1, 1], [], []>, transpose_lhs_hint = false} : vector<1000x1000xbf16>, vector<1000x1024xbf16>, vector<1000x1024xf32> -> vector<1000x1024xf32>
    %swap3A_34 = arith.constant 1 : index
    %swap3A_35 = arith.constant 0 : index
    %swap3A_36 = arith.constant 0 : index
    %swap3A_37 = vector.load %arg3[%swap3A_34, %swap3A_35, %swap3A_36] : memref<2x1000x1024xf32, #tpu.memory_space<vmem>>, vector<1x1000x1024xf32>
    %swap3A_38 = vector.shape_cast %swap3A_37 : vector<1x1000x1024xf32> to vector<1000x1024xf32>
    %swap3A_39 = vector.shape_cast %dot_general3A_33 : vector<1000x1024xf32> to vector<1x1000x1024xf32>
    tpu.vector_store %arg3[%swap3A_34, %swap3A_35, %swap3A_36], %swap3A_39 {strides = array<i32>} : memref<2x1000x1024xf32, #tpu.memory_space<vmem>>, vector<1x1000x1024xf32>,
    return
  }
  func.func @transform_0(%arg0: i32) -> (i32, i32, i32) {
    %c0_i32 = arith.constant 0 : i32
    %c0_i32_0 = arith.constant 0 : i32
    %c0_i32_1 = arith.constant 0 : i32
    return %arg0, %c0_i32, %c0_i32_0 : i32, i32, i32
  }
  func.func @transform_1(%arg0: i32) -> (i32, i32) {
    %c0_i32 = arith.constant 0 : i32
    %c0_i32_0 = arith.constant 0 : i32
    %c0_i32_1 = arith.constant 0 : i32
    return %c0_i32, %c0_i32_0 : i32, i32
  }
  func.func @transform_2(%arg0: i32) -> (i32, i32, i32) {
    %c0_i32 = arith.constant 0 : i32
    %c0_i32_0 = arith.constant 0 : i32
    %c0_i32_1 = arith.constant 0 : i32
    return %arg0, %c0_i32, %c0_i32_0 : i32, i32, i32
  }
}

module attributes {stable_mosaic.version = 14 : i64} {
  func.func @_loss_body(%arg0: memref<32x16xf32, #tpu.memory_space<vmem>>, %arg1: memref<1x1xf32, #tpu.memory_space<vmem>>) attributes {dimension_semantics = [], scalar_prefetch = 0 : i64, scratch_operands = 0 : i64, tpu.core_type = #tpu.core_type<tc>} {
    %get3A = arith.constant 0 : index
    %get3A_0 = arith.constant 0 : index
    %get3A_1 = vector.load %arg0[%get3A, %get3A_0] : memref<32x16xf32, #tpu.memory_space<vmem>>, vector<32x16xf32>
    %reduce_sum3A = vector.shape_cast %get3A_1 : vector<32x16xf32> to vector<1x32x16xf32>
    %reduce_sum3A_2 = arith.constant dense<0.000000e+00> : vector<1xf32>
    %reduce_sum3A_3 = vector.multi_reduction <add>, %reduce_sum3A, %reduce_sum3A_2 [1, 2] : vector<1x32x16xf32> to vector<1xf32>
    %reduce_sum3A_4 = vector.shape_cast %reduce_sum3A_3 : vector<1xf32> to vector<1x1x1xf32>
    %reduce_sum3A_5 = vector.extract %reduce_sum3A_4[0, 0, 0] : f32 from vector<1x1x1xf32>
    %div3A = arith.constant 5.120000e+04 : f32
    %div3A_6 = arith.divf %reduce_sum3A_5, %div3A : f32
    %reshape3A = vector.broadcast %div3A_6 : f32 to vector<1x1xf32>
    %swap3A = arith.constant 0 : index
    %swap3A_7 = arith.constant 0 : index
    %swap3A_8 = vector.load %arg1[%swap3A, %swap3A_7] : memref<1x1xf32, #tpu.memory_space<vmem>>, vector<1x1xf32>
    tpu.vector_store %arg1[%swap3A, %swap3A_7], %reshape3A {strides = array<i32>} : memref<1x1xf32, #tpu.memory_space<vmem>>, vector<1x1xf32>,
    return
  }
}

</mosaic_0001>

<sc_bundles>
// kernel: kernel.6.cloned.1.call-start
scs
__scs_entry_jumppad:
0x0: {  	(pc) =	sbr.rel $0x88, $3  }
0x1: {  	(tag) =	ssettag $0x0;
	lr =	simm.s32 $0x1  }
0x2: {  	[smem:$0x3F9E] =	sst lr;
	_ =	strace $0xD0000000  }
0x3: {  	_ = 	snop  }
0x4: {  	_ = 	snop  }
0x5: {  	_ = 	snop  }
0x6: {  	_ = 	snop  }
0x7: {  	_ = 	snop  }
__scs_overlays_trampoline_lowered:
0x8: {  	[smem:$0x3FAD] =	sst s0  }
0x9: {  	[smem:$0x3FAE] =	sst s1  }
0xa: {  	[smem:$0x3FAF] =	sst s2  }
0xb: {  	[smem:$0x3FB0] =	sst s3  }
0xc: {  	[smem:$0x3FB1] =	sst s4  }
0xd: {  	[smem:$0x3FB2] =	sst s5  }
0xe: {  	[smem:$0x3FB3] =	sst s6  }
0xf: {  	[smem:$0x3FB4] =	sst s7  }
0x10: {  	[smem:$0x3FB5] =	sst s8  }
0x11: {  	[smem:$0x3FB6] =	sst s9;
	s0 =	simm.s32 @!p0 $0x0  }
0x12: {  	s1 =	sld [smem:$0x3F9C];
	s0 =	simm.s32 @p0 $0x1  }
0x13: {  	[smem:$0x3FB7] =	sst s0;
	s0 =	simm.s32 @!p1 $0x0  }
0x14: {  	s2 =	sld [smem:$0x3F9B];
	s0 =	simm.s32 @p1 $0x1  }
0x15: {  	[smem:$0x3FB8] =	sst s0;
	s0 =	simm.s32 @!p2 $0x0  }
0x16: {  	s3 =	sld [smem:$0x3FDB];
	s0 =	simm.s32 @p2 $0x1  }
0x17: {  	s4 =	simm.s32 $0x1BF5;
	[smem:$0x3FBA] =	sst s0  }
0x18: {  	s0 =	sld [smem:$0x3F9D];
	_ =	swait.ge [sflag:s4], $0x0  }
0x19: {  	s7 =	sld [smem:$0x3F9E]  }
0x1a: {  	s8 =	sadd.s32 $0xFFFFE003, lr  }
0x1b: {  	s9 =	sadd.s32 $0xFFFFFEF7, lr;
	s5 =	simm.s32 $0xFFFFFFFF;
	p2 =	slt.u32 s8, $0xFFFFF086  }
0x1c: {  	p1 =	slt.u32 s9, $0xF7A;
	s5 =	simm.s32 @!p2 $0x0  }
0x1d: {  	s5 =	simm.s32 @p1 $0x1;
	p0 =	seq.s32 s7, s2  }
0x1e: {  	s7 =	smul.u32 @!p0 $0xF7A, s2;
	p2 =	seq.s32 @!p0 s5, $0x0  }
0x1f: {  	s9 =	smul.u32 $0xF7A, s1;
	s8 =	simm.s32 @!p0 $0x1BF5;
	p2 =	por !p2, p0  }
0x20: {  	[sflag:s8] =	ssyncset.s32 @!p0 $0xFFFFF086;
	s6 =	sadd.s32 @!p0 s3, s7;
	s7 =	simm.s32 @!p0 $0x108  }
0x21: {  	s3 =	sadd.s32 s3, s9;
	s6 =	sadd.s32 @!p0 $0x88, s6;
	s7 =	simm.s32 @p2 $0x1082  }
0x22: {  	[simem:s7], [sflag:s8] =	dma.local @!p0 [hbm:s6], $0xF7A  }
0x23: {  	s9 =	sor.u32 $0xD0000000, s2;
	s6 =	simm.s32 $0x108;
	_ =	swait.ge @!p0 [sflag:s8], $0x0  }
0x24: {  	s3 =	sadd.s32 $0x88, s3;
	s6 =	simm.s32 @!p1 $0x1082;
	[sflag:s4] =	ssyncset.s32 $0xFFFFF086  }
0x25: {  	[simem:s6], [sflag:s4] =	dma.local [hbm:s3], $0xF7A  }
0x26: {  	[smem:$0x3F9E] =	sst s1;
	(tag) =	ssettag s2;
	_ =	strace s9  }
0x27: {  	s1 =	sld [smem:$0x3FAE]  }
0x28: {  	s2 =	sld [smem:$0x3FAF]  }
0x29: {  	s4 =	sld [smem:$0x3FB1]  }
0x2a: {  	p0 =	seq.s32 s5, $0x0;
	s5 =	sld [smem:$0x3FB2]  }
0x2b: {  	s6 =	sld [smem:$0x3FB3]  }
0x2c: {  	s7 =	sld [smem:$0x3FB4]  }
0x2d: {  	s3 =	simm.s32 $0x108;
	s8 =	sld [smem:$0x3FB5]  }
0x2e: {  	s3 =	simm.s32 @!p0 $0x1082;
	s9 =	sld [smem:$0x3FB6]  }
0x2f: {  	lr =	sadd.s32 s0, s3;
	s0 =	sld [smem:$0x3FAD]  }
0x30: {  	s3 =	sld [smem:$0x3FB0]  }
0x31: {  	[smem:$0x3FB9] =	sst s10  }
0x32: {  	s10 =	sld [smem:$0x3FB7];
	_ =	sdelay $0x3  }
0x33: {  	p0 =	seq.s32 s10, $0x1;
	s10 =	sld [smem:$0x3FB9];
	_ =	sdelay $0x3  }
0x34: {  	[smem:$0x3FB9] =	sst s10  }
0x35: {  	s10 =	sld [smem:$0x3FB8];
	_ =	sdelay $0x3  }
0x36: {  	p1 =	seq.s32 s10, $0x1;
	s10 =	sld [smem:$0x3FB9];
	_ =	sdelay $0x3  }
0x37: {  	[smem:$0x3FB9] =	sst s10  }
0x38: {  	s10 =	sld [smem:$0x3FBA]  }
0x39: {  	_ = 	snop;
	(pc) =	sbr.ind lr, $3  }
0x3a: {  	_ = 	snop  }
0x3b: {  	_ = 	snop  }
0x3c: {  	p2 =	seq.s32 s10, $0x1;
	s10 =	sld [smem:$0x3FB9]  }
0x3d: {  	_ =	shalt  }
0x3e: {  	_ =	shalt  }
0x3f: {  	_ =	shalt  }
0x40: {  	_ =	shalt  }
0x41: {  	_ =	shalt  }
0x42: {  	_ =	shalt  }
0x43: {  	_ =	shalt  }
0x44: {  	_ =	shalt  }
0x45: {  	_ =	shalt  }
0x46: {  	_ =	shalt  }
0x47: {  	_ =	shalt  }
0x48: {  	_ =	shalt  }
0x49: {  	_ =	shalt  }
0x4a: {  	_ =	shalt  }
0x4b: {  	_ =	shalt  }
0x4c: {  	_ =	shalt  }
0x4d: {  	_ =	shalt  }
0x4e: {  	_ =	shalt  }
0x4f: {  	_ =	shalt  }
0x50: {  	_ =	shalt  }
0x51: {  	_ =	shalt  }
0x52: {  	_ =	shalt  }
0x53: {  	_ =	shalt  }
0x54: {  	_ =	shalt  }
0x55: {  	_ =	shalt  }
0x56: {  	_ =	shalt  }
0x57: {  	_ =	shalt  }
0x58: {  	_ =	shalt  }
0x59: {  	_ =	shalt  }
0x5a: {  	_ =	shalt  }
0x5b: {  	_ =	shalt  }
0x5c: {  	_ =	shalt  }
0x5d: {  	_ =	shalt  }
0x5e: {  	_ =	shalt  }
0x5f: {  	_ =	shalt  }
0x60: {  	_ =	shalt  }
0x61: {  	_ =	shalt  }
0x62: {  	_ =	shalt  }
0x63: {  	_ =	shalt  }
0x64: {  	_ =	shalt  }
0x65: {  	_ =	shalt  }
0x66: {  	_ =	shalt  }
0x67: {  	_ =	shalt  }
0x68: {  	_ =	shalt  }
0x69: {  	_ =	shalt  }
0x6a: {  	_ =	shalt  }
0x6b: {  	_ =	shalt  }
0x6c: {  	_ =	shalt  }
0x6d: {  	_ =	shalt  }
0x6e: {  	_ =	shalt  }
0x6f: {  	_ =	shalt  }
0x70: {  	_ =	shalt  }
0x71: {  	_ =	shalt  }
0x72: {  	_ =	shalt  }
0x73: {  	_ =	shalt  }
0x74: {  	_ =	shalt  }
0x75: {  	_ =	shalt  }
0x76: {  	_ =	shalt  }
0x77: {  	_ =	shalt  }
0x78: {  	_ =	shalt  }
0x79: {  	_ =	shalt  }
0x7a: {  	_ =	shalt  }
0x7b: {  	_ =	shalt  }
0x7c: {  	_ =	shalt  }
0x7d: {  	_ =	shalt  }
0x7e: {  	_ =	shalt  }
0x7f: {  	_ =	shalt  }
0x80: {  	_ =	shalt  }
0x81: {  	_ =	shalt  }
0x82: {  	_ =	shalt  }
0x83: {  	_ =	shalt  }
0x84: {  	_ =	shalt  }
0x85: {  	_ =	shalt  }
0x86: {  	_ =	shalt  }
0x87: {  	_ =	shalt  }
.Lfunc_end0:
.L_simem_size_0:
called_computation_lowered:
.L_overlay_start_0:
0x88: {  	s2 =	sld [smem:$0x3FD9]  }
0x89: {  	s3 =	sld [smem:$0x3FFE];
	_ =	sdelay $0x1  }
0x8a: {  	s1 =	srdreg.scid  }
0x8b: {  	s0 =	sand.u32 $0x1, s1  }
0x8c: {  	s16 =	sshll.u32 s0, $0xA;
	s2 =	sadd.s32 s3, s2  }
0x8d: {  	s2 =	sadd.s32 s2, s16  }
0x8e: {  	[smem:$0x3FC5] =	sst s2  }
0x8f: {  	_ = 	snop  }
0x90: {  	(tm) =	ssettm $0x1  }
0x91: {  	s17 =	sld [smem:$0x3FFB];
	_ =	sdelay $0x3  }
0x92: {  	_ =	strace s17  }
0x93: {  	s2 =	sld [smem:$0x3FFC];
	_ =	sdelay $0x3  }
0x94: {  	_ =	strace s2  }
0x95: {  	s2 =	sld [smem:$0x3FFD];
	_ =	sdelay $0x3  }
0x96: {  	_ =	strace s2  }
0x97: {  	_ =	strace $0x8FFFFFFF  }
0x98: {  	s18 =	sld [smem:$0x3FDB];
	_ =	sdelay $0x1  }
0x99: {  	s19 =	simm.s32 $_scs_section_size  }
0x9a: {  	s4 =	simm.s32 $_size__tile_overlayer_lowered;
	s5 =	simm.s32 $_tile_overlayer_lowered  }
0x9b: {  	s22 =	simm.s32 $0x1BFF;
	s21 =	sshll.u32 s5, $0x1;
	s2 =	sadd.s32 s19, s18  }
0x9c: {  	s6 =	simm.s32 $0x0;
	s20 =	sshll.u32 s4, $0x1;
	s4 =	sadd.s32 s21, s2  }
0x9d: {  	[timem:s6], [sflag:s22] =	dma.local [hbm:s4], s20  }
0x9e: {  	_ =	swait.ge [sflag:s22], s20  }
0x9f: {  	s3 =	ssub.s32 $0x0, s20;
	[sflag:s22] =	ssyncset.done $0x0  }
0xa0: {  	[sflag:s22] =	ssyncadd.s32 s3;
	_ =	sdelay $0x1  }
0xa1: {  	s23 =	simm.s32 $0x1B8B  }
0xa2: {  	_ =	swait.ge [sflag:s23], $0x1  }
0xa3: {  	[sflag:s23] =	ssyncset.done $0x0  }
0xa4: {  	s25 =	simm.s32 $0x1B8E;
	s24 =	sld [smem:$0x3FFE];
	[sflag:s23] =	ssyncadd.s32 $0xFFFFFFFF  }
0xa5: {  	s26 =	simm.s32 $execute0_lowered;
	[smem:$0x3FD2] =	sst s25  }
0xa6: {  	s4 =	sshll.u32 s26, $0x1;
	_ =	strace $0x80000046;
	[dreg:$0x1] =	wrdreg $0xFFFFFFFF  }
0xa7: {  	s28 =	simm.s32 $_size_execute0_lowered;
	s2 =	sadd.s32 s2, s4;
	[dreg:$0x0] =	wrdreg $0x0  }
0xa8: {  	s4 =	sshll.u32 s28, $0x1;
	[dreg:$0x2] =	wrdreg s2  }
0xa9: {  	[dreg:$0x3] =	wrdreg s4  }
0xaa: {  	[dreg:$0x4] =	wrdreg $0xC0  }
0xab: {  	_ =	task [dreg:s6], $0x5FFFF  }
0xac: {  	[dreg:$0x1] =	wrdreg $0xFFFFFFFF  }
0xad: {  	[dreg:$0x0] =	wrdreg $0x60  }
0xae: {  	[dreg:$0x2] =	wrdreg s24  }
0xaf: {  	[dreg:$0x3] =	wrdreg $0x9  }
0xb0: {  	_ =	task.clear_ibuf [dreg:s6], $0x4FFFF;
	_ =	strace $0x90000046  }
0xb1: {  	s29 =	simm.s32 $0x9;
	_ =	strace $0x80000048  }
0xb2: {  	_ =	swait.ge [sflag:s29], $0x1  }
0xb3: {  	[sflag:s29] =	ssyncadd.s32 $0xFFFFFFFF  }
0xb4: {  	_ =	strace $0x90000048  }
0xb5: {  	_ =	sfence  }
0xb6: {  	s30 =	sld [smem:$0x0];
	_ =	sdelay $0x2  }
0xb7: {  	s31 =	sshll.u32 s1, $0xD;
	s1 =	sshrl.u32 s1, $0x2  }
0xb8: {  	s3 =	sand.u32 $0x4000, s31;
	s1 =	sadd.s32 s1, s30  }
0xb9: {  	s0 =	sor.u32 s3, s0;
	s1 =	sshll.u32 s1, $0x11  }
0xba: {  	s0 =	sor.u32 s1, s0  }
0xbb: {  	s0 =	sadd.s32 $0x8F2B, s0  }
0xbc: {  	[sflag:s0] =	ssyncadd.remote.s32 $0x1  }
0xbd: {  	_ =	sfence.sel $0xFFFF  }
0xbe: {  	[dreg:$0x0] =	wrdreg $0xFFFFFFFF;
	(pc) =	sbr.abs _section_cstart, $3  }
0xbf: {  	[dreg:$0x1] =	wrdreg $0xFFFFFFFF  }
0xc0: {  	_ =	task.clear_ibuf [dreg:s6], $0x2FFFF;
	_ =	strace $0x9FFFFFFF  }
0xc1: {  	(tm) =	ssettm $0x7FFFFFFF  }
tec
execute0_lowered:
.L_overlay_start_1:
0x0: {  	(tag) =	ssettag $0x1  }
0x1: {  	s1 =	srdreg.scid  }
0x2: {  	s0 =	stileid.u32;
	s3 =	rddreg [dreg:$0x0];
	s2 =	simm.s32 $0x0  }
0x3: {  	s21 =	simm.s32 $0x640;
	s23 =	simm.s32 $0xC80;
	s24 =	simm.s32 $0x6C0  }
0x4: {  	s25 =	simm.s32 $0xD00;
	s26 =	simm.s32 $0x740;
	s7 =	simm.s32 $0x80  }
0x5: {  	s11 =	simm.s32 $0x840;
	s12 =	simm.s32 $0xE80;
	s13 =	simm.s32 $0x8C0  }
0x6: {  	s14 =	simm.s32 $0xF00;
	s15 =	simm.s32 $0x940;
	s16 =	simm.s32 $0xF80  }
0x7: {  	s17 =	simm.s32 $0x9C0;
	s18 =	simm.s32 $0x1000;
	s19 =	simm.s32 $0xA40  }
0x8: {  	s20 =	simm.s32 $0x1080;
	[smem:$0x7FF] =	sst s2;
	s6 =	sadd.s32 $0x20A00, s3  }
0x9: {  	s28 =	simm.s32 $0x40;
	_ =	strace $0x80000047;
	[dreg:$0x2] =	wrdreg s6  }
0xa: {  	s29 =	simm.s32 $0xC40;
	s30 =	simm.s32 $0x1280;
	[dreg:$0x5] =	wrdreg s21  }
0xb: {  	s1 =	sand.u32 $0x1, s1;
	s4 =	sshll.u32 s0, $0x1;
	[dreg:$0x6] =	wrdreg s23  }
0xc: {  	s31 =	simm.s32 $0x1;
	s4 =	sor.u32 s1, s4;
	[dreg:$0x7] =	wrdreg s24  }
0xd: {  	s1 =	ssub.s32 $0x2, s1;
	[dreg:$0x8] =	wrdreg s25;
	s6 =	simm.s32 $0x2  }
0xe: {  	[dreg:$0x9] =	wrdreg s26;
	s21 =	simm.s32 $0xAC0;
	s23 =	simm.s32 $0xB40  }
0xf: {  	s24 =	simm.s32 $0x1180;
	s25 =	simm.s32 $0xBC0;
	s26 =	simm.s32 $0x1200  }
0x10: {  	s5 =	smul.u32 $0xC8, s4;
	s4 =	sshll.u32 s4, $0x1;
	s22 =	sshrl.u32 s1, $0x1  }
0x11: {  	s4 =	sadd.s32 s4, s3;
	s1 =	ssub.s32 s1, s22;
	s22 =	simm.s32 $0x1100  }
0x12: {  	s5 =	sadd.s32 s5, s3;
	s3 =	sadd.s32 $0x600, s3;
	s4 =	sadd.s32 $0x20C00, s4  }
0x13: {  	s5 =	sadd.s32 $0x1F000, s5;
	[dreg:$0x4] =	wrdreg s4;
	s4 =	smax.u32 s1, $0x1  }
0x14: {  	s1 =	simm.s32 $0x16C0;
	[dreg:$0x3] =	wrdreg s5;
	s5 =	simm.s32 $0x12C0  }
.LBB2_1:
0x15: {  	s0 =	rddreg [dreg:$0x2]  }
0x16: {  	[tilespmem:s5], [sflag:$0x2] =	stream.linear.gather [hbm4b:s0+s2], $0x400, $0x38;
	[tilespmem:$0x16D0] =	vst v63  }
0x17: {  	_ =	swait.ge [sflag:s6], $0x400  }
0x18: {  	[sflag:s6] =	ssyncset.done $0x0  }
0x19: {  	s10 =	rddreg [dreg:$0x3];
	[sflag:s6] =	ssyncadd.s32 $0xFFFFFC00  }
0x1a: {  	[tilespmem:s2], [sflag:$0x2] =	stream.linear.gather [hbm4b:s10+s2], $0x640, $0x38;
	[tilespmem:$0x16D0] =	vst v63  }
0x1b: {  	_ =	swait.ge [sflag:s6], $0x640  }
0x1c: {  	[sflag:s6] =	ssyncset.done $0x0  }
0x1d: {  	[sflag:s6] =	ssyncadd.s32 $0xFFFFF9C0  }
0x1e: {  	v0 =	vld [tilespmem:$0x0]  }
0x1f: {  	v1 =	vld [tilespmem:$0x10]  }
0x20: {  	v2 =	vld [tilespmem:$0x20]  }
0x21: {  	v3 =	vld [tilespmem:$0x30]  }
0x22: {  	v5 =	vld [tilespmem:$0x40]  }
0x23: {  	v7 =	vld [tilespmem:$0x50]  }
0x24: {  	v8 =	vld [tilespmem:$0x60]  }
0x25: {  	v54 =	vld [tilespmem:$0x70]  }
0x26: {  	v10 =	vld [tilespmem:$0x80]  }
0x27: {  	v11 =	vld [tilespmem:$0x90]  }
0x28: {  	v60 =	vld [tilespmem:$0xA0];
	v4 =	vshrl.u32 v0, $0xA  }
0x29: {  	v13 =	vld [tilespmem:$0xB0];
	v0 =	vand.u32 $0x3FF, v0;
	v6 =	vshrl.u32 v1, $0xA;
	v52 =	vshrl.u32 v2, $0xA  }
0x2a: {  	v14 =	vld [tilespmem:$0xC0];
	v1 =	vand.u32 $0x3FF, v1;
	v9 =	vshrl.u32 v3, $0xA;
	v2 =	vand.u32 $0x3FF, v2  }
0x2b: {  	v21 =	vld [tilespmem:$0xD0];
	v3 =	vand.u32 $0x3FF, v3;
	v55 =	vshrl.u32 v5, $0xA;
	v57 =	vshrl.u32 v7, $0xA  }
0x2c: {  	v24 =	vld [tilespmem:$0xE0];
	v5 =	vand.u32 $0x3FF, v5;
	v12 =	vshrl.u32 v8, $0xA;
	v58 =	vand.u32 $0x3FF, v7  }
0x2d: {  	v27 =	vld [tilespmem:$0xF0];
	v61 =	vand.u32 $0x3FF, v8;
	v62 =	vshrl.u32 v54, $0xA;
	v16 =	vshrl.u32 v10, $0xA  }
0x2e: {  	v17 =	vand.u32 $0x3FF, v54;
	v18 =	vshrl.u32 v11, $0xA;
	v19 =	vand.u32 $0x3FF, v10  }
0x2f: {  	v32 =	vld [tilespmem:$0x100];
	v22 =	vand.u32 $0x3FF, v11;
	v23 =	vshrl.u32 v60, $0xA;
	v26 =	vshrl.u32 v13, $0xA  }
0x30: {  	v35 =	vld [tilespmem:$0x110];
	v28 =	vand.u32 $0x3FF, v60;
	v29 =	vshrl.u32 v14, $0xA;
	v30 =	vand.u32 $0x3FF, v13  }
0x31: {  	v47 =	vld [tilespmem:$0x140];
	v33 =	vand.u32 $0x3FF, v14;
	v34 =	vshrl.u32 v21, $0xA;
	v38 =	vshrl.u32 v24, $0xA  }
0x32: {  	v50 =	vld [tilespmem:$0x150];
	v40 =	vand.u32 $0x3FF, v21;
	v41 =	vshrl.u32 v27, $0xA;
	v4 =	vmul.u32 $0x3E8, v4  }
0x33: {  	v42 =	vand.u32 $0x3FF, v24;
	v45 =	vand.u32 $0x3FF, v27;
	v51 =	vmul.u32 $0x3E8, v6  }
0x34: {  	v46 =	vshrl.u32 v32, $0xA;
	v6 =	vmul.u32 $0x3E8, v52;
	v0 =	vadd.s32 v0, v4  }
0x35: {  	v49 =	vshrl.u32 v35, $0xA;
	v53 =	vmul.u32 $0x3E8, v9;
	v1 =	vadd.s32 v1, v51;
	[tilespmem:$0x640] =	vst v0  }
0x36: {  	v60 =	vshrl.u32 v47, $0xA;
	v56 =	vmul.u32 $0x3E8, v55;
	v2 =	vadd.s32 v2, v6;
	[tilespmem:$0x650] =	vst v1  }
0x37: {  	v39 =	vld [tilespmem:$0x120];
	v14 =	vand.u32 $0x3FF, v50;
	v31 =	vmul.u32 $0x3E8, v29;
	v3 =	vadd.s32 v3, v53;
	[tilespmem:$0x660] =	vst v2  }
0x38: {  	v44 =	vld [tilespmem:$0x130];
	v59 =	vmul.u32 $0x3E8, v12;
	v63 =	vmul.u32 $0x3E8, v62;
	v4 =	vadd.s32 v5, v56;
	[tilespmem:$0x670] =	vst v3  }
0x39: {  	v8 =	vmul.u32 $0x3E8, v16;
	v20 =	vmul.u32 $0x3E8, v18;
	v36 =	vadd.s32 v33, v31;
	[tilespmem:$0x680] =	vst v4  }
0x3a: {  	v25 =	vmul.u32 $0x3E8, v23;
	v7 =	vmul.u32 $0x3E8, v26;
	v0 =	vadd.s32 v17, v63;
	[tilespmem:$0x700] =	vst v36  }
0x3b: {  	v37 =	vmul.u32 $0x3E8, v34;
	v43 =	vmul.u32 $0x3E8, v41;
	v1 =	vadd.s32 v19, v8;
	[tilespmem:$0x6B0] =	vst v0  }
0x3c: {  	v48 =	vmul.u32 $0x3E8, v46;
	v52 =	vshrl.u32 v39, $0xA;
	v2 =	vadd.s32 v22, v20;
	[tilespmem:$0x6C0] =	vst v1  }
0x3d: {  	v62 =	vand.u32 $0x3FF, v44;
	v6 =	vmul.u32 $0x3E8, v57;
	v3 =	vadd.s32 v28, v25;
	[tilespmem:$0x6D0] =	vst v2  }
0x3e: {  	v27 =	vld [tilespmem:$0x190];
	v12 =	vand.u32 $0x3FF, v47;
	v54 =	vmul.u32 $0x3E8, v52;
	v4 =	vadd.s32 v30, v7;
	[tilespmem:$0x6E0] =	vst v3  }
0x3f: {  	v55 =	vld [tilespmem:$0x160];
	v51 =	vand.u32 $0x3FF, v32;
	v53 =	vand.u32 $0x3FF, v35;
	v5 =	vadd.s32 v58, v6;
	[tilespmem:$0x6F0] =	vst v4  }
0x40: {  	v29 =	vld [tilespmem:$0x1B0];
	v56 =	vand.u32 $0x3FF, v39;
	v57 =	vshrl.u32 v44, $0xA;
	v6 =	vadd.s32 v61, v59;
	[tilespmem:$0x690] =	vst v5  }
0x41: {  	v34 =	vld [tilespmem:$0x1E0];
	v63 =	vshrl.u32 v50, $0xA;
	v1 =	vadd.s32 v40, v37;
	v3 =	vadd.s32 v45, v43;
	[tilespmem:$0x6A0] =	vst v6  }
0x42: {  	v46 =	vld [tilespmem:$0x220];
	v0 =	vadd.s32 v51, v48;
	v59 =	vmul.u32 $0x3E8, v57;
	v4 =	vmul.u32 $0x3E8, v60;
	[tilespmem:$0x710] =	vst v1  }
0x43: {  	v58 =	vld [tilespmem:$0x170];
	v13 =	vmul.u32 $0x3E8, v63;
	v31 =	vshrl.u32 v27, $0xA;
	v6 =	vmul.u32 $0x3E8, v38;
	[tilespmem:$0x730] =	vst v3  }
0x44: {  	v61 =	vld [tilespmem:$0x180];
	v5 =	vmul.u32 $0x3E8, v49;
	[tilespmem:$0x740] =	vst v0;
	v15 =	vshrl.u32 v55, $0xA;
	v0 =	vadd.s32 v62, v59  }
0x45: {  	v19 =	vand.u32 $0x3FF, v55;
	v35 =	vshrl.u32 v29, $0xA;
	v16 =	vadd.s32 v14, v13;
	[tilespmem:$0x770] =	vst v0  }
0x46: {  	v32 =	vld [tilespmem:$0x1D0];
	v43 =	vshrl.u32 v34, $0xA;
	v47 =	vand.u32 $0x3FF, v34;
	v2 =	vadd.s32 v42, v6;
	[tilespmem:$0x790] =	vst v16  }
0x47: {  	v39 =	vld [tilespmem:$0x200];
	v11 =	vand.u32 $0x3FF, v46;
	v17 =	vmul.u32 $0x3E8, v15;
	v1 =	vadd.s32 v53, v5;
	[tilespmem:$0x720] =	vst v2  }
0x48: {  	v28 =	vld [tilespmem:$0x1A0];
	v36 =	vmul.u32 $0x3E8, v35;
	v2 =	vadd.s32 v56, v54;
	[tilespmem:$0x750] =	vst v1;
	v18 =	vshrl.u32 v58, $0xA  }
0x49: {  	v30 =	vld [tilespmem:$0x1C0];
	v1 =	vadd.s32 v12, v4;
	[tilespmem:$0x760] =	vst v2;
	v20 =	vshrl.u32 v61, $0xA;
	v3 =	vmul.u32 $0x3E8, v18  }
0x4a: {  	v21 =	vadd.s32 v19, v17;
	[tilespmem:$0x780] =	vst v1;
	v22 =	vand.u32 $0x3FF, v58;
	v23 =	vmul.u32 $0x3E8, v20  }
0x4b: {  	v37 =	vld [tilespmem:$0x1F0];
	v45 =	vmul.u32 $0x3E8, v43;
	[tilespmem:$0x7A0] =	vst v21;
	v25 =	vand.u32 $0x3FF, v61;
	v24 =	vadd.s32 v22, v3  }
0x4c: {  	v49 =	vld [tilespmem:$0x230];
	v0 =	vand.u32 $0x3FF, v27;
	v41 =	vshrl.u32 v32, $0xA;
	v26 =	vadd.s32 v25, v23;
	[tilespmem:$0x7B0] =	vst v24  }
0x4d: {  	v42 =	vld [tilespmem:$0x210];
	v44 =	vand.u32 $0x3FF, v32;
	v51 =	vshrl.u32 v39, $0xA;
	v4 =	vmul.u32 $0x3E8, v31;
	[tilespmem:$0x7C0] =	vst v26  }
0x4e: {  	v33 =	vshrl.u32 v28, $0xA;
	v38 =	vshrl.u32 v30, $0xA;
	v5 =	vadd.s32 v47, v45;
	v52 =	vld [tilespmem:$0x240]  }
0x4f: {  	v7 =	vmul.u32 $0x3E8, v51;
	v54 =	vand.u32 $0x3FF, v39;
	v6 =	vmul.u32 $0x3E8, v33;
	v56 =	vld [tilespmem:$0x250]  }
0x50: {  	v1 =	vand.u32 $0x3FF, v28;
	v2 =	vand.u32 $0x3FF, v29;
	v40 =	vmul.u32 $0x3E8, v38;
	v15 =	vld [tilespmem:$0x260]  }
0x51: {  	v48 =	vshrl.u32 v37, $0xA;
	v8 =	vand.u32 $0x3FF, v37;
	v58 =	vshrl.u32 v46, $0xA;
	v16 =	vld [tilespmem:$0x270]  }
0x52: {  	v0 =	vadd.s32 v0, v4;
	v2 =	vadd.s32 v2, v36;
	v50 =	vmul.u32 $0x3E8, v48;
	v63 =	vld [tilespmem:$0x280]  }
0x53: {  	v7 =	vadd.s32 v54, v7;
	v59 =	vmul.u32 $0x3E8, v58;
	v60 =	vshrl.u32 v49, $0xA;
	v18 =	vld [tilespmem:$0x290]  }
0x54: {  	v61 =	vand.u32 $0x3FF, v49;
	v1 =	vadd.s32 v1, v6;
	v6 =	vmul.u32 $0x3E8, v41;
	v19 =	vld [tilespmem:$0x2A0]  }
0x55: {  	v10 =	vmul.u32 $0x3E8, v60;
	v3 =	vand.u32 $0x3FF, v30;
	v53 =	vshrl.u32 v42, $0xA;
	v29 =	vld [tilespmem:$0x2B0]  }
0x56: {  	v57 =	vand.u32 $0x3FF, v42;
	v9 =	vadd.s32 v11, v59;
	v55 =	vmul.u32 $0x3E8, v53;
	v21 =	vld [tilespmem:$0x2C0]  }
0x57: {  	v3 =	vadd.s32 v3, v40;
	v4 =	vadd.s32 v44, v6;
	v6 =	vadd.s32 v8, v50;
	v22 =	vld [tilespmem:$0x2D0]  }
0x58: {  	v10 =	vadd.s32 v61, v10;
	v36 =	vld [tilespmem:$0x2E0];
	v8 =	vadd.s32 v57, v55;
	v17 =	vshrl.u32 v52, $0xA  }
0x59: {  	v43 =	vld [tilespmem:$0x310];
	v23 =	vand.u32 $0x3FF, v52;
	v24 =	vshrl.u32 v56, $0xA;
	v26 =	vshrl.u32 v15, $0xA  }
0x5a: {  	v46 =	vld [tilespmem:$0x320];
	v14 =	vand.u32 $0x3FF, v56;
	v20 =	vshrl.u32 v16, $0xA;
	v27 =	vand.u32 $0x3FF, v15  }
0x5b: {  	v30 =	vand.u32 $0x3FF, v16;
	v31 =	vshrl.u32 v63, $0xA;
	v33 =	vshrl.u32 v18, $0xA  }
0x5c: {  	v34 =	vand.u32 $0x3FF, v18;
	v37 =	vand.u32 $0x3FF, v19;
	v38 =	vshrl.u32 v29, $0xA  }
0x5d: {  	v54 =	vld [tilespmem:$0x340];
	v40 =	vshrl.u32 v21, $0xA;
	v41 =	vand.u32 $0x3FF, v21;
	v44 =	vand.u32 $0x3FF, v22  }
0x5e: {  	v60 =	vld [tilespmem:$0x360];
	v45 =	vshrl.u32 v36, $0xA;
	v50 =	vand.u32 $0x3FF, v36;
	v56 =	vshrl.u32 v43, $0xA  }
0x5f: {  	v57 =	vld [tilespmem:$0x350];
	v59 =	vshrl.u32 v46, $0xA;
	v61 =	vand.u32 $0x3FF, v43;
	v62 =	vmul.u32 $0x3E8, v17  }
0x60: {  	v25 =	vmul.u32 $0x3E8, v24;
	v13 =	vmul.u32 $0x3E8, v26;
	v28 =	vmul.u32 $0x3E8, v20  }
0x61: {  	v32 =	vmul.u32 $0x3E8, v31;
	v17 =	vand.u32 $0x3FF, v63;
	v16 =	vmul.u32 $0x3E8, v33  }
0x62: {  	v39 =	vmul.u32 $0x3E8, v38;
	v20 =	vand.u32 $0x3FF, v29;
	v26 =	vshrl.u32 v22, $0xA  }
0x63: {  	v47 =	vmul.u32 $0x3E8, v45;
	v58 =	vmul.u32 $0x3E8, v56;
	v63 =	vand.u32 $0x3FF, v46  }
0x64: {  	v49 =	vld [tilespmem:$0x330];
	v31 =	vshrl.u32 v57, $0xA;
	v33 =	vand.u32 $0x3FF, v54;
	v38 =	vand.u32 $0x3FF, v60  }
0x65: {  	[tilespmem:$0x860] =	vst v9;
	v42 =	vmul.u32 $0x3E8, v26;
	v9 =	vmul.u32 $0x3E8, v31;
	v11 =	vadd.s32 v23, v62  }
0x66: {  	[tilespmem:$0x7D0] =	vst v0;
	v12 =	vadd.s32 v14, v25;
	v13 =	vadd.s32 v27, v13;
	v14 =	vadd.s32 v30, v28  }
0x67: {  	[tilespmem:$0x7E0] =	vst v1;
	v43 =	vld [tilespmem:$0x3C0];
	v23 =	vshrl.u32 v19, $0xA;
	v15 =	vadd.s32 v17, v32;
	v16 =	vadd.s32 v34, v16  }
0x68: {  	[tilespmem:$0x7F0] =	vst v2;
	v24 =	vld [tilespmem:$0x2F0];
	v19 =	vmul.u32 $0x3E8, v40;
	v18 =	vadd.s32 v20, v39;
	v2 =	vadd.s32 v50, v47  }
0x69: {  	[tilespmem:$0x820] =	vst v5;
	v62 =	vshrl.u32 v49, $0xA;
	v5 =	vadd.s32 v61, v58;
	v27 =	vand.u32 $0x3FF, v49  }
0x6a: {  	[tilespmem:$0x800] =	vst v3;
	v29 =	vld [tilespmem:$0x380];
	v28 =	vshrl.u32 v54, $0xA;
	v34 =	vshrl.u32 v60, $0xA;
	v35 =	vmul.u32 $0x3E8, v23  }
0x6b: {  	[tilespmem:$0x810] =	vst v4;
	v26 =	vld [tilespmem:$0x370];
	v1 =	vadd.s32 v44, v42;
	v30 =	vmul.u32 $0x3E8, v28;
	v36 =	vmul.u32 $0x3E8, v34  }
0x6c: {  	[tilespmem:$0x830] =	vst v6;
	v25 =	vld [tilespmem:$0x300];
	v0 =	vadd.s32 v41, v19;
	v19 =	vmul.u32 $0x3E8, v59;
	v56 =	vshrl.u32 v43, $0xA  }
0x6d: {  	v32 =	vld [tilespmem:$0x390];
	[tilespmem:$0x8A0] =	vst v13;
	v13 =	vand.u32 $0x3FF, v43;
	v17 =	vadd.s32 v37, v35;
	v48 =	vshrl.u32 v24, $0xA  }
0x6e: {  	[tilespmem:$0x850] =	vst v8;
	v40 =	vld [tilespmem:$0x3B0];
	v52 =	vand.u32 $0x3FF, v24;
	v8 =	vadd.s32 v33, v30;
	v35 =	vand.u32 $0x3FF, v57  }
0x6f: {  	[tilespmem:$0x870] =	vst v10;
	v54 =	vld [tilespmem:$0x3F0];
	v10 =	vadd.s32 v38, v36;
	v42 =	vshrl.u32 v29, $0xA;
	v46 =	vand.u32 $0x3FF, v29  }
0x70: {  	[tilespmem:$0x840] =	vst v7;
	v60 =	vld [tilespmem:$0x400];
	v59 =	vmul.u32 $0x3E8, v56;
	v20 =	vmul.u32 $0x3E8, v48;
	v6 =	vadd.s32 v63, v19  }
0x71: {  	[tilespmem:$0x880] =	vst v11;
	v9 =	vadd.s32 v35, v9;
	v39 =	vshrl.u32 v26, $0xA;
	v44 =	vand.u32 $0x3FF, v26  }
0x72: {  	[tilespmem:$0x890] =	vst v12;
	v12 =	vmul.u32 $0x3E8, v42;
	v51 =	vshrl.u32 v25, $0xA;
	v55 =	vand.u32 $0x3FF, v25  }
0x73: {  	v31 =	vld [tilespmem:$0x430];
	[tilespmem:$0x8B0] =	vst v14;
	v25 =	vmul.u32 $0x3E8, v62;
	v41 =	vmul.u32 $0x3E8, v39;
	v45 =	vshrl.u32 v32, $0xA  }
0x74: {  	[tilespmem:$0x8C0] =	vst v15;
	v37 =	vld [tilespmem:$0x3A0];
	v49 =	vand.u32 $0x3FF, v32;
	v58 =	vand.u32 $0x3FF, v40;
	v63 =	vadd.s32 v13, v59  }
0x75: {  	[tilespmem:$0x8D0] =	vst v16;
	v28 =	vshrl.u32 v54, $0xA;
	v32 =	vand.u32 $0x3FF, v54;
	v33 =	vshrl.u32 v60, $0xA  }
0x76: {  	[tilespmem:$0x8F0] =	vst v18;
	v34 =	vld [tilespmem:$0x440];
	v38 =	vand.u32 $0x3FF, v60;
	v53 =	vmul.u32 $0x3E8, v51;
	v3 =	vadd.s32 v52, v20  }
0x77: {  	[tilespmem:$0x920] =	vst v2;
	v56 =	vld [tilespmem:$0x4A0];
	v47 =	vmul.u32 $0x3E8, v45;
	v12 =	vadd.s32 v46, v12;
	v30 =	vmul.u32 $0x3E8, v28  }
0x78: {  	[tilespmem:$0x950] =	vst v5;
	v48 =	vld [tilespmem:$0x3D0];
	v35 =	vmul.u32 $0x3E8, v33;
	v7 =	vadd.s32 v27, v25;
	v11 =	vadd.s32 v44, v41  }
0x79: {  	[tilespmem:$0x910] =	vst v1;
	v26 =	vld [tilespmem:$0x420];
	v44 =	vshrl.u32 v31, $0xA;
	v4 =	vadd.s32 v55, v53;
	v50 =	vshrl.u32 v37, $0xA  }
0x7a: {  	v21 =	vld [tilespmem:$0x4C0];
	[tilespmem:$0x900] =	vst v0;
	v14 =	vadd.s32 v49, v47;
	v53 =	vshrl.u32 v40, $0xA;
	v55 =	vand.u32 $0x3FF, v37  }
0x7b: {  	v62 =	vld [tilespmem:$0x410];
	[tilespmem:$0x960] =	vst v6;
	v5 =	vadd.s32 v32, v30;
	v6 =	vadd.s32 v38, v35;
	v46 =	vmul.u32 $0x3E8, v44  }
0x7c: {  	[tilespmem:$0x8E0] =	vst v17;
	v42 =	vld [tilespmem:$0x460];
	v47 =	vshrl.u32 v34, $0xA;
	v49 =	vand.u32 $0x3FF, v31;
	v30 =	vand.u32 $0x3FF, v56  }
0x7d: {  	[tilespmem:$0x980] =	vst v8;
	v60 =	vld [tilespmem:$0x4B0];
	v52 =	vmul.u32 $0x3E8, v50;
	v16 =	vmul.u32 $0x3E8, v53;
	v61 =	vshrl.u32 v48, $0xA  }
0x7e: {  	[tilespmem:$0x9A0] =	vst v10;
	v51 =	vld [tilespmem:$0x3E0];
	v27 =	vand.u32 $0x3FF, v48;
	v39 =	vshrl.u32 v26, $0xA;
	v43 =	vand.u32 $0x3FF, v26  }
0x7f: {  	[tilespmem:$0x990] =	vst v9;
	v10 =	vmul.u32 $0x3E8, v47;
	v26 =	vshrl.u32 v56, $0xA;
	v24 =	vmul.u32 $0x3E8, v61  }
0x80: {  	v45 =	vld [tilespmem:$0x470];
	[tilespmem:$0xA00] =	vst v63;
	v36 =	vshrl.u32 v62, $0xA;
	v40 =	vand.u32 $0x3FF, v62;
	v41 =	vmul.u32 $0x3E8, v39  }
0x81: {  	[tilespmem:$0x9B0] =	vst v11;
	v9 =	vadd.s32 v49, v46;
	v61 =	vand.u32 $0x3FF, v42;
	v11 =	vmul.u32 $0x3E8, v26  }
0x82: {  	v19 =	vld [tilespmem:$0x580];
	[tilespmem:$0x930] =	vst v3;
	v33 =	vand.u32 $0x3FF, v60;
	v39 =	vand.u32 $0x3FF, v21;
	v57 =	vadd.s32 v55, v52  }
0x83: {  	[tilespmem:$0x9C0] =	vst v12;
	v37 =	vld [tilespmem:$0x450];
	v1 =	vadd.s32 v58, v16;
	v25 =	vshrl.u32 v51, $0xA;
	v29 =	vand.u32 $0x3FF, v51  }
0x84: {  	[tilespmem:$0x970] =	vst v7;
	v32 =	vld [tilespmem:$0x4F0];
	v13 =	vmul.u32 $0x3E8, v36;
	v51 =	vand.u32 $0x3FF, v34;
	v55 =	vshrl.u32 v42, $0xA  }
0x85: {  	v35 =	vld [tilespmem:$0x500];
	[tilespmem:$0x940] =	vst v4;
	v59 =	vshrl.u32 v45, $0xA;
	v63 =	vand.u32 $0x3FF, v45;
	v34 =	vshrl.u32 v21, $0xA  }
0x86: {  	v48 =	vld [tilespmem:$0x480];
	[tilespmem:$0x9D0] =	vst v14;
	v15 =	vmul.u32 $0x3E8, v25;
	v3 =	vadd.s32 v27, v24;
	v8 =	vadd.s32 v43, v41  }
0x87: {  	v53 =	vld [tilespmem:$0x490];
	[tilespmem:$0xA30] =	vst v5;
	v10 =	vadd.s32 v51, v10;
	v58 =	vmul.u32 $0x3E8, v55;
	v12 =	vmul.u32 $0x3E8, v59  }
0x88: {  	v38 =	vld [tilespmem:$0x510];
	[tilespmem:$0xA40] =	vst v6;
	v5 =	vadd.s32 v30, v11;
	v36 =	vmul.u32 $0x3E8, v34;
	v34 =	vshrl.u32 v19, $0xA  }
0x89: {  	v47 =	vld [tilespmem:$0x530];
	[tilespmem:$0xA70] =	vst v9;
	v7 =	vadd.s32 v40, v13;
	v50 =	vshrl.u32 v37, $0xA;
	v54 =	vand.u32 $0x3FF, v37  }
0x8a: {  	[tilespmem:$0x9E0] =	vst v57;
	v46 =	vshrl.u32 v32, $0xA;
	v4 =	vadd.s32 v29, v15;
	v52 =	vmul.u32 $0x3E8, v50  }
0x8b: {  	[tilespmem:$0x9F0] =	vst v1;
	v62 =	vshrl.u32 v48, $0xA;
	v1 =	vadd.s32 v61, v58;
	v2 =	vadd.s32 v63, v12  }
0x8c: {  	[tilespmem:$0xA10] =	vst v3;
	v22 =	vand.u32 $0x3FF, v48;
	v23 =	vshrl.u32 v53, $0xA;
	v28 =	vand.u32 $0x3FF, v53  }
0x8d: {  	v56 =	vld [tilespmem:$0x550];
	v29 =	vshrl.u32 v60, $0xA;
	[tilespmem:$0xA50] =	vst v7;
	v7 =	vadd.s32 v39, v36;
	v49 =	vmul.u32 $0x3E8, v46  }
0x8e: {  	v24 =	vld [tilespmem:$0x4D0];
	[tilespmem:$0xA60] =	vst v8;
	v50 =	vshrl.u32 v35, $0xA;
	v53 =	vshrl.u32 v38, $0xA;
	v61 =	vshrl.u32 v47, $0xA  }
0x8f: {  	v27 =	vld [tilespmem:$0x4E0];
	[tilespmem:$0xA80] =	vst v10;
	v17 =	vand.u32 $0x3FF, v47;
	v36 =	vmul.u32 $0x3E8, v34;
	v39 =	vand.u32 $0x3FF, v19  }
0x90: {  	v43 =	vld [tilespmem:$0x520];
	[tilespmem:$0xAE0] =	vst v5;
	v20 =	vmul.u32 $0x3E8, v62;
	v25 =	vmul.u32 $0x3E8, v23;
	v31 =	vmul.u32 $0x3E8, v29  }
0x91: {  	v51 =	vld [tilespmem:$0x540];
	[tilespmem:$0xA20] =	vst v4;
	v9 =	vmul.u32 $0x3E8, v50;
	v55 =	vmul.u32 $0x3E8, v53;
	v57 =	vadd.s32 v54, v52  }
0x92: {  	v59 =	vld [tilespmem:$0x560];
	[tilespmem:$0xAA0] =	vst v1;
	v52 =	vand.u32 $0x3FF, v32;
	v54 =	vand.u32 $0x3FF, v35;
	v0 =	vadd.s32 v39, v36  }
0x93: {  	[tilespmem:$0xAB0] =	vst v2;
	v3 =	vadd.s32 v22, v20;
	v4 =	vadd.s32 v28, v25;
	v6 =	vadd.s32 v33, v31  }
0x94: {  	[tilespmem:$0xB00] =	vst v7;
	v37 =	vshrl.u32 v24, $0xA;
	v40 =	vshrl.u32 v27, $0xA;
	v41 =	vand.u32 $0x3FF, v24  }
0x95: {  	[tilespmem:$0xA90] =	vst v57;
	v45 =	vand.u32 $0x3FF, v27;
	v2 =	vadd.s32 v52, v49;
	v57 =	vand.u32 $0x3FF, v38  }
0x96: {  	v46 =	vld [tilespmem:$0x5F0];
	v58 =	vshrl.u32 v43, $0xA;
	v63 =	vand.u32 $0x3FF, v43;
	v16 =	vshrl.u32 v51, $0xA;
	[tilespmem:$0xBC0] =	vst v0  }
0x97: {  	v21 =	vand.u32 $0x3FF, v51;
	v22 =	vshrl.u32 v56, $0xA;
	v26 =	vshrl.u32 v59, $0xA;
	[tilespmem:$0xAC0] =	vst v3  }
0x98: {  	v62 =	vld [tilespmem:$0x570];
	v28 =	vand.u32 $0x3FF, v56;
	v30 =	vand.u32 $0x3FF, v59;
	v8 =	vmul.u32 $0x3E8, v37;
	[tilespmem:$0xAD0] =	vst v4  }
0x99: {  	v23 =	vld [tilespmem:$0x590];
	v42 =	vmul.u32 $0x3E8, v40;
	v3 =	vadd.s32 v54, v9;
	v4 =	vadd.s32 v57, v55;
	[tilespmem:$0xAF0] =	vst v6  }
0x9a: {  	v32 =	vld [tilespmem:$0x5B0];
	v60 =	vmul.u32 $0x3E8, v58;
	v18 =	vmul.u32 $0x3E8, v16;
	v25 =	vmul.u32 $0x3E8, v22;
	[tilespmem:$0xB30] =	vst v2  }
0x9b: {  	v35 =	vld [tilespmem:$0x5C0];
	v7 =	vmul.u32 $0x3E8, v26;
	[tilespmem:$0xB40] =	vst v3;
	v14 =	vand.u32 $0x3FF, v46;
	v44 =	vadd.s32 v41, v8  }
0x9c: {  	[tilespmem:$0xB50] =	vst v4;
	v48 =	vadd.s32 v45, v42;
	v8 =	vmul.u32 $0x3E8, v61;
	v5 =	vadd.s32 v63, v60  }
0x9d: {  	v27 =	vld [tilespmem:$0x5A0];
	v24 =	vadd.s32 v21, v18;
	v29 =	vshrl.u32 v62, $0xA;
	v2 =	vadd.s32 v28, v25;
	[tilespmem:$0xB10] =	vst v44  }
0x9e: {  	v38 =	vld [tilespmem:$0x5D0];
	v3 =	vadd.s32 v30, v7;
	v33 =	vand.u32 $0x3FF, v62;
	v37 =	vshrl.u32 v23, $0xA;
	[tilespmem:$0xB20] =	vst v48  }
0x9f: {  	v43 =	vld [tilespmem:$0x5E0];
	v41 =	vand.u32 $0x3FF, v23;
	v62 =	vshrl.u32 v46, $0xA;
	v31 =	vmul.u32 $0x3E8, v29;
	[tilespmem:$0xB60] =	vst v5  }
0xa0: {  	v6 =	vmul.u32 $0x3E8, v37;
	[tilespmem:$0xB80] =	vst v24;
	v45 =	vshrl.u32 v32, $0xA;
	v48 =	vshrl.u32 v35, $0xA  }
0xa1: {  	v49 =	vld [tilespmem:$0x600];
	[tilespmem:$0xB90] =	vst v2;
	v50 =	vand.u32 $0x3FF, v32;
	v53 =	vand.u32 $0x3FF, v35;
	v20 =	vadd.s32 v17, v8  }
0xa2: {  	[tilespmem:$0xBA0] =	vst v3;
	v40 =	vshrl.u32 v27, $0xA;
	v44 =	vand.u32 $0x3FF, v27;
	v47 =	vmul.u32 $0x3E8, v45  }
0xa3: {  	v55 =	vld [tilespmem:$0x610];
	v5 =	vmul.u32 $0x3E8, v48;
	v51 =	vshrl.u32 v38, $0xA;
	v4 =	vadd.s32 v33, v31;
	[tilespmem:$0xB70] =	vst v20  }
0xa4: {  	v59 =	vld [tilespmem:$0x620];
	v57 =	vand.u32 $0x3FF, v38;
	v58 =	vshrl.u32 v43, $0xA;
	v1 =	vadd.s32 v41, v6;
	[tilespmem:$0xBB0] =	vst v4  }
0xa5: {  	v12 =	vand.u32 $0x3FF, v43;
	v42 =	vmul.u32 $0x3E8, v40;
	v52 =	vadd.s32 v50, v47;
	[tilespmem:$0xBD0] =	vst v1  }
0xa6: {  	v63 =	vld [tilespmem:$0x630];
	v13 =	vshrl.u32 v49, $0xA;
	v54 =	vmul.u32 $0x3E8, v51;
	v56 =	vadd.s32 v53, v5;
	[tilespmem:$0xBF0] =	vst v52  }
0xa7: {  	v16 =	vand.u32 $0x3FF, v49;
	v61 =	vmul.u32 $0x3E8, v58;
	v2 =	vadd.s32 v44, v42;
	[tilespmem:$0xC00] =	vst v56  }
0xa8: {  	v15 =	vmul.u32 $0x3E8, v13;
	v17 =	vshrl.u32 v55, $0xA;
	v60 =	vadd.s32 v57, v54;
	[tilespmem:$0xBE0] =	vst v2  }
0xa9: {  	v20 =	vshrl.u32 v59, $0xA;
	v4 =	vmul.u32 $0x3E8, v62;
	v0 =	vadd.s32 v12, v61;
	[tilespmem:$0xC10] =	vst v60  }
0xaa: {  	v21 =	vand.u32 $0x3FF, v55;
	v19 =	vmul.u32 $0x3E8, v17;
	v18 =	vadd.s32 v16, v15;
	[tilespmem:$0xC20] =	vst v0  }
0xab: {  	v3 =	vmul.u32 $0x3E8, v20;
	v22 =	vshrl.u32 v63, $0xA;
	v1 =	vadd.s32 v14, v4;
	[tilespmem:$0xC40] =	vst v18  }
0xac: {  	v24 =	vand.u32 $0x3FF, v59;
	v23 =	vadd.s32 v21, v19;
	v25 =	vmul.u32 $0x3E8, v22;
	[tilespmem:$0xC30] =	vst v1  }
0xad: {  	s0 =	rddreg [dreg:$0x5];
	v27 =	vand.u32 $0x3FF, v63;
	v26 =	vadd.s32 v24, v3;
	[tilespmem:$0xC50] =	vst v23  }
0xae: {  	s8 =	rddreg [dreg:$0x6];
	[tilespmem:$0xC60] =	vst v26;
	v28 =	vadd.s32 v27, v25  }
0xaf: {  	s9 =	rddreg [dreg:$0x7];
	[tilespmem:$0xC70] =	vst v28  }
0xb0: {  	[tilespmem:s8], [sflag:$0x1] =	stream.indirect.gather [hbm4b:s3+s7], $0x1, s0, s7, $0xb8;
	[tilespmem:$0x16D0] =	vst v63  }
0xb1: {  	s10 =	rddreg [dreg:$0x8]  }
0xb2: {  	[tilespmem:s10], [sflag:$0x1] =	stream.indirect.gather [hbm4b:s3+s7], $0x1, s9, s7, $0xb8;
	[tilespmem:$0x16D0] =	vst v63  }
0xb3: {  	s8 =	rddreg [dreg:$0x9];
	s10 =	simm.s32 $0xD80  }
0xb4: {  	[tilespmem:s10], [sflag:$0x1] =	stream.indirect.gather [hbm4b:s3+s7], $0x1, s8, s7, $0xb8;
	[tilespmem:$0x16D0] =	vst v63  }
0xb5: {  	s9 =	simm.s32 $0xE00;
	s8 =	simm.s32 $0x7C0  }
0xb6: {  	[tilespmem:s9], [sflag:$0x1] =	stream.indirect.gather [hbm4b:s3+s7], $0x1, s8, s7, $0xb8;
	[tilespmem:$0x16D0] =	vst v63  }
0xb7: {  	_ = 	snop  }
0xb8: {  	[tilespmem:s12], [sflag:$0x1] =	stream.indirect.gather [hbm4b:s3+s7], $0x1, s11, s7, $0xb8;
	[tilespmem:$0x16D0] =	vst v63  }
0xb9: {  	_ = 	snop  }
0xba: {  	[tilespmem:s14], [sflag:$0x1] =	stream.indirect.gather [hbm4b:s3+s7], $0x1, s13, s7, $0xb8;
	[tilespmem:$0x16D0] =	vst v63  }
0xbb: {  	_ = 	snop  }
0xbc: {  	[tilespmem:s16], [sflag:$0x1] =	stream.indirect.gather [hbm4b:s3+s7], $0x1, s15, s7, $0xb8;
	[tilespmem:$0x16D0] =	vst v63  }
0xbd: {  	_ = 	snop  }
0xbe: {  	[tilespmem:s18], [sflag:$0x1] =	stream.indirect.gather [hbm4b:s3+s7], $0x1, s17, s7, $0xb8;
	[tilespmem:$0x16D0] =	vst v63  }
0xbf: {  	_ = 	snop  }
0xc0: {  	[tilespmem:s20], [sflag:$0x1] =	stream.indirect.gather [hbm4b:s3+s7], $0x1, s19, s7, $0xb8;
	[tilespmem:$0x16D0] =	vst v63  }
0xc1: {  	_ = 	snop  }
0xc2: {  	[tilespmem:s22], [sflag:$0x1] =	stream.indirect.gather [hbm4b:s3+s7], $0x1, s21, s7, $0xb8;
	[tilespmem:$0x16D0] =	vst v63  }
0xc3: {  	_ = 	snop  }
0xc4: {  	[tilespmem:s24], [sflag:$0x1] =	stream.indirect.gather [hbm4b:s3+s7], $0x1, s23, s7, $0xb8;
	[tilespmem:$0x16D0] =	vst v63  }
0xc5: {  	_ = 	snop  }
0xc6: {  	[tilespmem:s26], [sflag:$0x1] =	stream.indirect.gather [hbm4b:s3+s7], $0x1, s25, s7, $0xb8;
	[tilespmem:$0x16D0] =	vst v63  }
0xc7: {  	_ = 	snop  }
0xc8: {  	[tilespmem:s30], [sflag:$0x1] =	stream.indirect.gather [hbm4b:s3+s28], $0x1, s29, s28, $0xb8;
	[tilespmem:$0x16D0] =	vst v63  }
0xc9: {  	_ =	swait.ge [sflag:s31], $0x80  }
0xca: {  	[sflag:s31] =	ssyncset.done $0x0  }
0xcb: {  	[sflag:s31] =	ssyncadd.s32 $0xFFFFFF80  }
0xcc: {  	_ =	swait.ge [sflag:s31], $0x80  }
0xcd: {  	[sflag:s31] =	ssyncset.done $0x0  }
0xce: {  	[sflag:s31] =	ssyncadd.s32 $0xFFFFFF80  }
0xcf: {  	_ =	swait.ge [sflag:s31], $0x80  }
0xd0: {  	[sflag:s31] =	ssyncset.done $0x0  }
0xd1: {  	[sflag:s31] =	ssyncadd.s32 $0xFFFFFF80  }
0xd2: {  	_ =	swait.ge [sflag:s31], $0x80  }
0xd3: {  	[sflag:s31] =	ssyncset.done $0x0  }
0xd4: {  	[sflag:s31] =	ssyncadd.s32 $0xFFFFFF80  }
0xd5: {  	_ =	swait.ge [sflag:s31], $0x80  }
0xd6: {  	[sflag:s31] =	ssyncset.done $0x0  }
0xd7: {  	[sflag:s31] =	ssyncadd.s32 $0xFFFFFF80  }
0xd8: {  	_ =	swait.ge [sflag:s31], $0x80  }
0xd9: {  	[sflag:s31] =	ssyncset.done $0x0  }
0xda: {  	[sflag:s31] =	ssyncadd.s32 $0xFFFFFF80  }
0xdb: {  	_ =	swait.ge [sflag:s31], $0x80  }
0xdc: {  	[sflag:s31] =	ssyncset.done $0x0  }
0xdd: {  	[sflag:s31] =	ssyncadd.s32 $0xFFFFFF80  }
0xde: {  	_ =	swait.ge [sflag:s31], $0x80  }
0xdf: {  	[sflag:s31] =	ssyncset.done $0x0  }
0xe0: {  	[sflag:s31] =	ssyncadd.s32 $0xFFFFFF80  }
0xe1: {  	_ =	swait.ge [sflag:s31], $0x80  }
0xe2: {  	[sflag:s31] =	ssyncset.done $0x0  }
0xe3: {  	[sflag:s31] =	ssyncadd.s32 $0xFFFFFF80  }
0xe4: {  	_ =	swait.ge [sflag:s31], $0x80  }
0xe5: {  	[sflag:s31] =	ssyncset.done $0x0  }
0xe6: {  	[sflag:s31] =	ssyncadd.s32 $0xFFFFFF80  }
0xe7: {  	_ =	swait.ge [sflag:s31], $0x80  }
0xe8: {  	[sflag:s31] =	ssyncset.done $0x0  }
0xe9: {  	[sflag:s31] =	ssyncadd.s32 $0xFFFFFF80  }
0xea: {  	_ =	swait.ge [sflag:s31], $0x80  }
0xeb: {  	[sflag:s31] =	ssyncset.done $0x0  }
0xec: {  	[sflag:s31] =	ssyncadd.s32 $0xFFFFFF80  }
0xed: {  	_ =	swait.ge [sflag:s31], $0x40  }
0xee: {  	[sflag:s31] =	ssyncset.done $0x0  }
0xef: {  	[sflag:s31] =	ssyncadd.s32 $0xFFFFFFC0  }
0xf0: {  	v29 =	vld [tilespmem:$0x0]  }
0xf1: {  	v30 =	vld [tilespmem:$0x10]  }
0xf2: {  	v31 =	vld [tilespmem:$0x20]  }
0xf3: {  	v32 =	vld [tilespmem:$0x30]  }
0xf4: {  	v50 =	vld [tilespmem:$0xC80]  }
0xf5: {  	v33 =	vld [tilespmem:$0x40]  }
0xf6: {  	v60 =	vld [tilespmem:$0xC90]  }
0xf7: {  	v35 =	vld [tilespmem:$0x50]  }
0xf8: {  	v52 =	vld [tilespmem:$0xCA0]  }
0xf9: {  	v37 =	vld [tilespmem:$0x60]  }
0xfa: {  	v53 =	vld [tilespmem:$0xCB0]  }
0xfb: {  	v39 =	vld [tilespmem:$0x70]  }
0xfc: {  	v54 =	vld [tilespmem:$0xCC0]  }
0xfd: {  	v49 =	vld [tilespmem:$0x80]  }
0xfe: {  	v55 =	vld [tilespmem:$0xCD0]  }
0xff: {  	v62 =	vld [tilespmem:$0x90]  }
0x100: {  	v56 =	vld [tilespmem:$0xCE0]  }
0x101: {  	v8 =	vld [tilespmem:$0xA0]  }
0x102: {  	v57 =	vld [tilespmem:$0xCF0]  }
0x103: {  	v11 =	vld [tilespmem:$0xB0]  }
0x104: {  	v58 =	vld [tilespmem:$0xD00]  }
0x105: {  	v13 =	vld [tilespmem:$0xC0]  }
0x106: {  	v15 =	vld [tilespmem:$0xD0]  }
0x107: {  	v17 =	vld [tilespmem:$0xE0]  }
0x108: {  	v59 =	vld [tilespmem:$0xD30]  }
0x109: {  	v19 =	vld [tilespmem:$0xF0]  }
0x10a: {  	v21 =	vld [tilespmem:$0x100]  }
0x10b: {  	v22 =	vld [tilespmem:$0x110]  }
0x10c: {  	v23 =	vld [tilespmem:$0x120]  }
0x10d: {  	v24 =	vld [tilespmem:$0x130]  }
0x10e: {  	v40 =	vld [tilespmem:$0xD80]  }
0x10f: {  	v5 =	vld [tilespmem:$0x280]  }
0x110: {  	v9 =	vshrl.u32 v62, $0xA;
	v62 =	vld [tilespmem:$0xD10]  }
0x111: {  	v63 =	vshrl.u32 v49, $0xA;
	v49 =	vld [tilespmem:$0xD40]  }
0x112: {  	v34 =	vshrl.u32 v32, $0xA;
	v32 =	vld [tilespmem:$0xD50]  }
0x113: {  	v36 =	vshrl.u32 v33, $0xA;
	v33 =	vld [tilespmem:$0xD60]  }
0x114: {  	v38 =	vshrl.u32 v35, $0xA;
	v35 =	vld [tilespmem:$0xD90]  }
0x115: {  	v0 =	vshrl.u32 v29, $0xA;
	v29 =	vld [tilespmem:$0xDA0]  }
0x116: {  	v3 =	vshrl.u32 v19, $0xA;
	v19 =	vld [tilespmem:$0xDC0]  }
0x117: {  	v1 =	vshrl.u32 v30, $0xA;
	v12 =	vshrl.u32 v8, $0xA;
	v8 =	vld [tilespmem:$0x160]  }
0x118: {  	v2 =	vshrl.u32 v31, $0xA;
	v14 =	vshrl.u32 v11, $0xA;
	v11 =	vld [tilespmem:$0x180]  }
0x119: {  	v16 =	vshrl.u32 v13, $0xA;
	v13 =	vld [tilespmem:$0x1A0]  }
0x11a: {  	v20 =	vshrl.u32 v17, $0xA;
	v17 =	vld [tilespmem:$0x1C0]  }
0x11b: {  	v10 =	vld.idx.msk [tilespmem:v0+s5+$0x0], $0xffff  }
0x11c: {  	v48 =	vshrl.u32 v37, $0xA;
	v51 =	vld.idx.msk [tilespmem:v1+s5+$0x0], $0xffff  }
0x11d: {  	v61 =	vshrl.u32 v39, $0xA;
	v41 =	vld.idx.msk [tilespmem:v2+s5+$0x0], $0xffff  }
0x11e: {  	v42 =	vld.idx.msk [tilespmem:v34+s5+$0x0], $0xffff  }
0x11f: {  	v43 =	vld.idx.msk [tilespmem:v36+s5+$0x0], $0xffff  }
0x120: {  	v44 =	vld.idx.msk [tilespmem:v38+s5+$0x0], $0xffff  }
0x121: {  	v45 =	vld.idx.msk [tilespmem:v48+s5+$0x0], $0xffff  }
0x122: {  	v46 =	vld.idx.msk [tilespmem:v61+s5+$0x0], $0xffff  }
0x123: {  	v47 =	vld.idx.msk [tilespmem:v63+s5+$0x0], $0xffff  }
0x124: {  	v18 =	vshrl.u32 v15, $0xA;
	v48 =	vld.idx.msk [tilespmem:v9+s5+$0x0], $0xffff  }
0x125: {  	v38 =	vld.idx.msk [tilespmem:v12+s5+$0x0], $0xffff  }
0x126: {  	v61 =	vld [tilespmem:$0xD20]  }
0x127: {  	v39 =	vld.idx.msk [tilespmem:v14+s5+$0x0], $0xffff  }
0x128: {  	v31 =	vld.idx.msk [tilespmem:v16+s5+$0x0], $0xffff  }
0x129: {  	v25 =	vld.idx.msk [tilespmem:v18+s5+$0x0], $0xffff  }
0x12a: {  	v37 =	vshrl.u32 v23, $0xA;
	v26 =	vld.idx.msk [tilespmem:v20+s5+$0x0], $0xffff  }
0x12b: {  	v27 =	vld.idx.msk [tilespmem:v3+s5+$0x0], $0xffff  }
0x12c: {  	v34 =	vld [tilespmem:$0xD70]  }
0x12d: {  	v36 =	vld [tilespmem:$0x140]  }
0x12e: {  	v63 =	vld [tilespmem:$0x150]  }
0x12f: {  	v23 =	vld.idx.msk [tilespmem:v37+s5+$0x0], $0xffff  }
0x130: {  	v2 =	vshrl.u32 v22, $0xA;
	v22 =	vld [tilespmem:$0xDB0]  }
0x131: {  	v16 =	vld [tilespmem:$0xDD0]  }
0x132: {  	v5 =	vshrl.u32 v5, $0xA;
	v9 =	vld [tilespmem:$0x170]  }
0x133: {  	v1 =	vshrl.u32 v21, $0xA;
	v12 =	vld [tilespmem:$0x190]  }
0x134: {  	v14 =	vld [tilespmem:$0x1B0]  }
0x135: {  	v3 =	vshrl.u32 v24, $0xA;
	v20 =	vld [tilespmem:$0x1D0]  }
0x136: {  	v0 =	vld [tilespmem:$0x290]  }
0x137: {  	v5 =	vld.idx.msk [tilespmem:v5+s5+$0x0], $0xffff  }
0x138: {  	v28 =	vld.idx.msk [tilespmem:v1+s5+$0x0], $0xffff  }
0x139: {  	v30 =	vld.idx.msk [tilespmem:v2+s5+$0x0], $0xffff  }
0x13a: {  	v21 =	vld.idx.msk [tilespmem:v3+s5+$0x0], $0xffff  }
0x13b: {  	v4 =	vshrl.u32 v12, $0xA;
	v12 =	vld [tilespmem:$0x1E0]  }
0x13c: {  	v7 =	vshrl.u32 v63, $0xA;
	v63 =	vld [tilespmem:$0x1F0]  }
0x13d: {  	[tilespmem:$0x1FFE0] =	vst v5;
	v5 =	vsub.f32 v10, v50;
	v10 =	vld [tilespmem:$0xDF0]  }
0x13e: {  	v41 =	vsub.f32 v41, v52;
	v52 =	vld [tilespmem:$0xE20]  }
0x13f: {  	v6 =	vshrl.u32 v36, $0xA;
	v50 =	vsub.f32 v42, v53;
	v53 =	vld [tilespmem:$0xE40]  }
0x140: {  	v44 =	vsub.f32 v44, v55;
	v55 =	vld [tilespmem:$0xE80]  }
0x141: {  	v1 =	vshrl.u32 v8, $0xA;
	v45 =	vsub.f32 v45, v56;
	v56 =	vld [tilespmem:$0xEA0]  }
0x142: {  	v2 =	vshrl.u32 v9, $0xA;
	v42 =	vld [tilespmem:$0x2A0]  }
0x143: {  	v3 =	vshrl.u32 v11, $0xA;
	v61 =	vsub.f32 v38, v61;
	v38 =	vld [tilespmem:$0xF00]  }
0x144: {  	v18 =	vld.idx.msk [tilespmem:v6+s5+$0x0], $0xffff  }
0x145: {  	v13 =	vshrl.u32 v13, $0xA;
	v15 =	vld.idx.msk [tilespmem:v7+s5+$0x0], $0xffff  }
0x146: {  	v14 =	vshrl.u32 v14, $0xA;
	v36 =	vld.idx.msk [tilespmem:v1+s5+$0x0], $0xffff  }
0x147: {  	v8 =	vshrl.u32 v20, $0xA;
	v37 =	vld.idx.msk [tilespmem:v2+s5+$0x0], $0xffff  }
0x148: {  	v24 =	vld.idx.msk [tilespmem:v3+s5+$0x0], $0xffff  }
0x149: {  	v20 =	vld.idx.msk [tilespmem:v4+s5+$0x0], $0xffff  }
0x14a: {  	v2 =	vshrl.u32 v17, $0xA;
	v11 =	vshrl.u32 v12, $0xA;
	v17 =	vld.idx.msk [tilespmem:v13+s5+$0x0], $0xffff  }
0x14b: {  	v14 =	vld.idx.msk [tilespmem:v14+s5+$0x0], $0xffff;
	v63 =	vshrl.u32 v63, $0xA  }
0x14c: {  	v7 =	vld.idx.msk [tilespmem:v8+s5+$0x0], $0xffff  }
0x14d: {  	v0 =	vshrl.u32 v0, $0xA;
	v1 =	vld [tilespmem:$0x210]  }
0x14e: {  	v6 =	vld [tilespmem:$0x240]  }
0x14f: {  	v9 =	vld.idx.msk [tilespmem:v11+s5+$0x0], $0xffff  }
0x150: {  	v12 =	vld.idx.msk [tilespmem:v63+s5+$0x0], $0xffff  }
0x151: {  	v11 =	vld [tilespmem:$0x200]  }
0x152: {  	v0 =	vld.idx.msk [tilespmem:v0+s5+$0x0], $0xffff  }
0x153: {  	v8 =	vld [tilespmem:$0x250]  }
0x154: {  	v63 =	vld [tilespmem:$0x220]  }
0x155: {  	[tilespmem:$0x1FFB0] =	vst v12;
	v12 =	vld [tilespmem:$0x230]  }
0x156: {  	v13 =	vld.idx.msk [tilespmem:v2+s5+$0x0], $0xffff;
	v2 =	vshrl.u32 v11, $0xA  }
0x157: {  	v1 =	vshrl.u32 v1, $0xA;
	[tilespmem:$0x1FFF0] =	vst v0;
	v0 =	vld [tilespmem:$0xE30]  }
0x158: {  	[tilespmem:$0x1FFA0] =	vst v9;
	v9 =	vld [tilespmem:$0x260]  }
0x159: {  	v3 =	vshrl.u32 v63, $0xA;
	v63 =	vld [tilespmem:$0x270]  }
0x15a: {  	v18 =	vsub.f32 v18, v19;
	v19 =	vld [tilespmem:$0xF70];
	v4 =	vshrl.u32 v12, $0xA  }
0x15b: {  	v12 =	vld.idx.msk [tilespmem:v2+s5+$0x0], $0xffff;
	v2 =	vshrl.u32 v6, $0xA  }
0x15c: {  	v11 =	vld.idx.msk [tilespmem:v1+s5+$0x0], $0xffff;
	v6 =	vshrl.u32 v8, $0xA  }
0x15d: {  	v0 =	vsub.f32 v14, v0;
	v14 =	vld [tilespmem:$0xFC0];
	v1 =	vshrl.u32 v9, $0xA  }
0x15e: {  	v9 =	vld.idx.msk [tilespmem:v3+s5+$0x0], $0xffff;
	v3 =	vshrl.u32 v63, $0xA  }
0x15f: {  	v8 =	vld.idx.msk [tilespmem:v4+s5+$0x0], $0xffff  }
0x160: {  	v63 =	vld.idx.msk [tilespmem:v2+s5+$0x0], $0xffff  }
0x161: {  	v6 =	vld.idx.msk [tilespmem:v6+s5+$0x0], $0xffff  }
0x162: {  	v5 =	vadd.f32 $0.0e+00, v5;
	v1 =	vld.idx.msk [tilespmem:v1+s5+$0x0], $0xffff;
	v2 =	vsub.f32 v51, v60  }
0x163: {  	v4 =	vld.idx.msk [tilespmem:v3+s5+$0x0], $0xffff  }
0x164: {  	v3 =	vld [tilespmem:$0xDE0];
	v5 =	vadd.f32 v2, v5  }
0x165: {  	v51 =	vld [tilespmem:$0xE00]  }
0x166: {  	v60 =	vld [tilespmem:$0xE10];
	v5 =	vadd.f32 v41, v5  }
0x167: {  	v55 =	vsub.f32 v12, v55;
	v12 =	vld [tilespmem:$0xFF0]  }
0x168: {  	v2 =	vld [tilespmem:$0xE70];
	[tilespmem:$0x1FFD0] =	vst v4;
	v4 =	vsub.f32 v43, v54;
	v5 =	vadd.f32 v50, v5  }
0x169: {  	v41 =	vld [tilespmem:$0xEF0]  }
0x16a: {  	[tilespmem:$0x1FFC0] =	vst v1;
	v1 =	vld [tilespmem:$0xE50];
	v5 =	vadd.f32 v4, v5  }
0x16b: {  	v54 =	vld [tilespmem:$0xE60]  }
0x16c: {  	v43 =	vld [tilespmem:$0xED0];
	v5 =	vadd.f32 v44, v5  }
0x16d: {  	v3 =	vsub.f32 v36, v3;
	v36 =	vld [tilespmem:$0xFE0]  }
0x16e: {  	v57 =	vsub.f32 v46, v57;
	v50 =	vld [tilespmem:$0xEB0];
	v5 =	vadd.f32 v45, v5  }
0x16f: {  	v4 =	vld [tilespmem:$0xE90]  }
0x170: {  	v58 =	vsub.f32 v47, v58;
	v44 =	vld [tilespmem:$0xEE0];
	v5 =	vadd.f32 v57, v5  }
0x171: {  	v45 =	vld [tilespmem:$0xEC0]  }
0x172: {  	v57 =	vld [tilespmem:$0x2B0];
	v5 =	vadd.f32 v58, v5;
	v58 =	vsub.f32 v48, v62  }
0x173: {  	v48 =	vld [tilespmem:$0x2C0]  }
0x174: {  	v42 =	vshrl.u32 v42, $0xA;
	v62 =	vsub.f32 v39, v59;
	v39 =	vld [tilespmem:$0xF10];
	v5 =	vadd.f32 v58, v5  }
0x175: {  	v59 =	vsub.f32 v26, v33;
	v26 =	vld [tilespmem:$0xF30]  }
0x176: {  	v58 =	vld [tilespmem:$0x2E0];
	v5 =	vadd.f32 v61, v5  }
0x177: {  	v46 =	vshrl.u32 v57, $0xA;
	v57 =	vld [tilespmem:$0x300]  }
0x178: {  	v61 =	vld [tilespmem:$0x2D0];
	v5 =	vadd.f32 v62, v5;
	v62 =	vsub.f32 v31, v49  }
0x179: {  	v31 =	vld.idx.msk [tilespmem:v42+s5+$0x0], $0xffff  }
0x17a: {  	v32 =	vsub.f32 v25, v32;
	v42 =	vld [tilespmem:$0xF20];
	v5 =	vadd.f32 v62, v5  }
0x17b: {  	v48 =	vshrl.u32 v48, $0xA;
	v47 =	vshrl.u32 v58, $0xA;
	v58 =	vsub.f32 v30, v35;
	v30 =	vld [tilespmem:$0xF50]  }
0x17c: {  	v25 =	vld.idx.msk [tilespmem:v46+s5+$0x0], $0xffff;
	v5 =	vadd.f32 v32, v5  }
0x17d: {  	v62 =	vld [tilespmem:$0x2F0]  }
0x17e: {  	v34 =	vsub.f32 v27, v34;
	v46 =	vld [tilespmem:$0x320];
	v5 =	vadd.f32 v59, v5  }
0x17f: {  	v49 =	vsub.f32 v28, v40;
	v40 =	vshrl.u32 v57, $0xA;
	v57 =	vsub.f32 v37, v10;
	v10 =	vld [tilespmem:$0xF90]  }
0x180: {  	v27 =	vld.idx.msk [tilespmem:v48+s5+$0x0], $0xffff;
	v5 =	vadd.f32 v34, v5  }
0x181: {  	v32 =	vld [tilespmem:$0xF40]  }
0x182: {  	v61 =	vshrl.u32 v61, $0xA;
	v48 =	vld [tilespmem:$0x330];
	v5 =	vadd.f32 v49, v5  }
0x183: {  	v59 =	vshrl.u32 v62, $0xA;
	v62 =	vsub.f32 v23, v29;
	v23 =	vld.idx.msk [tilespmem:v47+s5+$0x0], $0xffff  }
0x184: {  	v29 =	vld [tilespmem:$0xF60];
	v5 =	vadd.f32 v58, v5  }
0x185: {  	v15 =	vsub.f32 v15, v16;
	v16 =	vld.idx.msk [tilespmem:v40+s5+$0x0], $0xffff  }
0x186: {  	v21 =	vsub.f32 v21, v22;
	v40 =	vld [tilespmem:$0x370];
	v5 =	vadd.f32 v62, v5  }
0x187: {  	v28 =	vld.idx.msk [tilespmem:v61+s5+$0x0], $0xffff  }
0x188: {  	v22 =	vshrl.u32 v46, $0xA;
	v61 =	vld [tilespmem:$0x310];
	v5 =	vadd.f32 v21, v5  }
0x189: {  	v34 =	vshrl.u32 v48, $0xA;
	v48 =	vld [tilespmem:$0x380]  }
0x18a: {  	v49 =	vld [tilespmem:$0x340];
	v5 =	vadd.f32 v18, v5  }
0x18b: {  	v33 =	vld.idx.msk [tilespmem:v59+s5+$0x0], $0xffff  }
0x18c: {  	v58 =	vld [tilespmem:$0x350];
	v5 =	vadd.f32 v15, v5  }
0x18d: {  	v22 =	vld.idx.msk [tilespmem:v22+s5+$0x0], $0xffff  }
0x18e: {  	v59 =	vsub.f32 v24, v51;
	v24 =	vld [tilespmem:$0xFA0];
	v3 =	vadd.f32 v3, v5  }
0x18f: {  	v51 =	vld [tilespmem:$0x390]  }
0x190: {  	v47 =	vshrl.u32 v61, $0xA;
	v61 =	vld [tilespmem:$0x360];
	v3 =	vadd.f32 v57, v3  }
0x191: {  	v60 =	vsub.f32 v20, v60;
	v34 =	vld.idx.msk [tilespmem:v34+s5+$0x0], $0xffff  }
0x192: {  	v62 =	vsub.f32 v17, v52;
	v17 =	vld [tilespmem:$0xFB0];
	v3 =	vadd.f32 v59, v3  }
0x193: {  	v52 =	vld [tilespmem:$0x1FFA0]  }
0x194: {  	v35 =	vshrl.u32 v58, $0xA;
	v58 =	vsub.f32 v11, v4;
	v11 =	vld [tilespmem:$0x1000];
	v3 =	vadd.f32 v60, v3  }
0x195: {  	v18 =	vld [tilespmem:$0xF80]  }
0x196: {  	v21 =	vld.idx.msk [tilespmem:v47+s5+$0x0], $0xffff;
	v3 =	vadd.f32 v62, v3  }
0x197: {  	v47 =	vsub.f32 v13, v53;
	v53 =	vld [tilespmem:$0x1FFB0]  }
0x198: {  	v46 =	vshrl.u32 v61, $0xA;
	v61 =	vsub.f32 v8, v50;
	v8 =	vld [tilespmem:$0x1010];
	v0 =	vadd.f32 v0, v3  }
0x199: {  	v1 =	vsub.f32 v7, v1;
	v13 =	vshrl.u32 v48, $0xA;
	v50 =	vld [tilespmem:$0x1FFC0]  }
0x19a: {  	v48 =	vsub.f32 v6, v43;
	v43 =	vld [tilespmem:$0x1030];
	v0 =	vadd.f32 v47, v0  }
0x19b: {  	v15 =	vshrl.u32 v49, $0xA;
	v49 =	vshrl.u32 v40, $0xA;
	v40 =	vld [tilespmem:$0x1020]  }
0x19c: {  	v20 =	vld.idx.msk [tilespmem:v35+s5+$0x0], $0xffff;
	v0 =	vadd.f32 v1, v0;
	v1 =	vsub.f32 v52, v54  }
0x19d: {  	v35 =	vshrl.u32 v51, $0xA;
	v51 =	vld [tilespmem:$0x3F0]  }
0x19e: {  	v4 =	vld.idx.msk [tilespmem:v13+s5+$0x0], $0xffff;
	v0 =	vadd.f32 v1, v0;
	v1 =	vsub.f32 v53, v2  }
0x19f: {  	v57 =	vld [tilespmem:$0x3B0]  }
0x1a0: {  	v5 =	vld.idx.msk [tilespmem:v15+s5+$0x0], $0xffff;
	v0 =	vadd.f32 v1, v0  }
0x1a1: {  	v15 =	vld.idx.msk [tilespmem:v46+s5+$0x0], $0xffff  }
0x1a2: {  	v7 =	vld.idx.msk [tilespmem:v49+s5+$0x0], $0xffff;
	v0 =	vadd.f32 v55, v0  }
0x1a3: {  	v46 =	vld [tilespmem:$0x3D0]  }
0x1a4: {  	v49 =	vld [tilespmem:$0x3E0];
	v59 =	vsub.f32 v9, v56;
	v0 =	vadd.f32 v58, v0  }
0x1a5: {  	v56 =	vld [tilespmem:$0x410]  }
0x1a6: {  	v13 =	vld.idx.msk [tilespmem:v35+s5+$0x0], $0xffff;
	v0 =	vadd.f32 v59, v0  }
0x1a7: {  	v60 =	vld [tilespmem:$0x3C0];
	v62 =	vshrl.u32 v57, $0xA;
	v57 =	vsub.f32 v31, v42  }
0x1a8: {  	v31 =	vld [tilespmem:$0x1060];
	v47 =	vsub.f32 v63, v45;
	v0 =	vadd.f32 v61, v0  }
0x1a9: {  	v52 =	vld [tilespmem:$0x1FFD0]  }
0x1aa: {  	v3 =	vld [tilespmem:$0xFD0];
	v0 =	vadd.f32 v47, v0  }
0x1ab: {  	v53 =	vld [tilespmem:$0x1FFE0]  }
0x1ac: {  	v54 =	vld [tilespmem:$0x3A0];
	v1 =	vsub.f32 v50, v44;
	v0 =	vadd.f32 v48, v0  }
0x1ad: {  	v9 =	vshrl.u32 v60, $0xA;
	v60 =	vsub.f32 v27, v32;
	v55 =	vld [tilespmem:$0x1FFF0]  }
0x1ae: {  	v27 =	vld [tilespmem:$0x1070];
	v0 =	vadd.f32 v1, v0;
	v1 =	vsub.f32 v52, v41  }
0x1af: {  	v32 =	vsub.f32 v13, v8;
	v8 =	vld [tilespmem:$0x1100]  }
0x1b0: {  	v13 =	vld [tilespmem:$0x1110];
	v0 =	vadd.f32 v1, v0;
	v1 =	vsub.f32 v53, v38  }
0x1b1: {  	v37 =	vshrl.u32 v46, $0xA;
	v6 =	vshrl.u32 v49, $0xA;
	v63 =	vsub.f32 v28, v30;
	v30 =	vld [tilespmem:$0x1080]  }
0x1b2: {  	v2 =	vshrl.u32 v54, $0xA;
	v54 =	vld [tilespmem:$0x400];
	v0 =	vadd.f32 v1, v0;
	v1 =	vsub.f32 v55, v39  }
0x1b3: {  	v45 =	vsub.f32 v33, v19;
	v19 =	vld [tilespmem:$0x1090]  }
0x1b4: {  	v35 =	vld.idx.msk [tilespmem:v62+s5+$0x0], $0xffff;
	v0 =	vadd.f32 v1, v0  }
0x1b5: {  	v62 =	vld [tilespmem:$0x430]  }
0x1b6: {  	v37 =	vld.idx.msk [tilespmem:v37+s5+$0x0], $0xffff;
	v58 =	vsub.f32 v25, v26;
	v0 =	vadd.f32 v57, v0  }
0x1b7: {  	v6 =	vld.idx.msk [tilespmem:v6+s5+$0x0], $0xffff;
	v38 =	vshrl.u32 v54, $0xA  }
0x1b8: {  	v9 =	vld.idx.msk [tilespmem:v9+s5+$0x0], $0xffff;
	v44 =	vshrl.u32 v51, $0xA;
	v0 =	vadd.f32 v58, v0  }
0x1b9: {  	v50 =	vld [tilespmem:$0x460]  }
0x1ba: {  	v46 =	vshrl.u32 v62, $0xA;
	v51 =	vsub.f32 v22, v24;
	v22 =	vld [tilespmem:$0x10B0];
	v0 =	vadd.f32 v60, v0  }
0x1bb: {  	v62 =	vld [tilespmem:$0x4A0]  }
0x1bc: {  	v28 =	vld.idx.msk [tilespmem:v38+s5+$0x0], $0xffff;
	v38 =	vsub.f32 v23, v29;
	v0 =	vadd.f32 v63, v0  }
0x1bd: {  	v26 =	vld.idx.msk [tilespmem:v44+s5+$0x0], $0xffff  }
0x1be: {  	v44 =	vld [tilespmem:$0x440];
	v0 =	vadd.f32 v38, v0  }
0x1bf: {  	v49 =	vsub.f32 v21, v10;
	v21 =	vld.idx.msk [tilespmem:v46+s5+$0x0], $0xffff;
	v10 =	vshrl.u32 v50, $0xA  }
0x1c0: {  	v59 =	vld [tilespmem:$0x420];
	v48 =	vsub.f32 v16, v18;
	v0 =	vadd.f32 v45, v0  }
0x1c1: {  	v2 =	vld.idx.msk [tilespmem:v2+s5+$0x0], $0xffff  }
0x1c2: {  	v61 =	vshrl.u32 v56, $0xA;
	v56 =	vld [tilespmem:$0x480];
	v0 =	vadd.f32 v48, v0  }
0x1c3: {  	v47 =	vld [tilespmem:$0x450]  }
0x1c4: {  	v10 =	vld.idx.msk [tilespmem:v10+s5+$0x0], $0xffff;
	v0 =	vadd.f32 v49, v0  }
0x1c5: {  	v46 =	vsub.f32 v26, v27;
	v26 =	vld [tilespmem:$0x1140];
	v25 =	vshrl.u32 v59, $0xA  }
0x1c6: {  	v27 =	vld [tilespmem:$0x1220];
	v54 =	vsub.f32 v34, v17;
	v0 =	vadd.f32 v51, v0  }
0x1c7: {  	v59 =	vld [tilespmem:$0x490]  }
0x1c8: {  	v18 =	vld [tilespmem:$0x10A0];
	v55 =	vsub.f32 v5, v14;
	v0 =	vadd.f32 v54, v0  }
0x1c9: {  	v41 =	vld [tilespmem:$0x1040]  }
0x1ca: {  	v16 =	vld.idx.msk [tilespmem:v25+s5+$0x0], $0xffff;
	v57 =	vsub.f32 v20, v3;
	v0 =	vadd.f32 v55, v0  }
0x1cb: {  	v53 =	vld [tilespmem:$0x470]  }
0x1cc: {  	v52 =	vshrl.u32 v47, $0xA;
	v25 =	vld [tilespmem:$0x4B0];
	v60 =	vsub.f32 v15, v36;
	v0 =	vadd.f32 v57, v0  }
0x1cd: {  	v34 =	vld [tilespmem:$0x4C0]  }
0x1ce: {  	v29 =	vld.idx.msk [tilespmem:v61+s5+$0x0], $0xffff;
	v61 =	vsub.f32 v7, v12;
	v0 =	vadd.f32 v60, v0  }
0x1cf: {  	v33 =	vsub.f32 v2, v40;
	v39 =	vld [tilespmem:$0x1050];
	v40 =	vsub.f32 v9, v41  }
0x1d0: {  	v5 =	vshrl.u32 v56, $0xA;
	v41 =	vld [tilespmem:$0x1120];
	v63 =	vsub.f32 v4, v11;
	v0 =	vadd.f32 v61, v0  }
0x1d1: {  	v14 =	vld.idx.msk [tilespmem:v52+s5+$0x0], $0xffff;
	v23 =	vshrl.u32 v44, $0xA  }
0x1d2: {  	v44 =	vsub.f32 v6, v31;
	v6 =	vld [tilespmem:$0x1130];
	v0 =	vadd.f32 v63, v0  }
0x1d3: {  	v7 =	vshrl.u32 v62, $0xA;
	v62 =	vld [tilespmem:$0x530]  }
0x1d4: {  	v3 =	vld [tilespmem:$0x10D0];
	v0 =	vadd.f32 v32, v0  }
0x1d5: {  	v5 =	vld.idx.msk [tilespmem:v5+s5+$0x0], $0xffff  }
0x1d6: {  	v2 =	vshrl.u32 v34, $0xA;
	v17 =	vld.idx.msk [tilespmem:v23+s5+$0x0], $0xffff;
	v36 =	vsub.f32 v35, v43;
	v0 =	vadd.f32 v33, v0  }
0x1d7: {  	v23 =	vld [tilespmem:$0x10C0]  }
0x1d8: {  	v15 =	vld [tilespmem:$0x10E0];
	v0 =	vadd.f32 v36, v0  }
0x1d9: {  	v7 =	vld.idx.msk [tilespmem:v7+s5+$0x0], $0xffff  }
0x1da: {  	v20 =	vshrl.u32 v25, $0xA;
	v42 =	vsub.f32 v37, v39;
	v43 =	vld [tilespmem:$0x4E0];
	v0 =	vadd.f32 v40, v0  }
0x1db: {  	v2 =	vld.idx.msk [tilespmem:v2+s5+$0x0], $0xffff  }
0x1dc: {  	v24 =	vshrl.u32 v59, $0xA;
	v47 =	vsub.f32 v28, v30;
	v28 =	vld [tilespmem:$0x1180];
	v0 =	vadd.f32 v42, v0  }
0x1dd: {  	v30 =	vld [tilespmem:$0x540]  }
0x1de: {  	v58 =	vshrl.u32 v53, $0xA;
	v35 =	vld [tilespmem:$0x550];
	v0 =	vadd.f32 v44, v0  }
0x1df: {  	v20 =	vld.idx.msk [tilespmem:v20+s5+$0x0], $0xffff  }
0x1e0: {  	v4 =	vld [tilespmem:$0x10F0];
	v0 =	vadd.f32 v46, v0  }
0x1e1: {  	v11 =	vld.idx.msk [tilespmem:v24+s5+$0x0], $0xffff  }
0x1e2: {  	v38 =	vld [tilespmem:$0x4D0];
	v49 =	vsub.f32 v29, v19;
	v0 =	vadd.f32 v47, v0  }
0x1e3: {  	v52 =	vsub.f32 v16, v18;
	v12 =	vld.idx.msk [tilespmem:v58+s5+$0x0], $0xffff  }
0x1e4: {  	v25 =	vshrl.u32 v43, $0xA;
	v59 =	vsub.f32 v17, v23;
	v23 =	vld [tilespmem:$0x1210];
	v0 =	vadd.f32 v49, v0  }
0x1e5: {  	v43 =	vshrl.u32 v35, $0xA;
	v45 =	vld [tilespmem:$0x4F0]  }
0x1e6: {  	v56 =	vsub.f32 v21, v22;
	v48 =	vld [tilespmem:$0x500];
	v0 =	vadd.f32 v52, v0  }
0x1e7: {  	v24 =	vshrl.u32 v38, $0xA;
	v38 =	vld [tilespmem:$0x11A0]  }
0x1e8: {  	v19 =	vld [tilespmem:$0x1150];
	v0 =	vadd.f32 v56, v0  }
0x1e9: {  	v53 =	vld.idx.msk [tilespmem:v25+s5+$0x0], $0xffff  }
0x1ea: {  	v9 =	vld.idx.msk [tilespmem:v43+s5+$0x0], $0xffff;
	v50 =	vshrl.u32 v45, $0xA;
	v63 =	vsub.f32 v14, v3;
	v0 =	vadd.f32 v59, v0  }
0x1eb: {  	v45 =	vsub.f32 v20, v6;
	v20 =	vld [tilespmem:$0x1200]  }
0x1ec: {  	v29 =	vsub.f32 v10, v15;
	v51 =	vld [tilespmem:$0x510];
	v0 =	vadd.f32 v63, v0  }
0x1ed: {  	v54 =	vld [tilespmem:$0x1160]  }
0x1ee: {  	v24 =	vld.idx.msk [tilespmem:v24+s5+$0x0], $0xffff;
	v32 =	vsub.f32 v12, v4;
	v0 =	vadd.f32 v29, v0  }
0x1ef: {  	v55 =	vshrl.u32 v48, $0xA;
	v58 =	vld.idx.msk [tilespmem:v50+s5+$0x0], $0xffff  }
0x1f0: {  	v57 =	vld [tilespmem:$0x520];
	v36 =	vsub.f32 v5, v8;
	v0 =	vadd.f32 v32, v0  }
0x1f1: {  	v39 =	vsub.f32 v11, v13;
	v60 =	vld [tilespmem:$0x1170]  }
0x1f2: {  	v53 =	vsub.f32 v53, v54;
	v54 =	vld [tilespmem:$0x11E0];
	v61 =	vshrl.u32 v51, $0xA;
	v0 =	vadd.f32 v36, v0  }
0x1f3: {  	v50 =	vsub.f32 v24, v19;
	v24 =	vld [tilespmem:$0x5D0]  }
0x1f4: {  	v34 =	vshrl.u32 v62, $0xA;
	v41 =	vsub.f32 v7, v41;
	v25 =	vld.idx.msk [tilespmem:v55+s5+$0x0], $0xffff;
	v0 =	vadd.f32 v39, v0  }
0x1f5: {  	v51 =	vld [tilespmem:$0x11D0]  }
0x1f6: {  	v21 =	vshrl.u32 v57, $0xA;
	v55 =	vsub.f32 v58, v60;
	v60 =	vld [tilespmem:$0x11F0];
	v0 =	vadd.f32 v41, v0  }
0x1f7: {  	v31 =	vld.idx.msk [tilespmem:v61+s5+$0x0], $0xffff  }
0x1f8: {  	v48 =	vsub.f32 v2, v26;
	v33 =	vld [tilespmem:$0x1190];
	v0 =	vadd.f32 v45, v0  }
0x1f9: {  	v12 =	vld.idx.msk [tilespmem:v34+s5+$0x0], $0xffff  }
0x1fa: {  	v34 =	vld [tilespmem:$0x1240];
	v0 =	vadd.f32 v48, v0  }
0x1fb: {  	v10 =	vshrl.u32 v30, $0xA;
	v37 =	vld.idx.msk [tilespmem:v21+s5+$0x0], $0xffff  }
0x1fc: {  	v40 =	vld [tilespmem:$0x560];
	v0 =	vadd.f32 v50, v0  }
0x1fd: {  	v61 =	vsub.f32 v31, v33;
	v31 =	vld [tilespmem:$0x1230]  }
0x1fe: {  	v44 =	vld [tilespmem:$0x570];
	v0 =	vadd.f32 v53, v0  }
0x1ff: {  	v42 =	vld [tilespmem:$0x11B0]  }
0x200: {  	v57 =	vsub.f32 v25, v28;
	v46 =	vld.idx.msk [tilespmem:v10+s5+$0x0], $0xffff;
	v0 =	vadd.f32 v55, v0  }
0x201: {  	v11 =	vshrl.u32 v40, $0xA;
	v49 =	vld [tilespmem:$0x580]  }
0x202: {  	v47 =	vld [tilespmem:$0x11C0];
	v0 =	vadd.f32 v57, v0  }
0x203: {  	v13 =	vshrl.u32 v44, $0xA;
	v52 =	vld [tilespmem:$0x590]  }
0x204: {  	v17 =	vsub.f32 v37, v38;
	v33 =	vld [tilespmem:$0x5F0];
	v0 =	vadd.f32 v61, v0  }
0x205: {  	v56 =	vld [tilespmem:$0x5A0]  }
0x206: {  	v22 =	vsub.f32 v12, v42;
	v11 =	vld.idx.msk [tilespmem:v11+s5+$0x0], $0xffff;
	v2 =	vshrl.u32 v49, $0xA;
	v0 =	vadd.f32 v17, v0  }
0x207: {  	v59 =	vld [tilespmem:$0x5B0]  }
0x208: {  	v25 =	vsub.f32 v46, v47;
	v13 =	vld.idx.msk [tilespmem:v13+s5+$0x0], $0xffff;
	v58 =	vshrl.u32 v52, $0xA;
	v0 =	vadd.f32 v22, v0  }
0x209: {  	v63 =	vld [tilespmem:$0x5C0]  }
0x20a: {  	v28 =	vsub.f32 v9, v51;
	v37 =	vld [tilespmem:$0x600];
	v62 =	vshrl.u32 v56, $0xA;
	v0 =	vadd.f32 v25, v0  }
0x20b: {  	v2 =	vld.idx.msk [tilespmem:v2+s5+$0x0], $0xffff  }
0x20c: {  	v30 =	vsub.f32 v11, v54;
	v29 =	vld [tilespmem:$0x5E0];
	v21 =	vshrl.u32 v59, $0xA;
	v0 =	vadd.f32 v28, v0  }
0x20d: {  	v12 =	vshrl.u32 v24, $0xA;
	v3 =	vld.idx.msk [tilespmem:v58+s5+$0x0], $0xffff  }
0x20e: {  	v40 =	vld [tilespmem:$0x610];
	v32 =	vsub.f32 v13, v60;
	v26 =	vshrl.u32 v63, $0xA;
	v0 =	vadd.f32 v30, v0  }
0x20f: {  	v4 =	vld.idx.msk [tilespmem:v62+s5+$0x0], $0xffff  }
0x210: {  	v44 =	vld [tilespmem:$0x620];
	v35 =	vsub.f32 v2, v20;
	v0 =	vadd.f32 v32, v0  }
0x211: {  	v8 =	vld.idx.msk [tilespmem:v21+s5+$0x0], $0xffff  }
0x212: {  	v38 =	vld.idx.msk [tilespmem:v12+s5+$0x0], $0xffff;
	v36 =	vshrl.u32 v29, $0xA;
	v39 =	vsub.f32 v3, v23;
	v0 =	vadd.f32 v35, v0  }
0x213: {  	v42 =	vshrl.u32 v33, $0xA;
	v6 =	vld.idx.msk [tilespmem:v26+s5+$0x0], $0xffff  }
0x214: {  	v46 =	vld [tilespmem:$0x630];
	v43 =	vsub.f32 v4, v27;
	v0 =	vadd.f32 v39, v0  }
0x215: {  	v5 =	vshrl.u32 v37, $0xA;
	v41 =	vld [tilespmem:$0x1250]  }
0x216: {  	v47 =	vld [tilespmem:$0x1260];
	v45 =	vsub.f32 v8, v31;
	v0 =	vadd.f32 v43, v0  }
0x217: {  	v3 =	vshrl.u32 v40, $0xA;
	v2 =	vld.idx.msk [tilespmem:v36+s5+$0x0], $0xffff  }
0x218: {  	v49 =	vld.idx.msk [tilespmem:v42+s5+$0x0], $0xffff;
	v48 =	vsub.f32 v6, v34;
	v0 =	vadd.f32 v45, v0  }
0x219: {  	v4 =	vshrl.u32 v44, $0xA;
	v50 =	vld [tilespmem:$0x1270]  }
0x21a: {  	v5 =	vld.idx.msk [tilespmem:v5+s5+$0x0], $0xffff;
	v51 =	vsub.f32 v38, v41;
	v0 =	vadd.f32 v48, v0  }
0x21b: {  	v52 =	vld [tilespmem:$0x1280]  }
0x21c: {  	v8 =	vshrl.u32 v46, $0xA;
	v54 =	vld.idx.msk [tilespmem:v3+s5+$0x0], $0xffff;
	v53 =	vsub.f32 v2, v47;
	v0 =	vadd.f32 v51, v0  }
0x21d: {  	v55 =	vld [tilespmem:$0x1290]  }
0x21e: {  	v4 =	vld.idx.msk [tilespmem:v4+s5+$0x0], $0xffff;
	v56 =	vsub.f32 v49, v50;
	v0 =	vadd.f32 v53, v0  }
0x21f: {  	v57 =	vld [tilespmem:$0x12A0]  }
0x220: {  	v58 =	vsub.f32 v5, v52;
	v60 =	vld [tilespmem:$0x12B0];
	v0 =	vadd.f32 v56, v0  }
0x221: {  	v59 =	vld.idx.msk [tilespmem:v8+s5+$0x0], $0xffff  }
0x222: {  	v61 =	vsub.f32 v54, v55;
	v0 =	vadd.f32 v58, v0;
	_ =	sdelay $0x1  }
0x223: {  	v62 =	vsub.f32 v4, v57;
	v0 =	vadd.f32 v61, v0;
	_ =	sdelay $0x1  }
0x224: {  	v63 =	vsub.f32 v59, v60;
	v0 =	vadd.f32 v62, v0;
	_ =	sdelay $0x1  }
0x225: {  	v0 =	vadd.f32 v63, v0  }
0x226: {  	p0 =	sne.s32 s4, $0x1  }
.Ltmp0:
0x227: {  	s10 =	rddreg [dreg:$0x4];
	[tilespmem:$0x16C0] =	vst v0;
	(pc) =	sbr.rel @p0 .LBB2_1-.Ltmp0, $4  }
0x228: {  	[hbm4b:s10+s2] =	stream.linear.scatter [tilespmem:s1], [sflag:$0x2], $0x10, $0x38;
	[tilespmem:$0x16D0] =	vst v63  }
0x229: {  	_ =	swait.ge [sflag:s6], $0x10  }
0x22a: {  	[sflag:s6] =	ssyncset.done $0x0  }
0x22b: {  	s4 =	sadd.s32 $0xFFFFFFFF, s4;
	[sflag:s6] =	ssyncadd.s32 $0xFFFFFFF0  }
0x22c: {  	_ =	sfence.sel $0x180000  }
0x22d: {  	[bflag:$0x0] =	sbarrier.arrive $0xFFFF  }
0x22e: {  	_ =	strace $0x90000047  }
0x22f: {  	s0 =	stileid.u32;
	[bflag:$0x2] =	sbarrier.arrive $0xFFFF  }
0x230: {  	p0 =	sne.s32 s0, $0x0;
	s0 =	rddreg [dreg:$0x1]  }
0x231: {  	s0 =	sadd.s32 @!p0 $0x100000, s0  }
0x232: {  	[sflag:s0] =	ssyncadd.tile.s32 @!p0 $0x1;
	_ =	shalt  }
.Lfunc_end2:
_tile_overlayer_lowered:
.L_overlay_start_2:
0x233: {  	(tag) =	ssettag $0x2  }
0x234: {  	s0 =	rddreg [dreg:$0x0];
	s2 =	stileid.u32  }
0x235: {  	s1 =	rddreg [dreg:$0x1];
	p0 =	sne.s32 s2, $0x0  }
0x236: {  	s3 =	rddreg [dreg:$0x2];
	[bflag:$0x3] =	sbarrier.arrive $0xFFFF;
	s2 =	simm.s32 @!p0 $0x1C02  }
0x237: {  	[timem:s3], [sflag:s2] =	dma.local @!p0 [hbm:s0], s1  }
0x238: {  	s0 =	simm.s32 @!p0 $0x2  }
0x239: {  	_ =	swait.ge @!p0 [sflag:s0], s1  }
0x23a: {  	s1 =	ssub.s32 @!p0 $0x0, s1;
	[sflag:s0] =	ssyncset.done @!p0 $0x0  }
0x23b: {  	[sflag:s0] =	ssyncadd.s32 @!p0 s1  }
0x23c: {  	[bflag:$0x3] =	sbarrier.arrive $0xFFFF  }
0x23d: {  	_ =	shalt  }

</sc_bundles>
